<compile_context>
chip_gen: v7x
topology: tpu7x:2x2x1
jax: 0.10.2.dev20260603
libtpu: 0.0.44.dev20260713+nightly
codegen_flags: <defaults>
</compile_context>

<pallas_src>
import dataclasses
import functools

import jax
import jax.numpy as jnp
from jax import lax
from jax.experimental import pallas as pl
from jax.experimental.pallas import tpu as pltpu
from jax.experimental.pallas import tpu_sc as plsc

NC = 2
NS = 16
L = 16
CHUNK = 128
ACHUNK = 128
ASLAB = 16


def _sc_mesh():
    return plsc.VectorSubcoreMesh(core_axis_name="c", subcore_axis_name="s")


def _sc_params():
    cp = pltpu.CompilerParams()
    if "needs_layout_passes" in pltpu.CompilerParams.__dataclass_fields__:
        cp = dataclasses.replace(cp, needs_layout_passes=False)
    return cp


def _deg_kernel(n, epw, brows):

    @functools.partial(
        pl.kernel,
        out_type=jax.ShapeDtypeStruct((NC, brows, 128), jnp.float32),
        mesh=_sc_mesh(),
        scratch_types=[
            pltpu.VMEM((epw,), jnp.int32),
            pltpu.VMEM((brows, 128), jnp.float32),
            pltpu.VMEM((brows,), jnp.int32),
            pltpu.VMEM_SHARED((brows, 128), jnp.float32),
        ],
        compiler_params=_sc_params(),
    )
    def deg_kernel(src_hbm, zer_hbm, iota_hbm, deg_out, idx_v, hist_v, iota_v,
                   acc):
        cid = lax.axis_index("c")
        sid = lax.axis_index("s")
        wid = cid * NS + sid

        @pl.when(sid < brows // 8)
        def _():
            pltpu.sync_copy(zer_hbm.at[pl.ds(0, 8), :],
                            acc.at[pl.ds(sid * 8, 8), :])

        pltpu.sync_copy(zer_hbm, hist_v)
        pltpu.sync_copy(iota_hbm, iota_v)
        pltpu.sync_copy(src_hbm.at[pl.ds(wid * epw, epw)], idx_v)
        ones16 = jnp.ones((16,), jnp.float32)

        @pl.loop(0, epw, step=16)
        def _(i):
            ix = idx_v[pl.ds(i, 16)]
            r = lax.shift_right_logical(ix, 7)
            c = lax.bitwise_and(ix, 127)
            plsc.addupdate_scatter(hist_v, [r, c], ones16)

        plsc.subcore_barrier()
        pltpu.sync_copy(hist_v, acc.at[iota_v], add=True)
        plsc.subcore_barrier()

        @pl.when(sid == 0)
        def _():
            pltpu.sync_copy(acc, deg_out.at[cid])

    return deg_kernel


def _agg_kernel(n, d, rows_per_w, zrows, racc):

    hrows = ASLAB
    nslab = rows_per_w // hrows

    @functools.partial(
        pl.kernel,
        out_type=jax.ShapeDtypeStruct((NC, n, d), jnp.float32),
        mesh=_sc_mesh(),
        scratch_types=[
            pltpu.VMEM((hrows, ACHUNK), jnp.int32),
            pltpu.VMEM((hrows, ACHUNK), jnp.int32),
            pltpu.VMEM((ACHUNK, d), jnp.float32),
            pltpu.VMEM((ACHUNK, d), jnp.float32),
            pltpu.VMEM_SHARED((racc, d), jnp.float32),
            pltpu.SemaphoreType.DMA,
            pltpu.SemaphoreType.DMA,
        ],
    )
    def agg_kernel(y_hbm, src_hbm, dst_hbm, zer_hbm, s_out, si_v, di_v,
                   rows_a, rows_b, acc, sem_a, sem_b):
        cid = lax.axis_index("c")
        sid = lax.axis_index("s")
        wid = cid * NS + sid
        pltpu.sync_copy(zer_hbm, acc.at[pl.ds(sid * zrows, zrows), :])
        plsc.subcore_barrier()

        for h in range(nslab):
            row0 = wid * rows_per_w + h * hrows
            pltpu.sync_copy(src_hbm.at[pl.ds(row0, hrows), :], si_v)
            pltpu.sync_copy(dst_hbm.at[pl.ds(row0, hrows), :], di_v)

            pltpu.async_copy(y_hbm.at[si_v.at[0]], rows_a, sem_a)

            @pl.loop(0, hrows // 2)
            def _(g):
                j = 2 * g
                pltpu.async_copy(y_hbm.at[si_v.at[j + 1]], rows_b, sem_b)
                pltpu.make_async_copy(y_hbm.at[si_v.at[j]], rows_a, sem_a).wait()
                pltpu.sync_copy(rows_a, acc.at[di_v.at[j]], add=True)
                jn = jnp.minimum(j + 2, hrows - 1)
                pltpu.async_copy(y_hbm.at[si_v.at[jn]], rows_a, sem_a)
                pltpu.make_async_copy(y_hbm.at[si_v.at[j + 1]], rows_b, sem_b).wait()
                pltpu.sync_copy(rows_b, acc.at[di_v.at[j + 1]], add=True)

            pltpu.make_async_copy(y_hbm.at[si_v.at[0]], rows_a, sem_a).wait()

        plsc.subcore_barrier()
        base = (n // (NS * 8)) * 8
        rem = n - base * NS
        pltpu.sync_copy(
            acc.at[pl.ds(sid * base, base), :],
            s_out.at[cid, pl.ds(sid * base, base), :],
        )
        if rem:
            @pl.when(sid == 0)
            def _():
                pltpu.sync_copy(
                    acc.at[pl.ds(base * NS, rem), :],
                    s_out.at[cid, pl.ds(base * NS, rem), :],
                )

    return agg_kernel


def _scale_body(x_ref, d0_ref, d1_ref, y_ref):
    deg = d0_ref[...] + d1_ref[...]
    r = lax.rsqrt(jnp.maximum(deg, 1.0))
    y_ref[...] = x_ref[...] * r


def _final_body(x_ref, s0_ref, s1_ref, d0_ref, d1_ref, w1_ref, w2_ref, o_ref):
    deg = d0_ref[...] + d1_ref[...]
    r = lax.rsqrt(jnp.maximum(deg, 1.0))
    t = (s0_ref[...] + s1_ref[...]) * r
    xv = x_ref[...]
    e = jnp.dot(xv + t, w1_ref[...], preferred_element_type=jnp.float32)
    e = e + jnp.dot(t * xv, w2_ref[...], preferred_element_type=jnp.float32)
    o_ref[...] = jnp.where(e >= 0, e, 0.01 * e)


@jax.jit
def kernel(x, edge_index, W1, W2):
    n, d = x.shape
    e = edge_index.shape[1]
    nw = NC * NS
    epw = 8 * pl.cdiv(e, nw * 8)
    brows = 8 * pl.cdiv(n + 1, 128 * 8)
    rows_agg = 8 * pl.cdiv(pl.cdiv(e, ACHUNK), nw * 8)
    pad_deg = epw * nw - e
    pad_agg = rows_agg * nw * ACHUNK - e
    zrows = 8 * pl.cdiv(n + 1, NS * 8)
    racc = zrows * NS
    sinks = racc - n

    src = edge_index[0]
    dst = edge_index[1]
    cyc_d = jnp.arange(pad_deg, dtype=jnp.int32)
    cyc_a = jnp.arange(pad_agg, dtype=jnp.int32)
    src_deg = jnp.concatenate([src, n + cyc_d % (brows * 128 - n)])
    src_agg = jnp.concatenate([src, n + cyc_a % 8]).reshape(-1, ACHUNK)
    dst2d = jnp.concatenate([dst, n + cyc_a % sinks]).reshape(-1, ACHUNK)

    zer_d = jnp.zeros((zrows, d), jnp.float32)
    zer_b = jnp.zeros((brows, 128), jnp.float32)
    iota_b = jnp.arange(brows, dtype=jnp.int32)

    deg2 = _deg_kernel(n, epw, brows)(src_deg, zer_b, iota_b)
    degf = deg2.reshape(NC, brows * 128)
    d0 = degf[0, :n, None]
    d1 = degf[1, :n, None]

    bn = 1000
    grid = (n // bn,)
    y = pl.pallas_call(
        _scale_body,
        grid=grid,
        in_specs=[
            pl.BlockSpec((bn, d), lambda i: (i, 0)),
            pl.BlockSpec((bn, 1), lambda i: (i, 0)),
            pl.BlockSpec((bn, 1), lambda i: (i, 0)),
        ],
        out_specs=pl.BlockSpec((bn, d), lambda i: (i, 0)),
        out_shape=jax.ShapeDtypeStruct((n + 8, d), jnp.float32),
    )(x, d0, d1)

    s2 = _agg_kernel(n, d, rows_agg, zrows, racc)(y, src_agg, dst2d, zer_d)

    out = pl.pallas_call(
        _final_body,
        grid=grid,
        in_specs=[
            pl.BlockSpec((bn, d), lambda i: (i, 0)),
            pl.BlockSpec((bn, d), lambda i: (i, 0)),
            pl.BlockSpec((bn, d), lambda i: (i, 0)),
            pl.BlockSpec((bn, 1), lambda i: (i, 0)),
            pl.BlockSpec((bn, 1), lambda i: (i, 0)),
            pl.BlockSpec((d, d), lambda i: (0, 0)),
            pl.BlockSpec((d, d), lambda i: (0, 0)),
        ],
        out_specs=pl.BlockSpec((bn, d), lambda i: (i, 0)),
        out_shape=jax.ShapeDtypeStruct((n, d), jnp.float32),
    )(x, s2[0], s2[1], d0, d1, W1, W2)
    return out

# --- scband reference (transcript-rebuilt; emitter-appended) ---
"""Pipeline reference for scband-ngcfconv-34419867910501 (READ-ONLY COPY).

The authoritative reference and input builder live on the scoring server;
editing this copy changes nothing except your own understanding.
"""

import jax, jax.numpy as jnp
import numpy as np

N = 10000
E = 320000
D = 128


def setup_inputs(seed: int = 0) -> dict:
    key = jax.random.key(seed)
    kx, ke, k1, k2 = jax.random.split(key, 4)
    x = jax.random.normal(kx, (N, D), dtype=jnp.float32)
    edge_index = jax.random.randint(ke, (2, E), 0, N, dtype=jnp.int32)
    # xavier_uniform init for weight1/weight2, shape (in_feats, out_feats)
    limit = float(np.sqrt(6.0 / (D + D)))
    W1 = jax.random.uniform(k1, (D, D), minval=-limit, maxval=limit, dtype=jnp.float32)
    W2 = jax.random.uniform(k2, (D, D), minval=-limit, maxval=limit, dtype=jnp.float32)
    return {"x": x, "edge_index": edge_index, "W1": W1, "W2": W2}


def reference(x, edge_index, W1, W2):
    # NGCFConv forward (DGL update_all translated to gather/scatter):
    # deg = out_degrees(node) clamped to min 1
    # per-edge msg = (x_src @ W1 + (x_src * x_dst) @ W2) / sqrt(deg_src * deg_dst)
    # embed = x @ W1 + scatter_add(msg -> dst); then LeakyReLU
    src = edge_index[0]
    dst = edge_index[1]
    n = x.shape[0]
    deg = jnp.zeros((n,), dtype=jnp.float32).at[src].add(1.0)
    deg = jnp.clip(deg, 1.0)
    xs = jnp.take(x, src, axis=0)
    xd = jnp.take(x, dst, axis=0)
    interaction1 = xs @ W1
    interaction2 = (xs * xd) @ W2
    msg = interaction1 + interaction2
    weight_decay = (jnp.take(deg, src) ** 0.5) * (jnp.take(deg, dst) ** 0.5)
    msg = msg / weight_decay[:, None]
    agg = jnp.zeros((n, W1.shape[1]), dtype=msg.dtype).at[dst].add(msg)
    embed = x @ W1 + agg
    return jax.nn.leaky_relu(embed, negative_slope=0.01)

if __name__ == "__main__":
    import jax
    _d = setup_inputs()
    print(jax.jit(kernel)(*tuple(_d.values())))

</pallas_src>

<mosaic_0001>
#map = affine_map<(d0, d1) -> (0, 0)>
#map1 = affine_map<(d0, d1) -> (0, 0, 0)>
module attributes {stable_mosaic.version = 14 : i64} {
  func.func @agg_kernel(%arg0: i32, %arg1: i32, %arg2: memref<10008x128xf32, #tpu.memory_space<hbm>>, %arg3: memref<2560x128xi32, #tpu.memory_space<hbm>>, %arg4: memref<2560x128xi32, #tpu.memory_space<hbm>>, %arg5: memref<632x128xf32, #tpu.memory_space<hbm>>, %arg6: memref<2x10000x128xf32, #tpu.memory_space<hbm>>, %arg7: memref<16x128xi32, #tpu.memory_space<vmem>>, %arg8: memref<16x128xi32, #tpu.memory_space<vmem>>, %arg9: memref<128x128xf32, #tpu.memory_space<vmem>>, %arg10: memref<128x128xf32, #tpu.memory_space<vmem>>, %arg11: memref<10112x128xf32, #tpu.memory_space<vmem_shared>>, %arg12: memref<!tpu.dma_semaphore, #tpu.memory_space<semaphore_mem>>, %arg13: memref<!tpu.dma_semaphore, #tpu.memory_space<semaphore_mem>>) attributes {dimension_semantics = [#tpu.dimension_semantics<core_parallel>, #tpu.dimension_semantics<subcore_parallel>], iteration_bounds = array<i64: 2, 16>, scalar_prefetch = 0 : i64, scratch_operands = 7 : i64, tpu.core_type = #tpu.core_type<sc_vector_subcore>, window_params = [{transform_indices = #map}, {transform_indices = #map}, {transform_indices = #map}, {transform_indices = #map}, {transform_indices = #map1}]} {
    %mul3A = arith.constant 16 : i32
    %mul3A_0 = arith.muli %arg0, %mul3A : i32
    %add3A = arith.addi %mul3A_0, %arg1 : i32
    %mul3A_1 = arith.constant 632 : i32
    %mul3A_2 = arith.muli %arg1, %mul3A_1 : i32
    "tpu.region"() ({
      %run_scoped3A = tpu.sem_alloc : memref<!tpu.dma_semaphore, #tpu.memory_space<semaphore_mem>>
      %dma_start3A_122 = arith.constant 0 : i32
      %dma_start3A_123 = tpu.memref_slice %arg11[%mul3A_2, %dma_start3A_122] : memref<10112x128xf32, #tpu.memory_space<vmem_shared>> -> memref<632x128xf32, #tpu.memory_space<vmem_shared>>
      tpu.enqueue_dma source(%arg5 : memref<632x128xf32, #tpu.memory_space<hbm>>) target(%dma_start3A_123 : memref<632x128xf32, #tpu.memory_space<vmem_shared>>) target_semaphore(%run_scoped3A : memref<!tpu.dma_semaphore, #tpu.memory_space<semaphore_mem>>)
      %dma_wait3A_124 = arith.constant 0 : i32
      %dma_wait3A_125 = tpu.memref_slice %arg11[%mul3A_2, %dma_wait3A_124] : memref<10112x128xf32, #tpu.memory_space<vmem_shared>> -> memref<632x128xf32, #tpu.memory_space<vmem_shared>>
      tpu.wait_dma2 semaphore(%run_scoped3A : memref<!tpu.dma_semaphore, #tpu.memory_space<semaphore_mem>>) src(%arg5 : memref<632x128xf32, #tpu.memory_space<hbm>>) dst(%dma_wait3A_125 : memref<632x128xf32, #tpu.memory_space<vmem_shared>>)
      tpu.yield
    }) : () -> ()
    %barrier3A = arith.constant 0 : index
    tpu.barrier barrier_id(%barrier3A)
    %mul3A_3 = arith.constant 80 : i32
    %mul3A_4 = arith.muli %add3A, %mul3A_3 : i32
    %add3A_5 = arith.constant 0 : i32
    %add3A_6 = arith.addi %mul3A_4, %add3A_5 : i32
    "tpu.region"() ({
      %run_scoped3A = tpu.sem_alloc : memref<!tpu.dma_semaphore, #tpu.memory_space<semaphore_mem>>
      %dma_start3A_122 = arith.constant 0 : i32
      %dma_start3A_123 = tpu.memref_slice %arg3[%add3A_6, %dma_start3A_122] : memref<2560x128xi32, #tpu.memory_space<hbm>> -> memref<16x128xi32, #tpu.memory_space<hbm>>
      %dma_start3A_124 = arith.constant 0 : i32
      %dma_start3A_125 = tpu.memref_slice %arg3[%add3A_6, %dma_start3A_124] : memref<2560x128xi32, #tpu.memory_space<hbm>> -> memref<16x128xi32, #tpu.memory_space<hbm>>
      tpu.enqueue_dma source(%dma_start3A_125 : memref<16x128xi32, #tpu.memory_space<hbm>>) target(%arg7 : memref<16x128xi32, #tpu.memory_space<vmem>>) target_semaphore(%run_scoped3A : memref<!tpu.dma_semaphore, #tpu.memory_space<semaphore_mem>>)
      %dma_wait3A_126 = arith.constant 0 : i32
      %dma_wait3A_127 = tpu.memref_slice %arg3[%add3A_6, %dma_wait3A_126] : memref<2560x128xi32, #tpu.memory_space<hbm>> -> memref<16x128xi32, #tpu.memory_space<hbm>>
      %dma_wait3A_128 = arith.constant 0 : i32
      %dma_wait3A_129 = tpu.memref_slice %arg3[%add3A_6, %dma_wait3A_128] : memref<2560x128xi32, #tpu.memory_space<hbm>> -> memref<16x128xi32, #tpu.memory_space<hbm>>
      tpu.wait_dma2 semaphore(%run_scoped3A : memref<!tpu.dma_semaphore, #tpu.memory_space<semaphore_mem>>) src(%dma_wait3A_129 : memref<16x128xi32, #tpu.memory_space<hbm>>) dst(%arg7 : memref<16x128xi32, #tpu.memory_space<vmem>>)
      tpu.yield
    }) : () -> ()
    "tpu.region"() ({
      %run_scoped3A = tpu.sem_alloc : memref<!tpu.dma_semaphore, #tpu.memory_space<semaphore_mem>>
      %dma_start3A_122 = arith.constant 0 : i32
      %dma_start3A_123 = tpu.memref_slice %arg4[%add3A_6, %dma_start3A_122] : memref<2560x128xi32, #tpu.memory_space<hbm>> -> memref<16x128xi32, #tpu.memory_space<hbm>>
      %dma_start3A_124 = arith.constant 0 : i32
      %dma_start3A_125 = tpu.memref_slice %arg4[%add3A_6, %dma_start3A_124] : memref<2560x128xi32, #tpu.memory_space<hbm>> -> memref<16x128xi32, #tpu.memory_space<hbm>>
      tpu.enqueue_dma source(%dma_start3A_125 : memref<16x128xi32, #tpu.memory_space<hbm>>) target(%arg8 : memref<16x128xi32, #tpu.memory_space<vmem>>) target_semaphore(%run_scoped3A : memref<!tpu.dma_semaphore, #tpu.memory_space<semaphore_mem>>)
      %dma_wait3A_126 = arith.constant 0 : i32
      %dma_wait3A_127 = tpu.memref_slice %arg4[%add3A_6, %dma_wait3A_126] : memref<2560x128xi32, #tpu.memory_space<hbm>> -> memref<16x128xi32, #tpu.memory_space<hbm>>
      %dma_wait3A_128 = arith.constant 0 : i32
      %dma_wait3A_129 = tpu.memref_slice %arg4[%add3A_6, %dma_wait3A_128] : memref<2560x128xi32, #tpu.memory_space<hbm>> -> memref<16x128xi32, #tpu.memory_space<hbm>>
      tpu.wait_dma2 semaphore(%run_scoped3A : memref<!tpu.dma_semaphore, #tpu.memory_space<semaphore_mem>>) src(%dma_wait3A_129 : memref<16x128xi32, #tpu.memory_space<hbm>>) dst(%arg8 : memref<16x128xi32, #tpu.memory_space<vmem>>)
      tpu.yield
    }) : () -> ()
    %dma_start3A = arith.constant 0 : i32
    %dma_start3A_7 = arith.constant 0 : i32
    %dma_start3A_8 = tpu.memref_slice %arg7[%dma_start3A, %dma_start3A_7] : memref<16x128xi32, #tpu.memory_space<vmem>> -> memref<1x128xi32, #tpu.memory_space<vmem>>
    %dma_start3A_9 = tpu.memref_squeeze %dma_start3A_8 : memref<1x128xi32, #tpu.memory_space<vmem>> -> memref<128xi32, #tpu.memory_space<vmem>>
    %dma_start3A_10 = arith.constant 0 : i32
    %dma_start3A_11 = arith.constant 0 : i32
    %dma_start3A_12 = tpu.memref_slice %arg2[%dma_start3A_10, %dma_start3A_11] : memref<10008x128xf32, #tpu.memory_space<hbm>> -> memref<10008x128xf32, #tpu.memory_space<hbm>>
    tpu.enqueue_indirect_dma source(%dma_start3A_12 : memref<10008x128xf32, #tpu.memory_space<hbm>>) target(%arg9 : memref<128x128xf32, #tpu.memory_space<vmem>>) offsets(%dma_start3A_9 : memref<128xi32, #tpu.memory_space<vmem>>) semaphore(%arg12 : memref<!tpu.dma_semaphore, #tpu.memory_space<semaphore_mem>>)
    %scan3A = arith.constant 0 : i32
    %scan3A_13 = arith.constant 8 : i32
    %scan3A_14 = arith.addi %scan3A, %scan3A_13 : i32
    %scan3A_15 = arith.constant 1 : i32
    scf.for %scan3A_122 = %scan3A to %scan3A_14 step %scan3A_15  : i32 {
      %mul3A_123 = arith.constant 1 : i32
      %mul3A_124 = arith.muli %scan3A_122, %mul3A_123 : i32
      %add3A_125 = arith.constant 0 : i32
      %add3A_126 = arith.addi %add3A_125, %mul3A_124 : i32
      %mul3A_127 = arith.constant 2 : i32
      %mul3A_128 = arith.muli %mul3A_127, %add3A_126 : i32
      %add3A_129 = arith.constant 1 : i32
      %add3A_130 = arith.addi %mul3A_128, %add3A_129 : i32
      %dma_start3A_131 = arith.constant 0 : i32
      %dma_start3A_132 = tpu.memref_slice %arg7[%add3A_130, %dma_start3A_131] : memref<16x128xi32, #tpu.memory_space<vmem>> -> memref<1x128xi32, #tpu.memory_space<vmem>>
      %dma_start3A_133 = tpu.memref_squeeze %dma_start3A_132 : memref<1x128xi32, #tpu.memory_space<vmem>> -> memref<128xi32, #tpu.memory_space<vmem>>
      %dma_start3A_134 = arith.constant 0 : i32
      %dma_start3A_135 = arith.constant 0 : i32
      %dma_start3A_136 = tpu.memref_slice %arg2[%dma_start3A_134, %dma_start3A_135] : memref<10008x128xf32, #tpu.memory_space<hbm>> -> memref<10008x128xf32, #tpu.memory_space<hbm>>
      tpu.enqueue_indirect_dma source(%dma_start3A_136 : memref<10008x128xf32, #tpu.memory_space<hbm>>) target(%arg10 : memref<128x128xf32, #tpu.memory_space<vmem>>) offsets(%dma_start3A_133 : memref<128xi32, #tpu.memory_space<vmem>>) semaphore(%arg13 : memref<!tpu.dma_semaphore, #tpu.memory_space<semaphore_mem>>)
      %dma_wait3A_137 = arith.constant 0 : i32
      %dma_wait3A_138 = tpu.memref_slice %arg7[%mul3A_128, %dma_wait3A_137] : memref<16x128xi32, #tpu.memory_space<vmem>> -> memref<1x128xi32, #tpu.memory_space<vmem>>
      %dma_wait3A_139 = tpu.memref_squeeze %dma_wait3A_138 : memref<1x128xi32, #tpu.memory_space<vmem>> -> memref<128xi32, #tpu.memory_space<vmem>>
      %dma_wait3A_140 = arith.constant 0 : i32
      %dma_wait3A_141 = arith.constant 0 : i32
      %dma_wait3A_142 = tpu.memref_slice %arg2[%dma_wait3A_140, %dma_wait3A_141] : memref<10008x128xf32, #tpu.memory_space<hbm>> -> memref<10008x128xf32, #tpu.memory_space<hbm>>
      tpu.wait_indirect_dma semaphore(%arg12 : memref<!tpu.dma_semaphore, #tpu.memory_space<semaphore_mem>>) src(%dma_wait3A_142 : memref<10008x128xf32, #tpu.memory_space<hbm>>) dst(%arg9 : memref<128x128xf32, #tpu.memory_space<vmem>>)
      "tpu.region"() ({
        %run_scoped3A = tpu.sem_alloc : memref<!tpu.dma_semaphore, #tpu.memory_space<semaphore_mem>>
        %dma_start3A_162 = arith.constant 0 : i32
        %dma_start3A_163 = tpu.memref_slice %arg8[%mul3A_128, %dma_start3A_162] : memref<16x128xi32, #tpu.memory_space<vmem>> -> memref<1x128xi32, #tpu.memory_space<vmem>>
        %dma_start3A_164 = tpu.memref_squeeze %dma_start3A_163 : memref<1x128xi32, #tpu.memory_space<vmem>> -> memref<128xi32, #tpu.memory_space<vmem>>
        %dma_start3A_165 = arith.constant 0 : i32
        %dma_start3A_166 = arith.constant 0 : i32
        %dma_start3A_167 = tpu.memref_slice %arg11[%dma_start3A_165, %dma_start3A_166] : memref<10112x128xf32, #tpu.memory_space<vmem_shared>> -> memref<10112x128xf32, #tpu.memory_space<vmem_shared>>
        tpu.enqueue_indirect_dma source(%arg9 : memref<128x128xf32, #tpu.memory_space<vmem>>) target(%dma_start3A_167 : memref<10112x128xf32, #tpu.memory_space<vmem_shared>>) offsets(%dma_start3A_164 : memref<128xi32, #tpu.memory_space<vmem>>) semaphore(%run_scoped3A : memref<!tpu.dma_semaphore, #tpu.memory_space<semaphore_mem>>) {add = true}
        %dma_wait3A_168 = arith.constant 0 : i32
        %dma_wait3A_169 = tpu.memref_slice %arg8[%mul3A_128, %dma_wait3A_168] : memref<16x128xi32, #tpu.memory_space<vmem>> -> memref<1x128xi32, #tpu.memory_space<vmem>>
        %dma_wait3A_170 = tpu.memref_squeeze %dma_wait3A_169 : memref<1x128xi32, #tpu.memory_space<vmem>> -> memref<128xi32, #tpu.memory_space<vmem>>
        %dma_wait3A_171 = arith.constant 0 : i32
        %dma_wait3A_172 = arith.constant 0 : i32
        %dma_wait3A_173 = tpu.memref_slice %arg11[%dma_wait3A_171, %dma_wait3A_172] : memref<10112x128xf32, #tpu.memory_space<vmem_shared>> -> memref<10112x128xf32, #tpu.memory_space<vmem_shared>>
        tpu.wait_indirect_dma semaphore(%run_scoped3A : memref<!tpu.dma_semaphore, #tpu.memory_space<semaphore_mem>>) src(%arg9 : memref<128x128xf32, #tpu.memory_space<vmem>>) dst(%dma_wait3A_173 : memref<10112x128xf32, #tpu.memory_space<vmem_shared>>)
        tpu.yield
      }) : () -> ()
      %add3A_143 = arith.constant 2 : i32
      %add3A_144 = arith.addi %mul3A_128, %add3A_143 : i32
      %min3A = arith.constant 15 : i32
      %min3A_145 = arith.minsi %add3A_144, %min3A : i32
      %dma_start3A_146 = arith.constant 0 : i32
      %dma_start3A_147 = tpu.memref_slice %arg7[%min3A_145, %dma_start3A_146] : memref<16x128xi32, #tpu.memory_space<vmem>> -> memref<1x128xi32, #tpu.memory_space<vmem>>
      %dma_start3A_148 = tpu.memref_squeeze %dma_start3A_147 : memref<1x128xi32, #tpu.memory_space<vmem>> -> memref<128xi32, #tpu.memory_space<vmem>>
      %dma_start3A_149 = arith.constant 0 : i32
      %dma_start3A_150 = arith.constant 0 : i32
      %dma_start3A_151 = tpu.memref_slice %arg2[%dma_start3A_149, %dma_start3A_150] : memref<10008x128xf32, #tpu.memory_space<hbm>> -> memref<10008x128xf32, #tpu.memory_space<hbm>>
      tpu.enqueue_indirect_dma source(%dma_start3A_151 : memref<10008x128xf32, #tpu.memory_space<hbm>>) target(%arg9 : memref<128x128xf32, #tpu.memory_space<vmem>>) offsets(%dma_start3A_148 : memref<128xi32, #tpu.memory_space<vmem>>) semaphore(%arg12 : memref<!tpu.dma_semaphore, #tpu.memory_space<semaphore_mem>>)
      %add3A_152 = arith.constant 1 : i32
      %add3A_153 = arith.addi %mul3A_128, %add3A_152 : i32
      %dma_wait3A_154 = arith.constant 0 : i32
      %dma_wait3A_155 = tpu.memref_slice %arg7[%add3A_153, %dma_wait3A_154] : memref<16x128xi32, #tpu.memory_space<vmem>> -> memref<1x128xi32, #tpu.memory_space<vmem>>
      %dma_wait3A_156 = tpu.memref_squeeze %dma_wait3A_155 : memref<1x128xi32, #tpu.memory_space<vmem>> -> memref<128xi32, #tpu.memory_space<vmem>>
      %dma_wait3A_157 = arith.constant 0 : i32
      %dma_wait3A_158 = arith.constant 0 : i32
      %dma_wait3A_159 = tpu.memref_slice %arg2[%dma_wait3A_157, %dma_wait3A_158] : memref<10008x128xf32, #tpu.memory_space<hbm>> -> memref<10008x128xf32, #tpu.memory_space<hbm>>
      tpu.wait_indirect_dma semaphore(%arg13 : memref<!tpu.dma_semaphore, #tpu.memory_space<semaphore_mem>>) src(%dma_wait3A_159 : memref<10008x128xf32, #tpu.memory_space<hbm>>) dst(%arg10 : memref<128x128xf32, #tpu.memory_space<vmem>>)
      %add3A_160 = arith.constant 1 : i32
      %add3A_161 = arith.addi %mul3A_128, %add3A_160 : i32
      "tpu.region"() ({
        %run_scoped3A = tpu.sem_alloc : memref<!tpu.dma_semaphore, #tpu.memory_space<semaphore_mem>>
        %dma_start3A_162 = arith.constant 0 : i32
        %dma_start3A_163 = tpu.memref_slice %arg8[%add3A_161, %dma_start3A_162] : memref<16x128xi32, #tpu.memory_space<vmem>> -> memref<1x128xi32, #tpu.memory_space<vmem>>
        %dma_start3A_164 = tpu.memref_squeeze %dma_start3A_163 : memref<1x128xi32, #tpu.memory_space<vmem>> -> memref<128xi32, #tpu.memory_space<vmem>>
        %dma_start3A_165 = arith.constant 0 : i32
        %dma_start3A_166 = arith.constant 0 : i32
        %dma_start3A_167 = tpu.memref_slice %arg11[%dma_start3A_165, %dma_start3A_166] : memref<10112x128xf32, #tpu.memory_space<vmem_shared>> -> memref<10112x128xf32, #tpu.memory_space<vmem_shared>>
        tpu.enqueue_indirect_dma source(%arg10 : memref<128x128xf32, #tpu.memory_space<vmem>>) target(%dma_start3A_167 : memref<10112x128xf32, #tpu.memory_space<vmem_shared>>) offsets(%dma_start3A_164 : memref<128xi32, #tpu.memory_space<vmem>>) semaphore(%run_scoped3A : memref<!tpu.dma_semaphore, #tpu.memory_space<semaphore_mem>>) {add = true}
        %dma_wait3A_168 = arith.constant 0 : i32
        %dma_wait3A_169 = tpu.memref_slice %arg8[%add3A_161, %dma_wait3A_168] : memref<16x128xi32, #tpu.memory_space<vmem>> -> memref<1x128xi32, #tpu.memory_space<vmem>>
        %dma_wait3A_170 = tpu.memref_squeeze %dma_wait3A_169 : memref<1x128xi32, #tpu.memory_space<vmem>> -> memref<128xi32, #tpu.memory_space<vmem>>
        %dma_wait3A_171 = arith.constant 0 : i32
        %dma_wait3A_172 = arith.constant 0 : i32
        %dma_wait3A_173 = tpu.memref_slice %arg11[%dma_wait3A_171, %dma_wait3A_172] : memref<10112x128xf32, #tpu.memory_space<vmem_shared>> -> memref<10112x128xf32, #tpu.memory_space<vmem_shared>>
        tpu.wait_indirect_dma semaphore(%run_scoped3A : memref<!tpu.dma_semaphore, #tpu.memory_space<semaphore_mem>>) src(%arg10 : memref<128x128xf32, #tpu.memory_space<vmem>>) dst(%dma_wait3A_173 : memref<10112x128xf32, #tpu.memory_space<vmem_shared>>)
        tpu.yield
      }) : () -> ()
    }
    %scan3A_16 = arith.constant 8 : i32
    %dma_wait3A = arith.constant 0 : i32
    %dma_wait3A_17 = arith.constant 0 : i32
    %dma_wait3A_18 = tpu.memref_slice %arg7[%dma_wait3A, %dma_wait3A_17] : memref<16x128xi32, #tpu.memory_space<vmem>> -> memref<1x128xi32, #tpu.memory_space<vmem>>
    %dma_wait3A_19 = tpu.memref_squeeze %dma_wait3A_18 : memref<1x128xi32, #tpu.memory_space<vmem>> -> memref<128xi32, #tpu.memory_space<vmem>>
    %dma_wait3A_20 = arith.constant 0 : i32
    %dma_wait3A_21 = arith.constant 0 : i32
    %dma_wait3A_22 = tpu.memref_slice %arg2[%dma_wait3A_20, %dma_wait3A_21] : memref<10008x128xf32, #tpu.memory_space<hbm>> -> memref<10008x128xf32, #tpu.memory_space<hbm>>
    tpu.wait_indirect_dma semaphore(%arg12 : memref<!tpu.dma_semaphore, #tpu.memory_space<semaphore_mem>>) src(%dma_wait3A_22 : memref<10008x128xf32, #tpu.memory_space<hbm>>) dst(%arg9 : memref<128x128xf32, #tpu.memory_space<vmem>>)
    %mul3A_23 = arith.constant 80 : i32
    %mul3A_24 = arith.muli %add3A, %mul3A_23 : i32
    %add3A_25 = arith.constant 16 : i32
    %add3A_26 = arith.addi %mul3A_24, %add3A_25 : i32
    "tpu.region"() ({
      %run_scoped3A = tpu.sem_alloc : memref<!tpu.dma_semaphore, #tpu.memory_space<semaphore_mem>>
      %dma_start3A_122 = arith.constant 0 : i32
      %dma_start3A_123 = tpu.memref_slice %arg3[%add3A_26, %dma_start3A_122] : memref<2560x128xi32, #tpu.memory_space<hbm>> -> memref<16x128xi32, #tpu.memory_space<hbm>>
      %dma_start3A_124 = arith.constant 0 : i32
      %dma_start3A_125 = tpu.memref_slice %arg3[%add3A_26, %dma_start3A_124] : memref<2560x128xi32, #tpu.memory_space<hbm>> -> memref<16x128xi32, #tpu.memory_space<hbm>>
      tpu.enqueue_dma source(%dma_start3A_125 : memref<16x128xi32, #tpu.memory_space<hbm>>) target(%arg7 : memref<16x128xi32, #tpu.memory_space<vmem>>) target_semaphore(%run_scoped3A : memref<!tpu.dma_semaphore, #tpu.memory_space<semaphore_mem>>)
      %dma_wait3A_126 = arith.constant 0 : i32
      %dma_wait3A_127 = tpu.memref_slice %arg3[%add3A_26, %dma_wait3A_126] : memref<2560x128xi32, #tpu.memory_space<hbm>> -> memref<16x128xi32, #tpu.memory_space<hbm>>
      %dma_wait3A_128 = arith.constant 0 : i32
      %dma_wait3A_129 = tpu.memref_slice %arg3[%add3A_26, %dma_wait3A_128] : memref<2560x128xi32, #tpu.memory_space<hbm>> -> memref<16x128xi32, #tpu.memory_space<hbm>>
      tpu.wait_dma2 semaphore(%run_scoped3A : memref<!tpu.dma_semaphore, #tpu.memory_space<semaphore_mem>>) src(%dma_wait3A_129 : memref<16x128xi32, #tpu.memory_space<hbm>>) dst(%arg7 : memref<16x128xi32, #tpu.memory_space<vmem>>)
      tpu.yield
    }) : () -> ()
    "tpu.region"() ({
      %run_scoped3A = tpu.sem_alloc : memref<!tpu.dma_semaphore, #tpu.memory_space<semaphore_mem>>
      %dma_start3A_122 = arith.constant 0 : i32
      %dma_start3A_123 = tpu.memref_slice %arg4[%add3A_26, %dma_start3A_122] : memref<2560x128xi32, #tpu.memory_space<hbm>> -> memref<16x128xi32, #tpu.memory_space<hbm>>
      %dma_start3A_124 = arith.constant 0 : i32
      %dma_start3A_125 = tpu.memref_slice %arg4[%add3A_26, %dma_start3A_124] : memref<2560x128xi32, #tpu.memory_space<hbm>> -> memref<16x128xi32, #tpu.memory_space<hbm>>
      tpu.enqueue_dma source(%dma_start3A_125 : memref<16x128xi32, #tpu.memory_space<hbm>>) target(%arg8 : memref<16x128xi32, #tpu.memory_space<vmem>>) target_semaphore(%run_scoped3A : memref<!tpu.dma_semaphore, #tpu.memory_space<semaphore_mem>>)
      %dma_wait3A_126 = arith.constant 0 : i32
      %dma_wait3A_127 = tpu.memref_slice %arg4[%add3A_26, %dma_wait3A_126] : memref<2560x128xi32, #tpu.memory_space<hbm>> -> memref<16x128xi32, #tpu.memory_space<hbm>>
      %dma_wait3A_128 = arith.constant 0 : i32
      %dma_wait3A_129 = tpu.memref_slice %arg4[%add3A_26, %dma_wait3A_128] : memref<2560x128xi32, #tpu.memory_space<hbm>> -> memref<16x128xi32, #tpu.memory_space<hbm>>
      tpu.wait_dma2 semaphore(%run_scoped3A : memref<!tpu.dma_semaphore, #tpu.memory_space<semaphore_mem>>) src(%dma_wait3A_129 : memref<16x128xi32, #tpu.memory_space<hbm>>) dst(%arg8 : memref<16x128xi32, #tpu.memory_space<vmem>>)
      tpu.yield
    }) : () -> ()
    %dma_start3A_27 = arith.constant 0 : i32
    %dma_start3A_28 = arith.constant 0 : i32
    %dma_start3A_29 = tpu.memref_slice %arg7[%dma_start3A_27, %dma_start3A_28] : memref<16x128xi32, #tpu.memory_space<vmem>> -> memref<1x128xi32, #tpu.memory_space<vmem>>
    %dma_start3A_30 = tpu.memref_squeeze %dma_start3A_29 : memref<1x128xi32, #tpu.memory_space<vmem>> -> memref<128xi32, #tpu.memory_space<vmem>>
    %dma_start3A_31 = arith.constant 0 : i32
    %dma_start3A_32 = arith.constant 0 : i32
    %dma_start3A_33 = tpu.memref_slice %arg2[%dma_start3A_31, %dma_start3A_32] : memref<10008x128xf32, #tpu.memory_space<hbm>> -> memref<10008x128xf32, #tpu.memory_space<hbm>>
    tpu.enqueue_indirect_dma source(%dma_start3A_33 : memref<10008x128xf32, #tpu.memory_space<hbm>>) target(%arg9 : memref<128x128xf32, #tpu.memory_space<vmem>>) offsets(%dma_start3A_30 : memref<128xi32, #tpu.memory_space<vmem>>) semaphore(%arg12 : memref<!tpu.dma_semaphore, #tpu.memory_space<semaphore_mem>>)
    %scan3A_34 = arith.constant 0 : i32
    %scan3A_35 = arith.constant 8 : i32
    %scan3A_36 = arith.addi %scan3A_34, %scan3A_35 : i32
    %scan3A_37 = arith.constant 1 : i32
    scf.for %scan3A_122 = %scan3A_34 to %scan3A_36 step %scan3A_37  : i32 {
      %mul3A_123 = arith.constant 1 : i32
      %mul3A_124 = arith.muli %scan3A_122, %mul3A_123 : i32
      %add3A_125 = arith.constant 0 : i32
      %add3A_126 = arith.addi %add3A_125, %mul3A_124 : i32
      %mul3A_127 = arith.constant 2 : i32
      %mul3A_128 = arith.muli %mul3A_127, %add3A_126 : i32
      %add3A_129 = arith.constant 1 : i32
      %add3A_130 = arith.addi %mul3A_128, %add3A_129 : i32
      %dma_start3A_131 = arith.constant 0 : i32
      %dma_start3A_132 = tpu.memref_slice %arg7[%add3A_130, %dma_start3A_131] : memref<16x128xi32, #tpu.memory_space<vmem>> -> memref<1x128xi32, #tpu.memory_space<vmem>>
      %dma_start3A_133 = tpu.memref_squeeze %dma_start3A_132 : memref<1x128xi32, #tpu.memory_space<vmem>> -> memref<128xi32, #tpu.memory_space<vmem>>
      %dma_start3A_134 = arith.constant 0 : i32
      %dma_start3A_135 = arith.constant 0 : i32
      %dma_start3A_136 = tpu.memref_slice %arg2[%dma_start3A_134, %dma_start3A_135] : memref<10008x128xf32, #tpu.memory_space<hbm>> -> memref<10008x128xf32, #tpu.memory_space<hbm>>
      tpu.enqueue_indirect_dma source(%dma_start3A_136 : memref<10008x128xf32, #tpu.memory_space<hbm>>) target(%arg10 : memref<128x128xf32, #tpu.memory_space<vmem>>) offsets(%dma_start3A_133 : memref<128xi32, #tpu.memory_space<vmem>>) semaphore(%arg13 : memref<!tpu.dma_semaphore, #tpu.memory_space<semaphore_mem>>)
      %dma_wait3A_137 = arith.constant 0 : i32
      %dma_wait3A_138 = tpu.memref_slice %arg7[%mul3A_128, %dma_wait3A_137] : memref<16x128xi32, #tpu.memory_space<vmem>> -> memref<1x128xi32, #tpu.memory_space<vmem>>
      %dma_wait3A_139 = tpu.memref_squeeze %dma_wait3A_138 : memref<1x128xi32, #tpu.memory_space<vmem>> -> memref<128xi32, #tpu.memory_space<vmem>>
      %dma_wait3A_140 = arith.constant 0 : i32
      %dma_wait3A_141 = arith.constant 0 : i32
      %dma_wait3A_142 = tpu.memref_slice %arg2[%dma_wait3A_140, %dma_wait3A_141] : memref<10008x128xf32, #tpu.memory_space<hbm>> -> memref<10008x128xf32, #tpu.memory_space<hbm>>
      tpu.wait_indirect_dma semaphore(%arg12 : memref<!tpu.dma_semaphore, #tpu.memory_space<semaphore_mem>>) src(%dma_wait3A_142 : memref<10008x128xf32, #tpu.memory_space<hbm>>) dst(%arg9 : memref<128x128xf32, #tpu.memory_space<vmem>>)
      "tpu.region"() ({
        %run_scoped3A = tpu.sem_alloc : memref<!tpu.dma_semaphore, #tpu.memory_space<semaphore_mem>>
        %dma_start3A_162 = arith.constant 0 : i32
        %dma_start3A_163 = tpu.memref_slice %arg8[%mul3A_128, %dma_start3A_162] : memref<16x128xi32, #tpu.memory_space<vmem>> -> memref<1x128xi32, #tpu.memory_space<vmem>>
        %dma_start3A_164 = tpu.memref_squeeze %dma_start3A_163 : memref<1x128xi32, #tpu.memory_space<vmem>> -> memref<128xi32, #tpu.memory_space<vmem>>
        %dma_start3A_165 = arith.constant 0 : i32
        %dma_start3A_166 = arith.constant 0 : i32
        %dma_start3A_167 = tpu.memref_slice %arg11[%dma_start3A_165, %dma_start3A_166] : memref<10112x128xf32, #tpu.memory_space<vmem_shared>> -> memref<10112x128xf32, #tpu.memory_space<vmem_shared>>
        tpu.enqueue_indirect_dma source(%arg9 : memref<128x128xf32, #tpu.memory_space<vmem>>) target(%dma_start3A_167 : memref<10112x128xf32, #tpu.memory_space<vmem_shared>>) offsets(%dma_start3A_164 : memref<128xi32, #tpu.memory_space<vmem>>) semaphore(%run_scoped3A : memref<!tpu.dma_semaphore, #tpu.memory_space<semaphore_mem>>) {add = true}
        %dma_wait3A_168 = arith.constant 0 : i32
        %dma_wait3A_169 = tpu.memref_slice %arg8[%mul3A_128, %dma_wait3A_168] : memref<16x128xi32, #tpu.memory_space<vmem>> -> memref<1x128xi32, #tpu.memory_space<vmem>>
        %dma_wait3A_170 = tpu.memref_squeeze %dma_wait3A_169 : memref<1x128xi32, #tpu.memory_space<vmem>> -> memref<128xi32, #tpu.memory_space<vmem>>
        %dma_wait3A_171 = arith.constant 0 : i32
        %dma_wait3A_172 = arith.constant 0 : i32
        %dma_wait3A_173 = tpu.memref_slice %arg11[%dma_wait3A_171, %dma_wait3A_172] : memref<10112x128xf32, #tpu.memory_space<vmem_shared>> -> memref<10112x128xf32, #tpu.memory_space<vmem_shared>>
        tpu.wait_indirect_dma semaphore(%run_scoped3A : memref<!tpu.dma_semaphore, #tpu.memory_space<semaphore_mem>>) src(%arg9 : memref<128x128xf32, #tpu.memory_space<vmem>>) dst(%dma_wait3A_173 : memref<10112x128xf32, #tpu.memory_space<vmem_shared>>)
        tpu.yield
      }) : () -> ()
      %add3A_143 = arith.constant 2 : i32
      %add3A_144 = arith.addi %mul3A_128, %add3A_143 : i32
      %min3A = arith.constant 15 : i32
      %min3A_145 = arith.minsi %add3A_144, %min3A : i32
      %dma_start3A_146 = arith.constant 0 : i32
      %dma_start3A_147 = tpu.memref_slice %arg7[%min3A_145, %dma_start3A_146] : memref<16x128xi32, #tpu.memory_space<vmem>> -> memref<1x128xi32, #tpu.memory_space<vmem>>
      %dma_start3A_148 = tpu.memref_squeeze %dma_start3A_147 : memref<1x128xi32, #tpu.memory_space<vmem>> -> memref<128xi32, #tpu.memory_space<vmem>>
      %dma_start3A_149 = arith.constant 0 : i32
      %dma_start3A_150 = arith.constant 0 : i32
      %dma_start3A_151 = tpu.memref_slice %arg2[%dma_start3A_149, %dma_start3A_150] : memref<10008x128xf32, #tpu.memory_space<hbm>> -> memref<10008x128xf32, #tpu.memory_space<hbm>>
      tpu.enqueue_indirect_dma source(%dma_start3A_151 : memref<10008x128xf32, #tpu.memory_space<hbm>>) target(%arg9 : memref<128x128xf32, #tpu.memory_space<vmem>>) offsets(%dma_start3A_148 : memref<128xi32, #tpu.memory_space<vmem>>) semaphore(%arg12 : memref<!tpu.dma_semaphore, #tpu.memory_space<semaphore_mem>>)
      %add3A_152 = arith.constant 1 : i32
      %add3A_153 = arith.addi %mul3A_128, %add3A_152 : i32
      %dma_wait3A_154 = arith.constant 0 : i32
      %dma_wait3A_155 = tpu.memref_slice %arg7[%add3A_153, %dma_wait3A_154] : memref<16x128xi32, #tpu.memory_space<vmem>> -> memref<1x128xi32, #tpu.memory_space<vmem>>
      %dma_wait3A_156 = tpu.memref_squeeze %dma_wait3A_155 : memref<1x128xi32, #tpu.memory_space<vmem>> -> memref<128xi32, #tpu.memory_space<vmem>>
      %dma_wait3A_157 = arith.constant 0 : i32
      %dma_wait3A_158 = arith.constant 0 : i32
      %dma_wait3A_159 = tpu.memref_slice %arg2[%dma_wait3A_157, %dma_wait3A_158] : memref<10008x128xf32, #tpu.memory_space<hbm>> -> memref<10008x128xf32, #tpu.memory_space<hbm>>
      tpu.wait_indirect_dma semaphore(%arg13 : memref<!tpu.dma_semaphore, #tpu.memory_space<semaphore_mem>>) src(%dma_wait3A_159 : memref<10008x128xf32, #tpu.memory_space<hbm>>) dst(%arg10 : memref<128x128xf32, #tpu.memory_space<vmem>>)
      %add3A_160 = arith.constant 1 : i32
      %add3A_161 = arith.addi %mul3A_128, %add3A_160 : i32
      "tpu.region"() ({
        %run_scoped3A = tpu.sem_alloc : memref<!tpu.dma_semaphore, #tpu.memory_space<semaphore_mem>>
        %dma_start3A_162 = arith.constant 0 : i32
        %dma_start3A_163 = tpu.memref_slice %arg8[%add3A_161, %dma_start3A_162] : memref<16x128xi32, #tpu.memory_space<vmem>> -> memref<1x128xi32, #tpu.memory_space<vmem>>
        %dma_start3A_164 = tpu.memref_squeeze %dma_start3A_163 : memref<1x128xi32, #tpu.memory_space<vmem>> -> memref<128xi32, #tpu.memory_space<vmem>>
        %dma_start3A_165 = arith.constant 0 : i32
        %dma_start3A_166 = arith.constant 0 : i32
        %dma_start3A_167 = tpu.memref_slice %arg11[%dma_start3A_165, %dma_start3A_166] : memref<10112x128xf32, #tpu.memory_space<vmem_shared>> -> memref<10112x128xf32, #tpu.memory_space<vmem_shared>>
        tpu.enqueue_indirect_dma source(%arg10 : memref<128x128xf32, #tpu.memory_space<vmem>>) target(%dma_start3A_167 : memref<10112x128xf32, #tpu.memory_space<vmem_shared>>) offsets(%dma_start3A_164 : memref<128xi32, #tpu.memory_space<vmem>>) semaphore(%run_scoped3A : memref<!tpu.dma_semaphore, #tpu.memory_space<semaphore_mem>>) {add = true}
        %dma_wait3A_168 = arith.constant 0 : i32
        %dma_wait3A_169 = tpu.memref_slice %arg8[%add3A_161, %dma_wait3A_168] : memref<16x128xi32, #tpu.memory_space<vmem>> -> memref<1x128xi32, #tpu.memory_space<vmem>>
        %dma_wait3A_170 = tpu.memref_squeeze %dma_wait3A_169 : memref<1x128xi32, #tpu.memory_space<vmem>> -> memref<128xi32, #tpu.memory_space<vmem>>
        %dma_wait3A_171 = arith.constant 0 : i32
        %dma_wait3A_172 = arith.constant 0 : i32
        %dma_wait3A_173 = tpu.memref_slice %arg11[%dma_wait3A_171, %dma_wait3A_172] : memref<10112x128xf32, #tpu.memory_space<vmem_shared>> -> memref<10112x128xf32, #tpu.memory_space<vmem_shared>>
        tpu.wait_indirect_dma semaphore(%run_scoped3A : memref<!tpu.dma_semaphore, #tpu.memory_space<semaphore_mem>>) src(%arg10 : memref<128x128xf32, #tpu.memory_space<vmem>>) dst(%dma_wait3A_173 : memref<10112x128xf32, #tpu.memory_space<vmem_shared>>)
        tpu.yield
      }) : () -> ()
    }
    %scan3A_38 = arith.constant 8 : i32
    %dma_wait3A_39 = arith.constant 0 : i32
    %dma_wait3A_40 = arith.constant 0 : i32
    %dma_wait3A_41 = tpu.memref_slice %arg7[%dma_wait3A_39, %dma_wait3A_40] : memref<16x128xi32, #tpu.memory_space<vmem>> -> memref<1x128xi32, #tpu.memory_space<vmem>>
    %dma_wait3A_42 = tpu.memref_squeeze %dma_wait3A_41 : memref<1x128xi32, #tpu.memory_space<vmem>> -> memref<128xi32, #tpu.memory_space<vmem>>
    %dma_wait3A_43 = arith.constant 0 : i32
    %dma_wait3A_44 = arith.constant 0 : i32
    %dma_wait3A_45 = tpu.memref_slice %arg2[%dma_wait3A_43, %dma_wait3A_44] : memref<10008x128xf32, #tpu.memory_space<hbm>> -> memref<10008x128xf32, #tpu.memory_space<hbm>>
    tpu.wait_indirect_dma semaphore(%arg12 : memref<!tpu.dma_semaphore, #tpu.memory_space<semaphore_mem>>) src(%dma_wait3A_45 : memref<10008x128xf32, #tpu.memory_space<hbm>>) dst(%arg9 : memref<128x128xf32, #tpu.memory_space<vmem>>)
    %mul3A_46 = arith.constant 80 : i32
    %mul3A_47 = arith.muli %add3A, %mul3A_46 : i32
    %add3A_48 = arith.constant 32 : i32
    %add3A_49 = arith.addi %mul3A_47, %add3A_48 : i32
    "tpu.region"() ({
      %run_scoped3A = tpu.sem_alloc : memref<!tpu.dma_semaphore, #tpu.memory_space<semaphore_mem>>
      %dma_start3A_122 = arith.constant 0 : i32
      %dma_start3A_123 = tpu.memref_slice %arg3[%add3A_49, %dma_start3A_122] : memref<2560x128xi32, #tpu.memory_space<hbm>> -> memref<16x128xi32, #tpu.memory_space<hbm>>
      %dma_start3A_124 = arith.constant 0 : i32
      %dma_start3A_125 = tpu.memref_slice %arg3[%add3A_49, %dma_start3A_124] : memref<2560x128xi32, #tpu.memory_space<hbm>> -> memref<16x128xi32, #tpu.memory_space<hbm>>
      tpu.enqueue_dma source(%dma_start3A_125 : memref<16x128xi32, #tpu.memory_space<hbm>>) target(%arg7 : memref<16x128xi32, #tpu.memory_space<vmem>>) target_semaphore(%run_scoped3A : memref<!tpu.dma_semaphore, #tpu.memory_space<semaphore_mem>>)
      %dma_wait3A_126 = arith.constant 0 : i32
      %dma_wait3A_127 = tpu.memref_slice %arg3[%add3A_49, %dma_wait3A_126] : memref<2560x128xi32, #tpu.memory_space<hbm>> -> memref<16x128xi32, #tpu.memory_space<hbm>>
      %dma_wait3A_128 = arith.constant 0 : i32
      %dma_wait3A_129 = tpu.memref_slice %arg3[%add3A_49, %dma_wait3A_128] : memref<2560x128xi32, #tpu.memory_space<hbm>> -> memref<16x128xi32, #tpu.memory_space<hbm>>
      tpu.wait_dma2 semaphore(%run_scoped3A : memref<!tpu.dma_semaphore, #tpu.memory_space<semaphore_mem>>) src(%dma_wait3A_129 : memref<16x128xi32, #tpu.memory_space<hbm>>) dst(%arg7 : memref<16x128xi32, #tpu.memory_space<vmem>>)
      tpu.yield
    }) : () -> ()
    "tpu.region"() ({
      %run_scoped3A = tpu.sem_alloc : memref<!tpu.dma_semaphore, #tpu.memory_space<semaphore_mem>>
      %dma_start3A_122 = arith.constant 0 : i32
      %dma_start3A_123 = tpu.memref_slice %arg4[%add3A_49, %dma_start3A_122] : memref<2560x128xi32, #tpu.memory_space<hbm>> -> memref<16x128xi32, #tpu.memory_space<hbm>>
      %dma_start3A_124 = arith.constant 0 : i32
      %dma_start3A_125 = tpu.memref_slice %arg4[%add3A_49, %dma_start3A_124] : memref<2560x128xi32, #tpu.memory_space<hbm>> -> memref<16x128xi32, #tpu.memory_space<hbm>>
      tpu.enqueue_dma source(%dma_start3A_125 : memref<16x128xi32, #tpu.memory_space<hbm>>) target(%arg8 : memref<16x128xi32, #tpu.memory_space<vmem>>) target_semaphore(%run_scoped3A : memref<!tpu.dma_semaphore, #tpu.memory_space<semaphore_mem>>)
      %dma_wait3A_126 = arith.constant 0 : i32
      %dma_wait3A_127 = tpu.memref_slice %arg4[%add3A_49, %dma_wait3A_126] : memref<2560x128xi32, #tpu.memory_space<hbm>> -> memref<16x128xi32, #tpu.memory_space<hbm>>
      %dma_wait3A_128 = arith.constant 0 : i32
      %dma_wait3A_129 = tpu.memref_slice %arg4[%add3A_49, %dma_wait3A_128] : memref<2560x128xi32, #tpu.memory_space<hbm>> -> memref<16x128xi32, #tpu.memory_space<hbm>>
      tpu.wait_dma2 semaphore(%run_scoped3A : memref<!tpu.dma_semaphore, #tpu.memory_space<semaphore_mem>>) src(%dma_wait3A_129 : memref<16x128xi32, #tpu.memory_space<hbm>>) dst(%arg8 : memref<16x128xi32, #tpu.memory_space<vmem>>)
      tpu.yield
    }) : () -> ()
    %dma_start3A_50 = arith.constant 0 : i32
    %dma_start3A_51 = arith.constant 0 : i32
    %dma_start3A_52 = tpu.memref_slice %arg7[%dma_start3A_50, %dma_start3A_51] : memref<16x128xi32, #tpu.memory_space<vmem>> -> memref<1x128xi32, #tpu.memory_space<vmem>>
    %dma_start3A_53 = tpu.memref_squeeze %dma_start3A_52 : memref<1x128xi32, #tpu.memory_space<vmem>> -> memref<128xi32, #tpu.memory_space<vmem>>
    %dma_start3A_54 = arith.constant 0 : i32
    %dma_start3A_55 = arith.constant 0 : i32
    %dma_start3A_56 = tpu.memref_slice %arg2[%dma_start3A_54, %dma_start3A_55] : memref<10008x128xf32, #tpu.memory_space<hbm>> -> memref<10008x128xf32, #tpu.memory_space<hbm>>
    tpu.enqueue_indirect_dma source(%dma_start3A_56 : memref<10008x128xf32, #tpu.memory_space<hbm>>) target(%arg9 : memref<128x128xf32, #tpu.memory_space<vmem>>) offsets(%dma_start3A_53 : memref<128xi32, #tpu.memory_space<vmem>>) semaphore(%arg12 : memref<!tpu.dma_semaphore, #tpu.memory_space<semaphore_mem>>)
    %scan3A_57 = arith.constant 0 : i32
    %scan3A_58 = arith.constant 8 : i32
    %scan3A_59 = arith.addi %scan3A_57, %scan3A_58 : i32
    %scan3A_60 = arith.constant 1 : i32
    scf.for %scan3A_122 = %scan3A_57 to %scan3A_59 step %scan3A_60  : i32 {
      %mul3A_123 = arith.constant 1 : i32
      %mul3A_124 = arith.muli %scan3A_122, %mul3A_123 : i32
      %add3A_125 = arith.constant 0 : i32
      %add3A_126 = arith.addi %add3A_125, %mul3A_124 : i32
      %mul3A_127 = arith.constant 2 : i32
      %mul3A_128 = arith.muli %mul3A_127, %add3A_126 : i32
      %add3A_129 = arith.constant 1 : i32
      %add3A_130 = arith.addi %mul3A_128, %add3A_129 : i32
      %dma_start3A_131 = arith.constant 0 : i32
      %dma_start3A_132 = tpu.memref_slice %arg7[%add3A_130, %dma_start3A_131] : memref<16x128xi32, #tpu.memory_space<vmem>> -> memref<1x128xi32, #tpu.memory_space<vmem>>
      %dma_start3A_133 = tpu.memref_squeeze %dma_start3A_132 : memref<1x128xi32, #tpu.memory_space<vmem>> -> memref<128xi32, #tpu.memory_space<vmem>>
      %dma_start3A_134 = arith.constant 0 : i32
      %dma_start3A_135 = arith.constant 0 : i32
      %dma_start3A_136 = tpu.memref_slice %arg2[%dma_start3A_134, %dma_start3A_135] : memref<10008x128xf32, #tpu.memory_space<hbm>> -> memref<10008x128xf32, #tpu.memory_space<hbm>>
      tpu.enqueue_indirect_dma source(%dma_start3A_136 : memref<10008x128xf32, #tpu.memory_space<hbm>>) target(%arg10 : memref<128x128xf32, #tpu.memory_space<vmem>>) offsets(%dma_start3A_133 : memref<128xi32, #tpu.memory_space<vmem>>) semaphore(%arg13 : memref<!tpu.dma_semaphore, #tpu.memory_space<semaphore_mem>>)
      %dma_wait3A_137 = arith.constant 0 : i32
      %dma_wait3A_138 = tpu.memref_slice %arg7[%mul3A_128, %dma_wait3A_137] : memref<16x128xi32, #tpu.memory_space<vmem>> -> memref<1x128xi32, #tpu.memory_space<vmem>>
      %dma_wait3A_139 = tpu.memref_squeeze %dma_wait3A_138 : memref<1x128xi32, #tpu.memory_space<vmem>> -> memref<128xi32, #tpu.memory_space<vmem>>
      %dma_wait3A_140 = arith.constant 0 : i32
      %dma_wait3A_141 = arith.constant 0 : i32
      %dma_wait3A_142 = tpu.memref_slice %arg2[%dma_wait3A_140, %dma_wait3A_141] : memref<10008x128xf32, #tpu.memory_space<hbm>> -> memref<10008x128xf32, #tpu.memory_space<hbm>>
      tpu.wait_indirect_dma semaphore(%arg12 : memref<!tpu.dma_semaphore, #tpu.memory_space<semaphore_mem>>) src(%dma_wait3A_142 : memref<10008x128xf32, #tpu.memory_space<hbm>>) dst(%arg9 : memref<128x128xf32, #tpu.memory_space<vmem>>)
      "tpu.region"() ({
        %run_scoped3A = tpu.sem_alloc : memref<!tpu.dma_semaphore, #tpu.memory_space<semaphore_mem>>
        %dma_start3A_162 = arith.constant 0 : i32
        %dma_start3A_163 = tpu.memref_slice %arg8[%mul3A_128, %dma_start3A_162] : memref<16x128xi32, #tpu.memory_space<vmem>> -> memref<1x128xi32, #tpu.memory_space<vmem>>
        %dma_start3A_164 = tpu.memref_squeeze %dma_start3A_163 : memref<1x128xi32, #tpu.memory_space<vmem>> -> memref<128xi32, #tpu.memory_space<vmem>>
        %dma_start3A_165 = arith.constant 0 : i32
        %dma_start3A_166 = arith.constant 0 : i32
        %dma_start3A_167 = tpu.memref_slice %arg11[%dma_start3A_165, %dma_start3A_166] : memref<10112x128xf32, #tpu.memory_space<vmem_shared>> -> memref<10112x128xf32, #tpu.memory_space<vmem_shared>>
        tpu.enqueue_indirect_dma source(%arg9 : memref<128x128xf32, #tpu.memory_space<vmem>>) target(%dma_start3A_167 : memref<10112x128xf32, #tpu.memory_space<vmem_shared>>) offsets(%dma_start3A_164 : memref<128xi32, #tpu.memory_space<vmem>>) semaphore(%run_scoped3A : memref<!tpu.dma_semaphore, #tpu.memory_space<semaphore_mem>>) {add = true}
        %dma_wait3A_168 = arith.constant 0 : i32
        %dma_wait3A_169 = tpu.memref_slice %arg8[%mul3A_128, %dma_wait3A_168] : memref<16x128xi32, #tpu.memory_space<vmem>> -> memref<1x128xi32, #tpu.memory_space<vmem>>
        %dma_wait3A_170 = tpu.memref_squeeze %dma_wait3A_169 : memref<1x128xi32, #tpu.memory_space<vmem>> -> memref<128xi32, #tpu.memory_space<vmem>>
        %dma_wait3A_171 = arith.constant 0 : i32
        %dma_wait3A_172 = arith.constant 0 : i32
        %dma_wait3A_173 = tpu.memref_slice %arg11[%dma_wait3A_171, %dma_wait3A_172] : memref<10112x128xf32, #tpu.memory_space<vmem_shared>> -> memref<10112x128xf32, #tpu.memory_space<vmem_shared>>
        tpu.wait_indirect_dma semaphore(%run_scoped3A : memref<!tpu.dma_semaphore, #tpu.memory_space<semaphore_mem>>) src(%arg9 : memref<128x128xf32, #tpu.memory_space<vmem>>) dst(%dma_wait3A_173 : memref<10112x128xf32, #tpu.memory_space<vmem_shared>>)
        tpu.yield
      }) : () -> ()
      %add3A_143 = arith.constant 2 : i32
      %add3A_144 = arith.addi %mul3A_128, %add3A_143 : i32
      %min3A = arith.constant 15 : i32
      %min3A_145 = arith.minsi %add3A_144, %min3A : i32
      %dma_start3A_146 = arith.constant 0 : i32
      %dma_start3A_147 = tpu.memref_slice %arg7[%min3A_145, %dma_start3A_146] : memref<16x128xi32, #tpu.memory_space<vmem>> -> memref<1x128xi32, #tpu.memory_space<vmem>>
      %dma_start3A_148 = tpu.memref_squeeze %dma_start3A_147 : memref<1x128xi32, #tpu.memory_space<vmem>> -> memref<128xi32, #tpu.memory_space<vmem>>
      %dma_start3A_149 = arith.constant 0 : i32
      %dma_start3A_150 = arith.constant 0 : i32
      %dma_start3A_151 = tpu.memref_slice %arg2[%dma_start3A_149, %dma_start3A_150] : memref<10008x128xf32, #tpu.memory_space<hbm>> -> memref<10008x128xf32, #tpu.memory_space<hbm>>
      tpu.enqueue_indirect_dma source(%dma_start3A_151 : memref<10008x128xf32, #tpu.memory_space<hbm>>) target(%arg9 : memref<128x128xf32, #tpu.memory_space<vmem>>) offsets(%dma_start3A_148 : memref<128xi32, #tpu.memory_space<vmem>>) semaphore(%arg12 : memref<!tpu.dma_semaphore, #tpu.memory_space<semaphore_mem>>)
      %add3A_152 = arith.constant 1 : i32
      %add3A_153 = arith.addi %mul3A_128, %add3A_152 : i32
      %dma_wait3A_154 = arith.constant 0 : i32
      %dma_wait3A_155 = tpu.memref_slice %arg7[%add3A_153, %dma_wait3A_154] : memref<16x128xi32, #tpu.memory_space<vmem>> -> memref<1x128xi32, #tpu.memory_space<vmem>>
      %dma_wait3A_156 = tpu.memref_squeeze %dma_wait3A_155 : memref<1x128xi32, #tpu.memory_space<vmem>> -> memref<128xi32, #tpu.memory_space<vmem>>
      %dma_wait3A_157 = arith.constant 0 : i32
      %dma_wait3A_158 = arith.constant 0 : i32
      %dma_wait3A_159 = tpu.memref_slice %arg2[%dma_wait3A_157, %dma_wait3A_158] : memref<10008x128xf32, #tpu.memory_space<hbm>> -> memref<10008x128xf32, #tpu.memory_space<hbm>>
      tpu.wait_indirect_dma semaphore(%arg13 : memref<!tpu.dma_semaphore, #tpu.memory_space<semaphore_mem>>) src(%dma_wait3A_159 : memref<10008x128xf32, #tpu.memory_space<hbm>>) dst(%arg10 : memref<128x128xf32, #tpu.memory_space<vmem>>)
      %add3A_160 = arith.constant 1 : i32
      %add3A_161 = arith.addi %mul3A_128, %add3A_160 : i32
      "tpu.region"() ({
        %run_scoped3A = tpu.sem_alloc : memref<!tpu.dma_semaphore, #tpu.memory_space<semaphore_mem>>
        %dma_start3A_162 = arith.constant 0 : i32
        %dma_start3A_163 = tpu.memref_slice %arg8[%add3A_161, %dma_start3A_162] : memref<16x128xi32, #tpu.memory_space<vmem>> -> memref<1x128xi32, #tpu.memory_space<vmem>>
        %dma_start3A_164 = tpu.memref_squeeze %dma_start3A_163 : memref<1x128xi32, #tpu.memory_space<vmem>> -> memref<128xi32, #tpu.memory_space<vmem>>
        %dma_start3A_165 = arith.constant 0 : i32
        %dma_start3A_166 = arith.constant 0 : i32
        %dma_start3A_167 = tpu.memref_slice %arg11[%dma_start3A_165, %dma_start3A_166] : memref<10112x128xf32, #tpu.memory_space<vmem_shared>> -> memref<10112x128xf32, #tpu.memory_space<vmem_shared>>
        tpu.enqueue_indirect_dma source(%arg10 : memref<128x128xf32, #tpu.memory_space<vmem>>) target(%dma_start3A_167 : memref<10112x128xf32, #tpu.memory_space<vmem_shared>>) offsets(%dma_start3A_164 : memref<128xi32, #tpu.memory_space<vmem>>) semaphore(%run_scoped3A : memref<!tpu.dma_semaphore, #tpu.memory_space<semaphore_mem>>) {add = true}
        %dma_wait3A_168 = arith.constant 0 : i32
        %dma_wait3A_169 = tpu.memref_slice %arg8[%add3A_161, %dma_wait3A_168] : memref<16x128xi32, #tpu.memory_space<vmem>> -> memref<1x128xi32, #tpu.memory_space<vmem>>
        %dma_wait3A_170 = tpu.memref_squeeze %dma_wait3A_169 : memref<1x128xi32, #tpu.memory_space<vmem>> -> memref<128xi32, #tpu.memory_space<vmem>>
        %dma_wait3A_171 = arith.constant 0 : i32
        %dma_wait3A_172 = arith.constant 0 : i32
        %dma_wait3A_173 = tpu.memref_slice %arg11[%dma_wait3A_171, %dma_wait3A_172] : memref<10112x128xf32, #tpu.memory_space<vmem_shared>> -> memref<10112x128xf32, #tpu.memory_space<vmem_shared>>
        tpu.wait_indirect_dma semaphore(%run_scoped3A : memref<!tpu.dma_semaphore, #tpu.memory_space<semaphore_mem>>) src(%arg10 : memref<128x128xf32, #tpu.memory_space<vmem>>) dst(%dma_wait3A_173 : memref<10112x128xf32, #tpu.memory_space<vmem_shared>>)
        tpu.yield
      }) : () -> ()
    }
    %scan3A_61 = arith.constant 8 : i32
    %dma_wait3A_62 = arith.constant 0 : i32
    %dma_wait3A_63 = arith.constant 0 : i32
    %dma_wait3A_64 = tpu.memref_slice %arg7[%dma_wait3A_62, %dma_wait3A_63] : memref<16x128xi32, #tpu.memory_space<vmem>> -> memref<1x128xi32, #tpu.memory_space<vmem>>
    %dma_wait3A_65 = tpu.memref_squeeze %dma_wait3A_64 : memref<1x128xi32, #tpu.memory_space<vmem>> -> memref<128xi32, #tpu.memory_space<vmem>>
    %dma_wait3A_66 = arith.constant 0 : i32
    %dma_wait3A_67 = arith.constant 0 : i32
    %dma_wait3A_68 = tpu.memref_slice %arg2[%dma_wait3A_66, %dma_wait3A_67] : memref<10008x128xf32, #tpu.memory_space<hbm>> -> memref<10008x128xf32, #tpu.memory_space<hbm>>
    tpu.wait_indirect_dma semaphore(%arg12 : memref<!tpu.dma_semaphore, #tpu.memory_space<semaphore_mem>>) src(%dma_wait3A_68 : memref<10008x128xf32, #tpu.memory_space<hbm>>) dst(%arg9 : memref<128x128xf32, #tpu.memory_space<vmem>>)
    %mul3A_69 = arith.constant 80 : i32
    %mul3A_70 = arith.muli %add3A, %mul3A_69 : i32
    %add3A_71 = arith.constant 48 : i32
    %add3A_72 = arith.addi %mul3A_70, %add3A_71 : i32
    "tpu.region"() ({
      %run_scoped3A = tpu.sem_alloc : memref<!tpu.dma_semaphore, #tpu.memory_space<semaphore_mem>>
      %dma_start3A_122 = arith.constant 0 : i32
      %dma_start3A_123 = tpu.memref_slice %arg3[%add3A_72, %dma_start3A_122] : memref<2560x128xi32, #tpu.memory_space<hbm>> -> memref<16x128xi32, #tpu.memory_space<hbm>>
      %dma_start3A_124 = arith.constant 0 : i32
      %dma_start3A_125 = tpu.memref_slice %arg3[%add3A_72, %dma_start3A_124] : memref<2560x128xi32, #tpu.memory_space<hbm>> -> memref<16x128xi32, #tpu.memory_space<hbm>>
      tpu.enqueue_dma source(%dma_start3A_125 : memref<16x128xi32, #tpu.memory_space<hbm>>) target(%arg7 : memref<16x128xi32, #tpu.memory_space<vmem>>) target_semaphore(%run_scoped3A : memref<!tpu.dma_semaphore, #tpu.memory_space<semaphore_mem>>)
      %dma_wait3A_126 = arith.constant 0 : i32
      %dma_wait3A_127 = tpu.memref_slice %arg3[%add3A_72, %dma_wait3A_126] : memref<2560x128xi32, #tpu.memory_space<hbm>> -> memref<16x128xi32, #tpu.memory_space<hbm>>
      %dma_wait3A_128 = arith.constant 0 : i32
      %dma_wait3A_129 = tpu.memref_slice %arg3[%add3A_72, %dma_wait3A_128] : memref<2560x128xi32, #tpu.memory_space<hbm>> -> memref<16x128xi32, #tpu.memory_space<hbm>>
      tpu.wait_dma2 semaphore(%run_scoped3A : memref<!tpu.dma_semaphore, #tpu.memory_space<semaphore_mem>>) src(%dma_wait3A_129 : memref<16x128xi32, #tpu.memory_space<hbm>>) dst(%arg7 : memref<16x128xi32, #tpu.memory_space<vmem>>)
      tpu.yield
    }) : () -> ()
    "tpu.region"() ({
      %run_scoped3A = tpu.sem_alloc : memref<!tpu.dma_semaphore, #tpu.memory_space<semaphore_mem>>
      %dma_start3A_122 = arith.constant 0 : i32
      %dma_start3A_123 = tpu.memref_slice %arg4[%add3A_72, %dma_start3A_122] : memref<2560x128xi32, #tpu.memory_space<hbm>> -> memref<16x128xi32, #tpu.memory_space<hbm>>
      %dma_start3A_124 = arith.constant 0 : i32
      %dma_start3A_125 = tpu.memref_slice %arg4[%add3A_72, %dma_start3A_124] : memref<2560x128xi32, #tpu.memory_space<hbm>> -> memref<16x128xi32, #tpu.memory_space<hbm>>
      tpu.enqueue_dma source(%dma_start3A_125 : memref<16x128xi32, #tpu.memory_space<hbm>>) target(%arg8 : memref<16x128xi32, #tpu.memory_space<vmem>>) target_semaphore(%run_scoped3A : memref<!tpu.dma_semaphore, #tpu.memory_space<semaphore_mem>>)
      %dma_wait3A_126 = arith.constant 0 : i32
      %dma_wait3A_127 = tpu.memref_slice %arg4[%add3A_72, %dma_wait3A_126] : memref<2560x128xi32, #tpu.memory_space<hbm>> -> memref<16x128xi32, #tpu.memory_space<hbm>>
      %dma_wait3A_128 = arith.constant 0 : i32
      %dma_wait3A_129 = tpu.memref_slice %arg4[%add3A_72, %dma_wait3A_128] : memref<2560x128xi32, #tpu.memory_space<hbm>> -> memref<16x128xi32, #tpu.memory_space<hbm>>
      tpu.wait_dma2 semaphore(%run_scoped3A : memref<!tpu.dma_semaphore, #tpu.memory_space<semaphore_mem>>) src(%dma_wait3A_129 : memref<16x128xi32, #tpu.memory_space<hbm>>) dst(%arg8 : memref<16x128xi32, #tpu.memory_space<vmem>>)
      tpu.yield
    }) : () -> ()
    %dma_start3A_73 = arith.constant 0 : i32
    %dma_start3A_74 = arith.constant 0 : i32
    %dma_start3A_75 = tpu.memref_slice %arg7[%dma_start3A_73, %dma_start3A_74] : memref<16x128xi32, #tpu.memory_space<vmem>> -> memref<1x128xi32, #tpu.memory_space<vmem>>
    %dma_start3A_76 = tpu.memref_squeeze %dma_start3A_75 : memref<1x128xi32, #tpu.memory_space<vmem>> -> memref<128xi32, #tpu.memory_space<vmem>>
    %dma_start3A_77 = arith.constant 0 : i32
    %dma_start3A_78 = arith.constant 0 : i32
    %dma_start3A_79 = tpu.memref_slice %arg2[%dma_start3A_77, %dma_start3A_78] : memref<10008x128xf32, #tpu.memory_space<hbm>> -> memref<10008x128xf32, #tpu.memory_space<hbm>>
    tpu.enqueue_indirect_dma source(%dma_start3A_79 : memref<10008x128xf32, #tpu.memory_space<hbm>>) target(%arg9 : memref<128x128xf32, #tpu.memory_space<vmem>>) offsets(%dma_start3A_76 : memref<128xi32, #tpu.memory_space<vmem>>) semaphore(%arg12 : memref<!tpu.dma_semaphore, #tpu.memory_space<semaphore_mem>>)
    %scan3A_80 = arith.constant 0 : i32
    %scan3A_81 = arith.constant 8 : i32
    %scan3A_82 = arith.addi %scan3A_80, %scan3A_81 : i32
    %scan3A_83 = arith.constant 1 : i32
    scf.for %scan3A_122 = %scan3A_80 to %scan3A_82 step %scan3A_83  : i32 {
      %mul3A_123 = arith.constant 1 : i32
      %mul3A_124 = arith.muli %scan3A_122, %mul3A_123 : i32
      %add3A_125 = arith.constant 0 : i32
      %add3A_126 = arith.addi %add3A_125, %mul3A_124 : i32
      %mul3A_127 = arith.constant 2 : i32
      %mul3A_128 = arith.muli %mul3A_127, %add3A_126 : i32
      %add3A_129 = arith.constant 1 : i32
      %add3A_130 = arith.addi %mul3A_128, %add3A_129 : i32
      %dma_start3A_131 = arith.constant 0 : i32
      %dma_start3A_132 = tpu.memref_slice %arg7[%add3A_130, %dma_start3A_131] : memref<16x128xi32, #tpu.memory_space<vmem>> -> memref<1x128xi32, #tpu.memory_space<vmem>>
      %dma_start3A_133 = tpu.memref_squeeze %dma_start3A_132 : memref<1x128xi32, #tpu.memory_space<vmem>> -> memref<128xi32, #tpu.memory_space<vmem>>
      %dma_start3A_134 = arith.constant 0 : i32
      %dma_start3A_135 = arith.constant 0 : i32
      %dma_start3A_136 = tpu.memref_slice %arg2[%dma_start3A_134, %dma_start3A_135] : memref<10008x128xf32, #tpu.memory_space<hbm>> -> memref<10008x128xf32, #tpu.memory_space<hbm>>
      tpu.enqueue_indirect_dma source(%dma_start3A_136 : memref<10008x128xf32, #tpu.memory_space<hbm>>) target(%arg10 : memref<128x128xf32, #tpu.memory_space<vmem>>) offsets(%dma_start3A_133 : memref<128xi32, #tpu.memory_space<vmem>>) semaphore(%arg13 : memref<!tpu.dma_semaphore, #tpu.memory_space<semaphore_mem>>)
      %dma_wait3A_137 = arith.constant 0 : i32
      %dma_wait3A_138 = tpu.memref_slice %arg7[%mul3A_128, %dma_wait3A_137] : memref<16x128xi32, #tpu.memory_space<vmem>> -> memref<1x128xi32, #tpu.memory_space<vmem>>
      %dma_wait3A_139 = tpu.memref_squeeze %dma_wait3A_138 : memref<1x128xi32, #tpu.memory_space<vmem>> -> memref<128xi32, #tpu.memory_space<vmem>>
      %dma_wait3A_140 = arith.constant 0 : i32
      %dma_wait3A_141 = arith.constant 0 : i32
      %dma_wait3A_142 = tpu.memref_slice %arg2[%dma_wait3A_140, %dma_wait3A_141] : memref<10008x128xf32, #tpu.memory_space<hbm>> -> memref<10008x128xf32, #tpu.memory_space<hbm>>
      tpu.wait_indirect_dma semaphore(%arg12 : memref<!tpu.dma_semaphore, #tpu.memory_space<semaphore_mem>>) src(%dma_wait3A_142 : memref<10008x128xf32, #tpu.memory_space<hbm>>) dst(%arg9 : memref<128x128xf32, #tpu.memory_space<vmem>>)
      "tpu.region"() ({
        %run_scoped3A = tpu.sem_alloc : memref<!tpu.dma_semaphore, #tpu.memory_space<semaphore_mem>>
        %dma_start3A_162 = arith.constant 0 : i32
        %dma_start3A_163 = tpu.memref_slice %arg8[%mul3A_128, %dma_start3A_162] : memref<16x128xi32, #tpu.memory_space<vmem>> -> memref<1x128xi32, #tpu.memory_space<vmem>>
        %dma_start3A_164 = tpu.memref_squeeze %dma_start3A_163 : memref<1x128xi32, #tpu.memory_space<vmem>> -> memref<128xi32, #tpu.memory_space<vmem>>
        %dma_start3A_165 = arith.constant 0 : i32
        %dma_start3A_166 = arith.constant 0 : i32
        %dma_start3A_167 = tpu.memref_slice %arg11[%dma_start3A_165, %dma_start3A_166] : memref<10112x128xf32, #tpu.memory_space<vmem_shared>> -> memref<10112x128xf32, #tpu.memory_space<vmem_shared>>
        tpu.enqueue_indirect_dma source(%arg9 : memref<128x128xf32, #tpu.memory_space<vmem>>) target(%dma_start3A_167 : memref<10112x128xf32, #tpu.memory_space<vmem_shared>>) offsets(%dma_start3A_164 : memref<128xi32, #tpu.memory_space<vmem>>) semaphore(%run_scoped3A : memref<!tpu.dma_semaphore, #tpu.memory_space<semaphore_mem>>) {add = true}
        %dma_wait3A_168 = arith.constant 0 : i32
        %dma_wait3A_169 = tpu.memref_slice %arg8[%mul3A_128, %dma_wait3A_168] : memref<16x128xi32, #tpu.memory_space<vmem>> -> memref<1x128xi32, #tpu.memory_space<vmem>>
        %dma_wait3A_170 = tpu.memref_squeeze %dma_wait3A_169 : memref<1x128xi32, #tpu.memory_space<vmem>> -> memref<128xi32, #tpu.memory_space<vmem>>
        %dma_wait3A_171 = arith.constant 0 : i32
        %dma_wait3A_172 = arith.constant 0 : i32
        %dma_wait3A_173 = tpu.memref_slice %arg11[%dma_wait3A_171, %dma_wait3A_172] : memref<10112x128xf32, #tpu.memory_space<vmem_shared>> -> memref<10112x128xf32, #tpu.memory_space<vmem_shared>>
        tpu.wait_indirect_dma semaphore(%run_scoped3A : memref<!tpu.dma_semaphore, #tpu.memory_space<semaphore_mem>>) src(%arg9 : memref<128x128xf32, #tpu.memory_space<vmem>>) dst(%dma_wait3A_173 : memref<10112x128xf32, #tpu.memory_space<vmem_shared>>)
        tpu.yield
      }) : () -> ()
      %add3A_143 = arith.constant 2 : i32
      %add3A_144 = arith.addi %mul3A_128, %add3A_143 : i32
      %min3A = arith.constant 15 : i32
      %min3A_145 = arith.minsi %add3A_144, %min3A : i32
      %dma_start3A_146 = arith.constant 0 : i32
      %dma_start3A_147 = tpu.memref_slice %arg7[%min3A_145, %dma_start3A_146] : memref<16x128xi32, #tpu.memory_space<vmem>> -> memref<1x128xi32, #tpu.memory_space<vmem>>
      %dma_start3A_148 = tpu.memref_squeeze %dma_start3A_147 : memref<1x128xi32, #tpu.memory_space<vmem>> -> memref<128xi32, #tpu.memory_space<vmem>>
      %dma_start3A_149 = arith.constant 0 : i32
      %dma_start3A_150 = arith.constant 0 : i32
      %dma_start3A_151 = tpu.memref_slice %arg2[%dma_start3A_149, %dma_start3A_150] : memref<10008x128xf32, #tpu.memory_space<hbm>> -> memref<10008x128xf32, #tpu.memory_space<hbm>>
      tpu.enqueue_indirect_dma source(%dma_start3A_151 : memref<10008x128xf32, #tpu.memory_space<hbm>>) target(%arg9 : memref<128x128xf32, #tpu.memory_space<vmem>>) offsets(%dma_start3A_148 : memref<128xi32, #tpu.memory_space<vmem>>) semaphore(%arg12 : memref<!tpu.dma_semaphore, #tpu.memory_space<semaphore_mem>>)
      %add3A_152 = arith.constant 1 : i32
      %add3A_153 = arith.addi %mul3A_128, %add3A_152 : i32
      %dma_wait3A_154 = arith.constant 0 : i32
      %dma_wait3A_155 = tpu.memref_slice %arg7[%add3A_153, %dma_wait3A_154] : memref<16x128xi32, #tpu.memory_space<vmem>> -> memref<1x128xi32, #tpu.memory_space<vmem>>
      %dma_wait3A_156 = tpu.memref_squeeze %dma_wait3A_155 : memref<1x128xi32, #tpu.memory_space<vmem>> -> memref<128xi32, #tpu.memory_space<vmem>>
      %dma_wait3A_157 = arith.constant 0 : i32
      %dma_wait3A_158 = arith.constant 0 : i32
      %dma_wait3A_159 = tpu.memref_slice %arg2[%dma_wait3A_157, %dma_wait3A_158] : memref<10008x128xf32, #tpu.memory_space<hbm>> -> memref<10008x128xf32, #tpu.memory_space<hbm>>
      tpu.wait_indirect_dma semaphore(%arg13 : memref<!tpu.dma_semaphore, #tpu.memory_space<semaphore_mem>>) src(%dma_wait3A_159 : memref<10008x128xf32, #tpu.memory_space<hbm>>) dst(%arg10 : memref<128x128xf32, #tpu.memory_space<vmem>>)
      %add3A_160 = arith.constant 1 : i32
      %add3A_161 = arith.addi %mul3A_128, %add3A_160 : i32
      "tpu.region"() ({
        %run_scoped3A = tpu.sem_alloc : memref<!tpu.dma_semaphore, #tpu.memory_space<semaphore_mem>>
        %dma_start3A_162 = arith.constant 0 : i32
        %dma_start3A_163 = tpu.memref_slice %arg8[%add3A_161, %dma_start3A_162] : memref<16x128xi32, #tpu.memory_space<vmem>> -> memref<1x128xi32, #tpu.memory_space<vmem>>
        %dma_start3A_164 = tpu.memref_squeeze %dma_start3A_163 : memref<1x128xi32, #tpu.memory_space<vmem>> -> memref<128xi32, #tpu.memory_space<vmem>>
        %dma_start3A_165 = arith.constant 0 : i32
        %dma_start3A_166 = arith.constant 0 : i32
        %dma_start3A_167 = tpu.memref_slice %arg11[%dma_start3A_165, %dma_start3A_166] : memref<10112x128xf32, #tpu.memory_space<vmem_shared>> -> memref<10112x128xf32, #tpu.memory_space<vmem_shared>>
        tpu.enqueue_indirect_dma source(%arg10 : memref<128x128xf32, #tpu.memory_space<vmem>>) target(%dma_start3A_167 : memref<10112x128xf32, #tpu.memory_space<vmem_shared>>) offsets(%dma_start3A_164 : memref<128xi32, #tpu.memory_space<vmem>>) semaphore(%run_scoped3A : memref<!tpu.dma_semaphore, #tpu.memory_space<semaphore_mem>>) {add = true}
        %dma_wait3A_168 = arith.constant 0 : i32
        %dma_wait3A_169 = tpu.memref_slice %arg8[%add3A_161, %dma_wait3A_168] : memref<16x128xi32, #tpu.memory_space<vmem>> -> memref<1x128xi32, #tpu.memory_space<vmem>>
        %dma_wait3A_170 = tpu.memref_squeeze %dma_wait3A_169 : memref<1x128xi32, #tpu.memory_space<vmem>> -> memref<128xi32, #tpu.memory_space<vmem>>
        %dma_wait3A_171 = arith.constant 0 : i32
        %dma_wait3A_172 = arith.constant 0 : i32
        %dma_wait3A_173 = tpu.memref_slice %arg11[%dma_wait3A_171, %dma_wait3A_172] : memref<10112x128xf32, #tpu.memory_space<vmem_shared>> -> memref<10112x128xf32, #tpu.memory_space<vmem_shared>>
        tpu.wait_indirect_dma semaphore(%run_scoped3A : memref<!tpu.dma_semaphore, #tpu.memory_space<semaphore_mem>>) src(%arg10 : memref<128x128xf32, #tpu.memory_space<vmem>>) dst(%dma_wait3A_173 : memref<10112x128xf32, #tpu.memory_space<vmem_shared>>)
        tpu.yield
      }) : () -> ()
    }
    %scan3A_84 = arith.constant 8 : i32
    %dma_wait3A_85 = arith.constant 0 : i32
    %dma_wait3A_86 = arith.constant 0 : i32
    %dma_wait3A_87 = tpu.memref_slice %arg7[%dma_wait3A_85, %dma_wait3A_86] : memref<16x128xi32, #tpu.memory_space<vmem>> -> memref<1x128xi32, #tpu.memory_space<vmem>>
    %dma_wait3A_88 = tpu.memref_squeeze %dma_wait3A_87 : memref<1x128xi32, #tpu.memory_space<vmem>> -> memref<128xi32, #tpu.memory_space<vmem>>
    %dma_wait3A_89 = arith.constant 0 : i32
    %dma_wait3A_90 = arith.constant 0 : i32
    %dma_wait3A_91 = tpu.memref_slice %arg2[%dma_wait3A_89, %dma_wait3A_90] : memref<10008x128xf32, #tpu.memory_space<hbm>> -> memref<10008x128xf32, #tpu.memory_space<hbm>>
    tpu.wait_indirect_dma semaphore(%arg12 : memref<!tpu.dma_semaphore, #tpu.memory_space<semaphore_mem>>) src(%dma_wait3A_91 : memref<10008x128xf32, #tpu.memory_space<hbm>>) dst(%arg9 : memref<128x128xf32, #tpu.memory_space<vmem>>)
    %mul3A_92 = arith.constant 80 : i32
    %mul3A_93 = arith.muli %add3A, %mul3A_92 : i32
    %add3A_94 = arith.constant 64 : i32
    %add3A_95 = arith.addi %mul3A_93, %add3A_94 : i32
    "tpu.region"() ({
      %run_scoped3A = tpu.sem_alloc : memref<!tpu.dma_semaphore, #tpu.memory_space<semaphore_mem>>
      %dma_start3A_122 = arith.constant 0 : i32
      %dma_start3A_123 = tpu.memref_slice %arg3[%add3A_95, %dma_start3A_122] : memref<2560x128xi32, #tpu.memory_space<hbm>> -> memref<16x128xi32, #tpu.memory_space<hbm>>
      %dma_start3A_124 = arith.constant 0 : i32
      %dma_start3A_125 = tpu.memref_slice %arg3[%add3A_95, %dma_start3A_124] : memref<2560x128xi32, #tpu.memory_space<hbm>> -> memref<16x128xi32, #tpu.memory_space<hbm>>
      tpu.enqueue_dma source(%dma_start3A_125 : memref<16x128xi32, #tpu.memory_space<hbm>>) target(%arg7 : memref<16x128xi32, #tpu.memory_space<vmem>>) target_semaphore(%run_scoped3A : memref<!tpu.dma_semaphore, #tpu.memory_space<semaphore_mem>>)
      %dma_wait3A_126 = arith.constant 0 : i32
      %dma_wait3A_127 = tpu.memref_slice %arg3[%add3A_95, %dma_wait3A_126] : memref<2560x128xi32, #tpu.memory_space<hbm>> -> memref<16x128xi32, #tpu.memory_space<hbm>>
      %dma_wait3A_128 = arith.constant 0 : i32
      %dma_wait3A_129 = tpu.memref_slice %arg3[%add3A_95, %dma_wait3A_128] : memref<2560x128xi32, #tpu.memory_space<hbm>> -> memref<16x128xi32, #tpu.memory_space<hbm>>
      tpu.wait_dma2 semaphore(%run_scoped3A : memref<!tpu.dma_semaphore, #tpu.memory_space<semaphore_mem>>) src(%dma_wait3A_129 : memref<16x128xi32, #tpu.memory_space<hbm>>) dst(%arg7 : memref<16x128xi32, #tpu.memory_space<vmem>>)
      tpu.yield
    }) : () -> ()
    "tpu.region"() ({
      %run_scoped3A = tpu.sem_alloc : memref<!tpu.dma_semaphore, #tpu.memory_space<semaphore_mem>>
      %dma_start3A_122 = arith.constant 0 : i32
      %dma_start3A_123 = tpu.memref_slice %arg4[%add3A_95, %dma_start3A_122] : memref<2560x128xi32, #tpu.memory_space<hbm>> -> memref<16x128xi32, #tpu.memory_space<hbm>>
      %dma_start3A_124 = arith.constant 0 : i32
      %dma_start3A_125 = tpu.memref_slice %arg4[%add3A_95, %dma_start3A_124] : memref<2560x128xi32, #tpu.memory_space<hbm>> -> memref<16x128xi32, #tpu.memory_space<hbm>>
      tpu.enqueue_dma source(%dma_start3A_125 : memref<16x128xi32, #tpu.memory_space<hbm>>) target(%arg8 : memref<16x128xi32, #tpu.memory_space<vmem>>) target_semaphore(%run_scoped3A : memref<!tpu.dma_semaphore, #tpu.memory_space<semaphore_mem>>)
      %dma_wait3A_126 = arith.constant 0 : i32
      %dma_wait3A_127 = tpu.memref_slice %arg4[%add3A_95, %dma_wait3A_126] : memref<2560x128xi32, #tpu.memory_space<hbm>> -> memref<16x128xi32, #tpu.memory_space<hbm>>
      %dma_wait3A_128 = arith.constant 0 : i32
      %dma_wait3A_129 = tpu.memref_slice %arg4[%add3A_95, %dma_wait3A_128] : memref<2560x128xi32, #tpu.memory_space<hbm>> -> memref<16x128xi32, #tpu.memory_space<hbm>>
      tpu.wait_dma2 semaphore(%run_scoped3A : memref<!tpu.dma_semaphore, #tpu.memory_space<semaphore_mem>>) src(%dma_wait3A_129 : memref<16x128xi32, #tpu.memory_space<hbm>>) dst(%arg8 : memref<16x128xi32, #tpu.memory_space<vmem>>)
      tpu.yield
    }) : () -> ()
    %dma_start3A_96 = arith.constant 0 : i32
    %dma_start3A_97 = arith.constant 0 : i32
    %dma_start3A_98 = tpu.memref_slice %arg7[%dma_start3A_96, %dma_start3A_97] : memref<16x128xi32, #tpu.memory_space<vmem>> -> memref<1x128xi32, #tpu.memory_space<vmem>>
    %dma_start3A_99 = tpu.memref_squeeze %dma_start3A_98 : memref<1x128xi32, #tpu.memory_space<vmem>> -> memref<128xi32, #tpu.memory_space<vmem>>
    %dma_start3A_100 = arith.constant 0 : i32
    %dma_start3A_101 = arith.constant 0 : i32
    %dma_start3A_102 = tpu.memref_slice %arg2[%dma_start3A_100, %dma_start3A_101] : memref<10008x128xf32, #tpu.memory_space<hbm>> -> memref<10008x128xf32, #tpu.memory_space<hbm>>
    tpu.enqueue_indirect_dma source(%dma_start3A_102 : memref<10008x128xf32, #tpu.memory_space<hbm>>) target(%arg9 : memref<128x128xf32, #tpu.memory_space<vmem>>) offsets(%dma_start3A_99 : memref<128xi32, #tpu.memory_space<vmem>>) semaphore(%arg12 : memref<!tpu.dma_semaphore, #tpu.memory_space<semaphore_mem>>)
    %scan3A_103 = arith.constant 0 : i32
    %scan3A_104 = arith.constant 8 : i32
    %scan3A_105 = arith.addi %scan3A_103, %scan3A_104 : i32
    %scan3A_106 = arith.constant 1 : i32
    scf.for %scan3A_122 = %scan3A_103 to %scan3A_105 step %scan3A_106  : i32 {
      %mul3A_123 = arith.constant 1 : i32
      %mul3A_124 = arith.muli %scan3A_122, %mul3A_123 : i32
      %add3A_125 = arith.constant 0 : i32
      %add3A_126 = arith.addi %add3A_125, %mul3A_124 : i32
      %mul3A_127 = arith.constant 2 : i32
      %mul3A_128 = arith.muli %mul3A_127, %add3A_126 : i32
      %add3A_129 = arith.constant 1 : i32
      %add3A_130 = arith.addi %mul3A_128, %add3A_129 : i32
      %dma_start3A_131 = arith.constant 0 : i32
      %dma_start3A_132 = tpu.memref_slice %arg7[%add3A_130, %dma_start3A_131] : memref<16x128xi32, #tpu.memory_space<vmem>> -> memref<1x128xi32, #tpu.memory_space<vmem>>
      %dma_start3A_133 = tpu.memref_squeeze %dma_start3A_132 : memref<1x128xi32, #tpu.memory_space<vmem>> -> memref<128xi32, #tpu.memory_space<vmem>>
      %dma_start3A_134 = arith.constant 0 : i32
      %dma_start3A_135 = arith.constant 0 : i32
      %dma_start3A_136 = tpu.memref_slice %arg2[%dma_start3A_134, %dma_start3A_135] : memref<10008x128xf32, #tpu.memory_space<hbm>> -> memref<10008x128xf32, #tpu.memory_space<hbm>>
      tpu.enqueue_indirect_dma source(%dma_start3A_136 : memref<10008x128xf32, #tpu.memory_space<hbm>>) target(%arg10 : memref<128x128xf32, #tpu.memory_space<vmem>>) offsets(%dma_start3A_133 : memref<128xi32, #tpu.memory_space<vmem>>) semaphore(%arg13 : memref<!tpu.dma_semaphore, #tpu.memory_space<semaphore_mem>>)
      %dma_wait3A_137 = arith.constant 0 : i32
      %dma_wait3A_138 = tpu.memref_slice %arg7[%mul3A_128, %dma_wait3A_137] : memref<16x128xi32, #tpu.memory_space<vmem>> -> memref<1x128xi32, #tpu.memory_space<vmem>>
      %dma_wait3A_139 = tpu.memref_squeeze %dma_wait3A_138 : memref<1x128xi32, #tpu.memory_space<vmem>> -> memref<128xi32, #tpu.memory_space<vmem>>
      %dma_wait3A_140 = arith.constant 0 : i32
      %dma_wait3A_141 = arith.constant 0 : i32
      %dma_wait3A_142 = tpu.memref_slice %arg2[%dma_wait3A_140, %dma_wait3A_141] : memref<10008x128xf32, #tpu.memory_space<hbm>> -> memref<10008x128xf32, #tpu.memory_space<hbm>>
      tpu.wait_indirect_dma semaphore(%arg12 : memref<!tpu.dma_semaphore, #tpu.memory_space<semaphore_mem>>) src(%dma_wait3A_142 : memref<10008x128xf32, #tpu.memory_space<hbm>>) dst(%arg9 : memref<128x128xf32, #tpu.memory_space<vmem>>)
      "tpu.region"() ({
        %run_scoped3A = tpu.sem_alloc : memref<!tpu.dma_semaphore, #tpu.memory_space<semaphore_mem>>
        %dma_start3A_162 = arith.constant 0 : i32
        %dma_start3A_163 = tpu.memref_slice %arg8[%mul3A_128, %dma_start3A_162] : memref<16x128xi32, #tpu.memory_space<vmem>> -> memref<1x128xi32, #tpu.memory_space<vmem>>
        %dma_start3A_164 = tpu.memref_squeeze %dma_start3A_163 : memref<1x128xi32, #tpu.memory_space<vmem>> -> memref<128xi32, #tpu.memory_space<vmem>>
        %dma_start3A_165 = arith.constant 0 : i32
        %dma_start3A_166 = arith.constant 0 : i32
        %dma_start3A_167 = tpu.memref_slice %arg11[%dma_start3A_165, %dma_start3A_166] : memref<10112x128xf32, #tpu.memory_space<vmem_shared>> -> memref<10112x128xf32, #tpu.memory_space<vmem_shared>>
        tpu.enqueue_indirect_dma source(%arg9 : memref<128x128xf32, #tpu.memory_space<vmem>>) target(%dma_start3A_167 : memref<10112x128xf32, #tpu.memory_space<vmem_shared>>) offsets(%dma_start3A_164 : memref<128xi32, #tpu.memory_space<vmem>>) semaphore(%run_scoped3A : memref<!tpu.dma_semaphore, #tpu.memory_space<semaphore_mem>>) {add = true}
        %dma_wait3A_168 = arith.constant 0 : i32
        %dma_wait3A_169 = tpu.memref_slice %arg8[%mul3A_128, %dma_wait3A_168] : memref<16x128xi32, #tpu.memory_space<vmem>> -> memref<1x128xi32, #tpu.memory_space<vmem>>
        %dma_wait3A_170 = tpu.memref_squeeze %dma_wait3A_169 : memref<1x128xi32, #tpu.memory_space<vmem>> -> memref<128xi32, #tpu.memory_space<vmem>>
        %dma_wait3A_171 = arith.constant 0 : i32
        %dma_wait3A_172 = arith.constant 0 : i32
        %dma_wait3A_173 = tpu.memref_slice %arg11[%dma_wait3A_171, %dma_wait3A_172] : memref<10112x128xf32, #tpu.memory_space<vmem_shared>> -> memref<10112x128xf32, #tpu.memory_space<vmem_shared>>
        tpu.wait_indirect_dma semaphore(%run_scoped3A : memref<!tpu.dma_semaphore, #tpu.memory_space<semaphore_mem>>) src(%arg9 : memref<128x128xf32, #tpu.memory_space<vmem>>) dst(%dma_wait3A_173 : memref<10112x128xf32, #tpu.memory_space<vmem_shared>>)
        tpu.yield
      }) : () -> ()
      %add3A_143 = arith.constant 2 : i32
      %add3A_144 = arith.addi %mul3A_128, %add3A_143 : i32
      %min3A = arith.constant 15 : i32
      %min3A_145 = arith.minsi %add3A_144, %min3A : i32
      %dma_start3A_146 = arith.constant 0 : i32
      %dma_start3A_147 = tpu.memref_slice %arg7[%min3A_145, %dma_start3A_146] : memref<16x128xi32, #tpu.memory_space<vmem>> -> memref<1x128xi32, #tpu.memory_space<vmem>>
      %dma_start3A_148 = tpu.memref_squeeze %dma_start3A_147 : memref<1x128xi32, #tpu.memory_space<vmem>> -> memref<128xi32, #tpu.memory_space<vmem>>
      %dma_start3A_149 = arith.constant 0 : i32
      %dma_start3A_150 = arith.constant 0 : i32
      %dma_start3A_151 = tpu.memref_slice %arg2[%dma_start3A_149, %dma_start3A_150] : memref<10008x128xf32, #tpu.memory_space<hbm>> -> memref<10008x128xf32, #tpu.memory_space<hbm>>
      tpu.enqueue_indirect_dma source(%dma_start3A_151 : memref<10008x128xf32, #tpu.memory_space<hbm>>) target(%arg9 : memref<128x128xf32, #tpu.memory_space<vmem>>) offsets(%dma_start3A_148 : memref<128xi32, #tpu.memory_space<vmem>>) semaphore(%arg12 : memref<!tpu.dma_semaphore, #tpu.memory_space<semaphore_mem>>)
      %add3A_152 = arith.constant 1 : i32
      %add3A_153 = arith.addi %mul3A_128, %add3A_152 : i32
      %dma_wait3A_154 = arith.constant 0 : i32
      %dma_wait3A_155 = tpu.memref_slice %arg7[%add3A_153, %dma_wait3A_154] : memref<16x128xi32, #tpu.memory_space<vmem>> -> memref<1x128xi32, #tpu.memory_space<vmem>>
      %dma_wait3A_156 = tpu.memref_squeeze %dma_wait3A_155 : memref<1x128xi32, #tpu.memory_space<vmem>> -> memref<128xi32, #tpu.memory_space<vmem>>
      %dma_wait3A_157 = arith.constant 0 : i32
      %dma_wait3A_158 = arith.constant 0 : i32
      %dma_wait3A_159 = tpu.memref_slice %arg2[%dma_wait3A_157, %dma_wait3A_158] : memref<10008x128xf32, #tpu.memory_space<hbm>> -> memref<10008x128xf32, #tpu.memory_space<hbm>>
      tpu.wait_indirect_dma semaphore(%arg13 : memref<!tpu.dma_semaphore, #tpu.memory_space<semaphore_mem>>) src(%dma_wait3A_159 : memref<10008x128xf32, #tpu.memory_space<hbm>>) dst(%arg10 : memref<128x128xf32, #tpu.memory_space<vmem>>)
      %add3A_160 = arith.constant 1 : i32
      %add3A_161 = arith.addi %mul3A_128, %add3A_160 : i32
      "tpu.region"() ({
        %run_scoped3A = tpu.sem_alloc : memref<!tpu.dma_semaphore, #tpu.memory_space<semaphore_mem>>
        %dma_start3A_162 = arith.constant 0 : i32
        %dma_start3A_163 = tpu.memref_slice %arg8[%add3A_161, %dma_start3A_162] : memref<16x128xi32, #tpu.memory_space<vmem>> -> memref<1x128xi32, #tpu.memory_space<vmem>>
        %dma_start3A_164 = tpu.memref_squeeze %dma_start3A_163 : memref<1x128xi32, #tpu.memory_space<vmem>> -> memref<128xi32, #tpu.memory_space<vmem>>
        %dma_start3A_165 = arith.constant 0 : i32
        %dma_start3A_166 = arith.constant 0 : i32
        %dma_start3A_167 = tpu.memref_slice %arg11[%dma_start3A_165, %dma_start3A_166] : memref<10112x128xf32, #tpu.memory_space<vmem_shared>> -> memref<10112x128xf32, #tpu.memory_space<vmem_shared>>
        tpu.enqueue_indirect_dma source(%arg10 : memref<128x128xf32, #tpu.memory_space<vmem>>) target(%dma_start3A_167 : memref<10112x128xf32, #tpu.memory_space<vmem_shared>>) offsets(%dma_start3A_164 : memref<128xi32, #tpu.memory_space<vmem>>) semaphore(%run_scoped3A : memref<!tpu.dma_semaphore, #tpu.memory_space<semaphore_mem>>) {add = true}
        %dma_wait3A_168 = arith.constant 0 : i32
        %dma_wait3A_169 = tpu.memref_slice %arg8[%add3A_161, %dma_wait3A_168] : memref<16x128xi32, #tpu.memory_space<vmem>> -> memref<1x128xi32, #tpu.memory_space<vmem>>
        %dma_wait3A_170 = tpu.memref_squeeze %dma_wait3A_169 : memref<1x128xi32, #tpu.memory_space<vmem>> -> memref<128xi32, #tpu.memory_space<vmem>>
        %dma_wait3A_171 = arith.constant 0 : i32
        %dma_wait3A_172 = arith.constant 0 : i32
        %dma_wait3A_173 = tpu.memref_slice %arg11[%dma_wait3A_171, %dma_wait3A_172] : memref<10112x128xf32, #tpu.memory_space<vmem_shared>> -> memref<10112x128xf32, #tpu.memory_space<vmem_shared>>
        tpu.wait_indirect_dma semaphore(%run_scoped3A : memref<!tpu.dma_semaphore, #tpu.memory_space<semaphore_mem>>) src(%arg10 : memref<128x128xf32, #tpu.memory_space<vmem>>) dst(%dma_wait3A_173 : memref<10112x128xf32, #tpu.memory_space<vmem_shared>>)
        tpu.yield
      }) : () -> ()
    }
    %scan3A_107 = arith.constant 8 : i32
    %dma_wait3A_108 = arith.constant 0 : i32
    %dma_wait3A_109 = arith.constant 0 : i32
    %dma_wait3A_110 = tpu.memref_slice %arg7[%dma_wait3A_108, %dma_wait3A_109] : memref<16x128xi32, #tpu.memory_space<vmem>> -> memref<1x128xi32, #tpu.memory_space<vmem>>
    %dma_wait3A_111 = tpu.memref_squeeze %dma_wait3A_110 : memref<1x128xi32, #tpu.memory_space<vmem>> -> memref<128xi32, #tpu.memory_space<vmem>>
    %dma_wait3A_112 = arith.constant 0 : i32
    %dma_wait3A_113 = arith.constant 0 : i32
    %dma_wait3A_114 = tpu.memref_slice %arg2[%dma_wait3A_112, %dma_wait3A_113] : memref<10008x128xf32, #tpu.memory_space<hbm>> -> memref<10008x128xf32, #tpu.memory_space<hbm>>
    tpu.wait_indirect_dma semaphore(%arg12 : memref<!tpu.dma_semaphore, #tpu.memory_space<semaphore_mem>>) src(%dma_wait3A_114 : memref<10008x128xf32, #tpu.memory_space<hbm>>) dst(%arg9 : memref<128x128xf32, #tpu.memory_space<vmem>>)
    %barrier3A_115 = arith.constant 0 : index
    tpu.barrier barrier_id(%barrier3A_115)
    %mul3A_116 = arith.constant 624 : i32
    %mul3A_117 = arith.muli %arg1, %mul3A_116 : i32
    %mul3A_118 = arith.constant 624 : i32
    %mul3A_119 = arith.muli %arg1, %mul3A_118 : i32
    "tpu.region"() ({
      %run_scoped3A = tpu.sem_alloc : memref<!tpu.dma_semaphore, #tpu.memory_space<semaphore_mem>>
      %dma_start3A_122 = arith.constant 0 : i32
      %dma_start3A_123 = tpu.memref_slice %arg6[%arg0, %mul3A_119, %dma_start3A_122] : memref<2x10000x128xf32, #tpu.memory_space<hbm>> -> memref<1x624x128xf32, #tpu.memory_space<hbm>>
      %dma_start3A_124 = tpu.memref_squeeze %dma_start3A_123 : memref<1x624x128xf32, #tpu.memory_space<hbm>> -> memref<624x128xf32, #tpu.memory_space<hbm>>
      %dma_start3A_125 = arith.constant 0 : i32
      %dma_start3A_126 = tpu.memref_slice %arg11[%mul3A_117, %dma_start3A_125] : memref<10112x128xf32, #tpu.memory_space<vmem_shared>> -> memref<624x128xf32, #tpu.memory_space<vmem_shared>>
      tpu.enqueue_dma source(%dma_start3A_126 : memref<624x128xf32, #tpu.memory_space<vmem_shared>>) target(%dma_start3A_124 : memref<624x128xf32, #tpu.memory_space<hbm>>) target_semaphore(%run_scoped3A : memref<!tpu.dma_semaphore, #tpu.memory_space<semaphore_mem>>)
      %dma_wait3A_127 = arith.constant 0 : i32
      %dma_wait3A_128 = tpu.memref_slice %arg6[%arg0, %mul3A_119, %dma_wait3A_127] : memref<2x10000x128xf32, #tpu.memory_space<hbm>> -> memref<1x624x128xf32, #tpu.memory_space<hbm>>
      %dma_wait3A_129 = tpu.memref_squeeze %dma_wait3A_128 : memref<1x624x128xf32, #tpu.memory_space<hbm>> -> memref<624x128xf32, #tpu.memory_space<hbm>>
      %dma_wait3A_130 = arith.constant 0 : i32
      %dma_wait3A_131 = tpu.memref_slice %arg11[%mul3A_117, %dma_wait3A_130] : memref<10112x128xf32, #tpu.memory_space<vmem_shared>> -> memref<624x128xf32, #tpu.memory_space<vmem_shared>>
      tpu.wait_dma2 semaphore(%run_scoped3A : memref<!tpu.dma_semaphore, #tpu.memory_space<semaphore_mem>>) src(%dma_wait3A_131 : memref<624x128xf32, #tpu.memory_space<vmem_shared>>) dst(%dma_wait3A_129 : memref<624x128xf32, #tpu.memory_space<hbm>>)
      tpu.yield
    }) : () -> ()
    %eq3A = arith.constant 0 : i32
    %eq3A_120 = arith.cmpi eq, %arg1, %eq3A : i32
    %convert_element_type3A = arith.extui %eq3A_120 : i1 to i32
    %cond3A = arith.constant 0 : i32
    %cond3A_121 = arith.cmpi ne, %convert_element_type3A, %cond3A : i32
    scf.if %cond3A_121 {
      "tpu.region"() ({
        %run_scoped3A = tpu.sem_alloc : memref<!tpu.dma_semaphore, #tpu.memory_space<semaphore_mem>>
        %dma_start3A_122 = arith.constant 9984 : i32
        %dma_start3A_123 = arith.constant 0 : i32
        %dma_start3A_124 = tpu.memref_slice %arg6[%arg0, %dma_start3A_122, %dma_start3A_123] : memref<2x10000x128xf32, #tpu.memory_space<hbm>> -> memref<1x16x128xf32, #tpu.memory_space<hbm>>
        %dma_start3A_125 = tpu.memref_squeeze %dma_start3A_124 : memref<1x16x128xf32, #tpu.memory_space<hbm>> -> memref<16x128xf32, #tpu.memory_space<hbm>>
        %dma_start3A_126 = arith.constant 9984 : i32
        %dma_start3A_127 = arith.constant 0 : i32
        %dma_start3A_128 = tpu.memref_slice %arg11[%dma_start3A_126, %dma_start3A_127] : memref<10112x128xf32, #tpu.memory_space<vmem_shared>> -> memref<16x128xf32, #tpu.memory_space<vmem_shared>>
        tpu.enqueue_dma source(%dma_start3A_128 : memref<16x128xf32, #tpu.memory_space<vmem_shared>>) target(%dma_start3A_125 : memref<16x128xf32, #tpu.memory_space<hbm>>) target_semaphore(%run_scoped3A : memref<!tpu.dma_semaphore, #tpu.memory_space<semaphore_mem>>)
        %dma_wait3A_129 = arith.constant 9984 : i32
        %dma_wait3A_130 = arith.constant 0 : i32
        %dma_wait3A_131 = tpu.memref_slice %arg6[%arg0, %dma_wait3A_129, %dma_wait3A_130] : memref<2x10000x128xf32, #tpu.memory_space<hbm>> -> memref<1x16x128xf32, #tpu.memory_space<hbm>>
        %dma_wait3A_132 = tpu.memref_squeeze %dma_wait3A_131 : memref<1x16x128xf32, #tpu.memory_space<hbm>> -> memref<16x128xf32, #tpu.memory_space<hbm>>
        %dma_wait3A_133 = arith.constant 9984 : i32
        %dma_wait3A_134 = arith.constant 0 : i32
        %dma_wait3A_135 = tpu.memref_slice %arg11[%dma_wait3A_133, %dma_wait3A_134] : memref<10112x128xf32, #tpu.memory_space<vmem_shared>> -> memref<16x128xf32, #tpu.memory_space<vmem_shared>>
        tpu.wait_dma2 semaphore(%run_scoped3A : memref<!tpu.dma_semaphore, #tpu.memory_space<semaphore_mem>>) src(%dma_wait3A_135 : memref<16x128xf32, #tpu.memory_space<vmem_shared>>) dst(%dma_wait3A_132 : memref<16x128xf32, #tpu.memory_space<hbm>>)
        tpu.yield
      }) : () -> ()
    } else {
    }
    return
  }
}

#map = affine_map<(d0, d1) -> (0)>
#map1 = affine_map<(d0, d1) -> (0, 0)>
#map2 = affine_map<(d0, d1) -> (0, 0, 0)>
module attributes {stable_mosaic.version = 14 : i64} {
  func.func @deg_kernel(%arg0: i32, %arg1: i32, %arg2: memref<320000xi32, #tpu.memory_space<hbm>>, %arg3: memref<80x128xf32, #tpu.memory_space<hbm>>, %arg4: memref<80xi32, #tpu.memory_space<hbm>>, %arg5: memref<2x80x128xf32, #tpu.memory_space<hbm>>, %arg6: memref<10000xi32, #tpu.memory_space<vmem>>, %arg7: memref<80x128xf32, #tpu.memory_space<vmem>>, %arg8: memref<80xi32, #tpu.memory_space<vmem>>, %arg9: memref<80x128xf32, #tpu.memory_space<vmem_shared>>) attributes {dimension_semantics = [#tpu.dimension_semantics<core_parallel>, #tpu.dimension_semantics<subcore_parallel>], iteration_bounds = array<i64: 2, 16>, scalar_prefetch = 0 : i64, scratch_operands = 4 : i64, tpu.core_type = #tpu.core_type<sc_vector_subcore>, window_params = [{transform_indices = #map}, {transform_indices = #map1}, {transform_indices = #map}, {transform_indices = #map2}]} {
    %mul3A = arith.constant 16 : i32
    %mul3A_0 = arith.muli %arg0, %mul3A : i32
    %add3A = arith.addi %mul3A_0, %arg1 : i32
    %lt3A = arith.constant 10 : i32
    %lt3A_1 = arith.cmpi slt, %arg1, %lt3A : i32
    %convert_element_type3A = arith.extui %lt3A_1 : i1 to i32
    %cond3A = arith.constant 0 : i32
    %cond3A_2 = arith.cmpi ne, %convert_element_type3A, %cond3A : i32
    scf.if %cond3A_2 {
      %mul3A_15 = arith.constant 8 : i32
      %mul3A_16 = arith.muli %arg1, %mul3A_15 : i32
      "tpu.region"() ({
        %run_scoped3A = tpu.sem_alloc : memref<!tpu.dma_semaphore, #tpu.memory_space<semaphore_mem>>
        %dma_start3A = arith.constant 0 : i32
        %dma_start3A_17 = tpu.memref_slice %arg9[%mul3A_16, %dma_start3A] : memref<80x128xf32, #tpu.memory_space<vmem_shared>> -> memref<8x128xf32, #tpu.memory_space<vmem_shared>>
        %dma_start3A_18 = arith.constant 0 : i32
        %dma_start3A_19 = arith.constant 0 : i32
        %dma_start3A_20 = tpu.memref_slice %arg3[%dma_start3A_18, %dma_start3A_19] : memref<80x128xf32, #tpu.memory_space<hbm>> -> memref<8x128xf32, #tpu.memory_space<hbm>>
        tpu.enqueue_dma source(%dma_start3A_20 : memref<8x128xf32, #tpu.memory_space<hbm>>) target(%dma_start3A_17 : memref<8x128xf32, #tpu.memory_space<vmem_shared>>) target_semaphore(%run_scoped3A : memref<!tpu.dma_semaphore, #tpu.memory_space<semaphore_mem>>)
        %dma_wait3A = arith.constant 0 : i32
        %dma_wait3A_21 = tpu.memref_slice %arg9[%mul3A_16, %dma_wait3A] : memref<80x128xf32, #tpu.memory_space<vmem_shared>> -> memref<8x128xf32, #tpu.memory_space<vmem_shared>>
        %dma_wait3A_22 = arith.constant 0 : i32
        %dma_wait3A_23 = arith.constant 0 : i32
        %dma_wait3A_24 = tpu.memref_slice %arg3[%dma_wait3A_22, %dma_wait3A_23] : memref<80x128xf32, #tpu.memory_space<hbm>> -> memref<8x128xf32, #tpu.memory_space<hbm>>
        tpu.wait_dma2 semaphore(%run_scoped3A : memref<!tpu.dma_semaphore, #tpu.memory_space<semaphore_mem>>) src(%dma_wait3A_24 : memref<8x128xf32, #tpu.memory_space<hbm>>) dst(%dma_wait3A_21 : memref<8x128xf32, #tpu.memory_space<vmem_shared>>)
        tpu.yield
      }) : () -> ()
    } else {
    }
    "tpu.region"() ({
      %run_scoped3A = tpu.sem_alloc : memref<!tpu.dma_semaphore, #tpu.memory_space<semaphore_mem>>
      tpu.enqueue_dma source(%arg3 : memref<80x128xf32, #tpu.memory_space<hbm>>) target(%arg7 : memref<80x128xf32, #tpu.memory_space<vmem>>) target_semaphore(%run_scoped3A : memref<!tpu.dma_semaphore, #tpu.memory_space<semaphore_mem>>)
      tpu.wait_dma2 semaphore(%run_scoped3A : memref<!tpu.dma_semaphore, #tpu.memory_space<semaphore_mem>>) src(%arg3 : memref<80x128xf32, #tpu.memory_space<hbm>>) dst(%arg7 : memref<80x128xf32, #tpu.memory_space<vmem>>)
      tpu.yield
    }) : () -> ()
    "tpu.region"() ({
      %run_scoped3A = tpu.sem_alloc : memref<!tpu.dma_semaphore, #tpu.memory_space<semaphore_mem>>
      tpu.enqueue_dma source(%arg4 : memref<80xi32, #tpu.memory_space<hbm>>) target(%arg8 : memref<80xi32, #tpu.memory_space<vmem>>) target_semaphore(%run_scoped3A : memref<!tpu.dma_semaphore, #tpu.memory_space<semaphore_mem>>)
      tpu.wait_dma2 semaphore(%run_scoped3A : memref<!tpu.dma_semaphore, #tpu.memory_space<semaphore_mem>>) src(%arg4 : memref<80xi32, #tpu.memory_space<hbm>>) dst(%arg8 : memref<80xi32, #tpu.memory_space<vmem>>)
      tpu.yield
    }) : () -> ()
    %mul3A_3 = arith.constant 10000 : i32
    %mul3A_4 = arith.muli %add3A, %mul3A_3 : i32
    "tpu.region"() ({
      %run_scoped3A = tpu.sem_alloc : memref<!tpu.dma_semaphore, #tpu.memory_space<semaphore_mem>>
      %dma_start3A = tpu.memref_slice %arg2[%mul3A_4] : memref<320000xi32, #tpu.memory_space<hbm>> -> memref<10000xi32, #tpu.memory_space<hbm>>
      %dma_start3A_15 = tpu.memref_slice %arg2[%mul3A_4] : memref<320000xi32, #tpu.memory_space<hbm>> -> memref<10000xi32, #tpu.memory_space<hbm>>
      tpu.enqueue_dma source(%dma_start3A_15 : memref<10000xi32, #tpu.memory_space<hbm>>) target(%arg6 : memref<10000xi32, #tpu.memory_space<vmem>>) target_semaphore(%run_scoped3A : memref<!tpu.dma_semaphore, #tpu.memory_space<semaphore_mem>>)
      %dma_wait3A = tpu.memref_slice %arg2[%mul3A_4] : memref<320000xi32, #tpu.memory_space<hbm>> -> memref<10000xi32, #tpu.memory_space<hbm>>
      %dma_wait3A_16 = tpu.memref_slice %arg2[%mul3A_4] : memref<320000xi32, #tpu.memory_space<hbm>> -> memref<10000xi32, #tpu.memory_space<hbm>>
      tpu.wait_dma2 semaphore(%run_scoped3A : memref<!tpu.dma_semaphore, #tpu.memory_space<semaphore_mem>>) src(%dma_wait3A_16 : memref<10000xi32, #tpu.memory_space<hbm>>) dst(%arg6 : memref<10000xi32, #tpu.memory_space<vmem>>)
      tpu.yield
    }) : () -> ()
    %broadcast_in_dim3A = arith.constant 1.000000e+00 : f32
    %broadcast_in_dim3A_5 = vector.broadcast %broadcast_in_dim3A : f32 to vector<16xf32>
    %scan3A = arith.constant 0 : i32
    %scan3A_6 = arith.constant 625 : i32
    %scan3A_7 = arith.addi %scan3A, %scan3A_6 : i32
    %scan3A_8 = arith.constant 1 : i32
    scf.for %scan3A_15 = %scan3A to %scan3A_7 step %scan3A_8  : i32 {
      %mul3A_16 = arith.constant 16 : i32
      %mul3A_17 = arith.muli %scan3A_15, %mul3A_16 : i32
      %add3A_18 = arith.constant 0 : i32
      %add3A_19 = arith.addi %add3A_18, %mul3A_17 : i32
      %get3A = arith.index_cast %add3A_19 : i32 to index
      %get3A_20 = tpu.vector_load %arg6[%get3A] {strides = array<i32>} : memref<10000xi32, #tpu.memory_space<vmem>>, vector<16xi32>,
      %shift_right_logical3A = arith.constant 7 : i32
      %shift_right_logical3A_21 = vector.broadcast %shift_right_logical3A : i32 to vector<16xi32>
      %shift_right_logical3A_22 = arith.shrui %get3A_20, %shift_right_logical3A_21 : vector<16xi32>
      %and3A = arith.constant 127 : i32
      %and3A_23 = vector.broadcast %and3A : i32 to vector<16xi32>
      %and3A_24 = arith.andi %get3A_20, %and3A_23 : vector<16xi32>
      tpu.vector_store_idx %arg7[%shift_right_logical3A_22, %and3A_24], %broadcast_in_dim3A_5 {add = true} : memref<80x128xf32, #tpu.memory_space<vmem>>[vector<16xi32>, vector<16xi32>], vector<16xf32>,
    }
    %scan3A_9 = arith.constant 625 : i32
    %barrier3A = arith.constant 0 : index
    tpu.barrier barrier_id(%barrier3A)
    "tpu.region"() ({
      %run_scoped3A = tpu.sem_alloc : memref<!tpu.dma_semaphore, #tpu.memory_space<semaphore_mem>>
      %dma_start3A = arith.constant 0 : i32
      %dma_start3A_15 = arith.constant 0 : i32
      %dma_start3A_16 = tpu.memref_slice %arg9[%dma_start3A, %dma_start3A_15] : memref<80x128xf32, #tpu.memory_space<vmem_shared>> -> memref<80x128xf32, #tpu.memory_space<vmem_shared>>
      tpu.enqueue_indirect_dma source(%arg7 : memref<80x128xf32, #tpu.memory_space<vmem>>) target(%dma_start3A_16 : memref<80x128xf32, #tpu.memory_space<vmem_shared>>) offsets(%arg8 : memref<80xi32, #tpu.memory_space<vmem>>) semaphore(%run_scoped3A : memref<!tpu.dma_semaphore, #tpu.memory_space<semaphore_mem>>) {add = true}
      %dma_wait3A = arith.constant 0 : i32
      %dma_wait3A_17 = arith.constant 0 : i32
      %dma_wait3A_18 = tpu.memref_slice %arg9[%dma_wait3A, %dma_wait3A_17] : memref<80x128xf32, #tpu.memory_space<vmem_shared>> -> memref<80x128xf32, #tpu.memory_space<vmem_shared>>
      tpu.wait_indirect_dma semaphore(%run_scoped3A : memref<!tpu.dma_semaphore, #tpu.memory_space<semaphore_mem>>) src(%arg7 : memref<80x128xf32, #tpu.memory_space<vmem>>) dst(%dma_wait3A_18 : memref<80x128xf32, #tpu.memory_space<vmem_shared>>)
      tpu.yield
    }) : () -> ()
    %barrier3A_10 = arith.constant 0 : index
    tpu.barrier barrier_id(%barrier3A_10)
    %eq3A = arith.constant 0 : i32
    %eq3A_11 = arith.cmpi eq, %arg1, %eq3A : i32
    %convert_element_type3A_12 = arith.extui %eq3A_11 : i1 to i32
    %cond3A_13 = arith.constant 0 : i32
    %cond3A_14 = arith.cmpi ne, %convert_element_type3A_12, %cond3A_13 : i32
    scf.if %cond3A_14 {
      "tpu.region"() ({
        %run_scoped3A = tpu.sem_alloc : memref<!tpu.dma_semaphore, #tpu.memory_space<semaphore_mem>>
        %dma_start3A = arith.constant 0 : i32
        %dma_start3A_15 = arith.constant 0 : i32
        %dma_start3A_16 = tpu.memref_slice %arg5[%arg0, %dma_start3A, %dma_start3A_15] : memref<2x80x128xf32, #tpu.memory_space<hbm>> -> memref<1x80x128xf32, #tpu.memory_space<hbm>>
        %dma_start3A_17 = tpu.memref_squeeze %dma_start3A_16 : memref<1x80x128xf32, #tpu.memory_space<hbm>> -> memref<80x128xf32, #tpu.memory_space<hbm>>
        tpu.enqueue_dma source(%arg9 : memref<80x128xf32, #tpu.memory_space<vmem_shared>>) target(%dma_start3A_17 : memref<80x128xf32, #tpu.memory_space<hbm>>) target_semaphore(%run_scoped3A : memref<!tpu.dma_semaphore, #tpu.memory_space<semaphore_mem>>)
        %dma_wait3A = arith.constant 0 : i32
        %dma_wait3A_18 = arith.constant 0 : i32
        %dma_wait3A_19 = tpu.memref_slice %arg5[%arg0, %dma_wait3A, %dma_wait3A_18] : memref<2x80x128xf32, #tpu.memory_space<hbm>> -> memref<1x80x128xf32, #tpu.memory_space<hbm>>
        %dma_wait3A_20 = tpu.memref_squeeze %dma_wait3A_19 : memref<1x80x128xf32, #tpu.memory_space<hbm>> -> memref<80x128xf32, #tpu.memory_space<hbm>>
        tpu.wait_dma2 semaphore(%run_scoped3A : memref<!tpu.dma_semaphore, #tpu.memory_space<semaphore_mem>>) src(%arg9 : memref<80x128xf32, #tpu.memory_space<vmem_shared>>) dst(%dma_wait3A_20 : memref<80x128xf32, #tpu.memory_space<hbm>>)
        tpu.yield
      }) : () -> ()
    } else {
    }
    return
  }
}

module attributes {stable_mosaic.version = 14 : i64} {
  func.func @_scale_body(%arg0: i32, %arg1: memref<1000x128xf32, #tpu.memory_space<vmem>>, %arg2: memref<1000x1xf32, #tpu.memory_space<vmem>>, %arg3: memref<1000x1xf32, #tpu.memory_space<vmem>>, %arg4: memref<1000x128xf32, #tpu.memory_space<vmem>>) attributes {dimension_semantics = [#tpu.dimension_semantics<arbitrary>], iteration_bounds = array<i64: 10>, scalar_prefetch = 0 : i64, scratch_operands = 0 : i64, tpu.core_type = #tpu.core_type<tc>, window_params = [{transform_indices = @transform_0, window_bounds = array<i64: 1000, 128>}, {transform_indices = @transform_1, window_bounds = array<i64: 1000, 1>}, {transform_indices = @transform_2, window_bounds = array<i64: 1000, 1>}, {transform_indices = @transform_3, window_bounds = array<i64: 1000, 128>}]} {
    %get3A = arith.constant 0 : index
    %get3A_0 = arith.constant 0 : index
    %get3A_1 = vector.load %arg2[%get3A, %get3A_0] : memref<1000x1xf32, #tpu.memory_space<vmem>>, vector<1000x1xf32>
    %get3A_2 = arith.constant 0 : index
    %get3A_3 = arith.constant 0 : index
    %get3A_4 = vector.load %arg3[%get3A_2, %get3A_3] : memref<1000x1xf32, #tpu.memory_space<vmem>>, vector<1000x1xf32>
    %add3A = arith.addf %get3A_1, %get3A_4 : vector<1000x1xf32>
    %max3A = arith.constant 1.000000e+00 : f32
    %max3A_5 = vector.broadcast %max3A : f32 to vector<1000x1xf32>
    %max3A_6 = arith.maximumf %add3A, %max3A_5 : vector<1000x1xf32>
    %rsqrt3A = math.rsqrt %max3A_6 : vector<1000x1xf32>
    %get3A_7 = arith.constant 0 : index
    %get3A_8 = arith.constant 0 : index
    %get3A_9 = vector.load %arg1[%get3A_7, %get3A_8] : memref<1000x128xf32, #tpu.memory_space<vmem>>, vector<1000x128xf32>
    %mul3A = vector.broadcast %rsqrt3A : vector<1000x1xf32> to vector<1000x128xf32>
    %mul3A_10 = arith.mulf %get3A_9, %mul3A : vector<1000x128xf32>
    %swap3A = arith.constant 0 : index
    %swap3A_11 = arith.constant 0 : index
    %swap3A_12 = vector.load %arg4[%swap3A, %swap3A_11] : memref<1000x128xf32, #tpu.memory_space<vmem>>, vector<1000x128xf32>
    tpu.vector_store %arg4[%swap3A, %swap3A_11], %mul3A_10 {strides = array<i32>} : memref<1000x128xf32, #tpu.memory_space<vmem>>, vector<1000x128xf32>,
    return
  }
  func.func @transform_0(%arg0: i32) -> (i32, i32) {
    %c0_i32 = arith.constant 0 : i32
    %c0_i32_0 = arith.constant 0 : i32
    return %arg0, %c0_i32 : i32, i32
  }
  func.func @transform_1(%arg0: i32) -> (i32, i32) {
    %c0_i32 = arith.constant 0 : i32
    %c0_i32_0 = arith.constant 0 : i32
    return %arg0, %c0_i32 : i32, i32
  }
  func.func @transform_2(%arg0: i32) -> (i32, i32) {
    %c0_i32 = arith.constant 0 : i32
    %c0_i32_0 = arith.constant 0 : i32
    return %arg0, %c0_i32 : i32, i32
  }
  func.func @transform_3(%arg0: i32) -> (i32, i32) {
    %c0_i32 = arith.constant 0 : i32
    %c0_i32_0 = arith.constant 0 : i32
    return %arg0, %c0_i32 : i32, i32
  }
}

module attributes {stable_mosaic.version = 14 : i64} {
  func.func @_final_body(%arg0: i32, %arg1: memref<1000x128xf32, #tpu.memory_space<vmem>>, %arg2: memref<1000x128xf32, #tpu.memory_space<vmem>>, %arg3: memref<1000x128xf32, #tpu.memory_space<vmem>>, %arg4: memref<1000x1xf32, #tpu.memory_space<vmem>>, %arg5: memref<1000x1xf32, #tpu.memory_space<vmem>>, %arg6: memref<128x128xf32, #tpu.memory_space<vmem>>, %arg7: memref<128x128xf32, #tpu.memory_space<vmem>>, %arg8: memref<1000x128xf32, #tpu.memory_space<vmem>>) attributes {dimension_semantics = [#tpu.dimension_semantics<arbitrary>], iteration_bounds = array<i64: 10>, scalar_prefetch = 0 : i64, scratch_operands = 0 : i64, tpu.core_type = #tpu.core_type<tc>, window_params = [{transform_indices = @transform_0, window_bounds = array<i64: 1000, 128>}, {transform_indices = @transform_1, window_bounds = array<i64: 1000, 128>}, {transform_indices = @transform_2, window_bounds = array<i64: 1000, 128>}, {transform_indices = @transform_3, window_bounds = array<i64: 1000, 1>}, {transform_indices = @transform_4, window_bounds = array<i64: 1000, 1>}, {pipeline_mode = #tpu.pipeline_mode<synchronous>, transform_indices = @transform_5, window_bounds = array<i64: 128, 128>}, {pipeline_mode = #tpu.pipeline_mode<synchronous>, transform_indices = @transform_6, window_bounds = array<i64: 128, 128>}, {transform_indices = @transform_7, window_bounds = array<i64: 1000, 128>}]} {
    %get3A = arith.constant 0 : index
    %get3A_0 = arith.constant 0 : index
    %get3A_1 = vector.load %arg4[%get3A, %get3A_0] : memref<1000x1xf32, #tpu.memory_space<vmem>>, vector<1000x1xf32>
    %get3A_2 = arith.constant 0 : index
    %get3A_3 = arith.constant 0 : index
    %get3A_4 = vector.load %arg5[%get3A_2, %get3A_3] : memref<1000x1xf32, #tpu.memory_space<vmem>>, vector<1000x1xf32>
    %add3A = arith.addf %get3A_1, %get3A_4 : vector<1000x1xf32>
    %max3A = arith.constant 1.000000e+00 : f32
    %max3A_5 = vector.broadcast %max3A : f32 to vector<1000x1xf32>
    %max3A_6 = arith.maximumf %add3A, %max3A_5 : vector<1000x1xf32>
    %rsqrt3A = math.rsqrt %max3A_6 : vector<1000x1xf32>
    %get3A_7 = arith.constant 0 : index
    %get3A_8 = arith.constant 0 : index
    %get3A_9 = vector.load %arg2[%get3A_7, %get3A_8] : memref<1000x128xf32, #tpu.memory_space<vmem>>, vector<1000x128xf32>
    %get3A_10 = arith.constant 0 : index
    %get3A_11 = arith.constant 0 : index
    %get3A_12 = vector.load %arg3[%get3A_10, %get3A_11] : memref<1000x128xf32, #tpu.memory_space<vmem>>, vector<1000x128xf32>
    %add3A_13 = arith.addf %get3A_9, %get3A_12 : vector<1000x128xf32>
    %mul3A = vector.broadcast %rsqrt3A : vector<1000x1xf32> to vector<1000x128xf32>
    %mul3A_14 = arith.mulf %add3A_13, %mul3A : vector<1000x128xf32>
    %get3A_15 = arith.constant 0 : index
    %get3A_16 = arith.constant 0 : index
    %get3A_17 = vector.load %arg1[%get3A_15, %get3A_16] : memref<1000x128xf32, #tpu.memory_space<vmem>>, vector<1000x128xf32>
    %add3A_18 = arith.addf %get3A_17, %mul3A_14 : vector<1000x128xf32>
    %get3A_19 = arith.constant 0 : index
    %get3A_20 = arith.constant 0 : index
    %get3A_21 = vector.load %arg6[%get3A_19, %get3A_20] : memref<128x128xf32, #tpu.memory_space<vmem>>, vector<128x128xf32>
    %dot_general3A = arith.constant dense<0.000000e+00> : vector<1000x128xf32>
    %dot_general3A_22 = tpu.matmul %add3A_18, %get3A_21, %dot_general3A {dimension_numbers = #tpu.dot_dimension_numbers<[1], [0], [0], [1], [0, 0, 1, 1], [], []>, transpose_lhs_hint = false} : vector<1000x128xf32>, vector<128x128xf32>, vector<1000x128xf32> -> vector<1000x128xf32>
    %mul3A_23 = arith.mulf %mul3A_14, %get3A_17 : vector<1000x128xf32>
    %get3A_24 = arith.constant 0 : index
    %get3A_25 = arith.constant 0 : index
    %get3A_26 = vector.load %arg7[%get3A_24, %get3A_25] : memref<128x128xf32, #tpu.memory_space<vmem>>, vector<128x128xf32>
    %dot_general3A_27 = arith.constant dense<0.000000e+00> : vector<1000x128xf32>
    %dot_general3A_28 = tpu.matmul %mul3A_23, %get3A_26, %dot_general3A_27 {dimension_numbers = #tpu.dot_dimension_numbers<[1], [0], [0], [1], [0, 0, 1, 1], [], []>, transpose_lhs_hint = false} : vector<1000x128xf32>, vector<128x128xf32>, vector<1000x128xf32> -> vector<1000x128xf32>
    %add3A_29 = arith.addf %dot_general3A_22, %dot_general3A_28 : vector<1000x128xf32>
    %ge3A = arith.constant 0.000000e+00 : f32
    %ge3A_30 = vector.broadcast %ge3A : f32 to vector<1000x128xf32>
    %ge3A_31 = arith.cmpf oge, %add3A_29, %ge3A_30 : vector<1000x128xf32>
    %mul3A_32 = arith.constant 0.00999999977 : f32
    %mul3A_33 = vector.broadcast %mul3A_32 : f32 to vector<1000x128xf32>
    %mul3A_34 = arith.mulf %mul3A_33, %add3A_29 : vector<1000x128xf32>
    %select_n3A = arith.select %ge3A_31, %add3A_29, %mul3A_34 : vector<1000x128xi1>, vector<1000x128xf32>
    %swap3A = arith.constant 0 : index
    %swap3A_35 = arith.constant 0 : index
    %swap3A_36 = vector.load %arg8[%swap3A, %swap3A_35] : memref<1000x128xf32, #tpu.memory_space<vmem>>, vector<1000x128xf32>
    tpu.vector_store %arg8[%swap3A, %swap3A_35], %select_n3A {strides = array<i32>} : memref<1000x128xf32, #tpu.memory_space<vmem>>, vector<1000x128xf32>,
    return
  }
  func.func @transform_0(%arg0: i32) -> (i32, i32) {
    %c0_i32 = arith.constant 0 : i32
    %c0_i32_0 = arith.constant 0 : i32
    return %arg0, %c0_i32 : i32, i32
  }
  func.func @transform_1(%arg0: i32) -> (i32, i32) {
    %c0_i32 = arith.constant 0 : i32
    %c0_i32_0 = arith.constant 0 : i32
    return %arg0, %c0_i32 : i32, i32
  }
  func.func @transform_2(%arg0: i32) -> (i32, i32) {
    %c0_i32 = arith.constant 0 : i32
    %c0_i32_0 = arith.constant 0 : i32
    return %arg0, %c0_i32 : i32, i32
  }
  func.func @transform_3(%arg0: i32) -> (i32, i32) {
    %c0_i32 = arith.constant 0 : i32
    %c0_i32_0 = arith.constant 0 : i32
    return %arg0, %c0_i32 : i32, i32
  }
  func.func @transform_4(%arg0: i32) -> (i32, i32) {
    %c0_i32 = arith.constant 0 : i32
    %c0_i32_0 = arith.constant 0 : i32
    return %arg0, %c0_i32 : i32, i32
  }
  func.func @transform_5(%arg0: i32) -> (i32, i32) {
    %c0_i32 = arith.constant 0 : i32
    %c0_i32_0 = arith.constant 0 : i32
    %c0_i32_1 = arith.constant 0 : i32
    return %c0_i32, %c0_i32_0 : i32, i32
  }
  func.func @transform_6(%arg0: i32) -> (i32, i32) {
    %c0_i32 = arith.constant 0 : i32
    %c0_i32_0 = arith.constant 0 : i32
    %c0_i32_1 = arith.constant 0 : i32
    return %c0_i32, %c0_i32_0 : i32, i32
  }
  func.func @transform_7(%arg0: i32) -> (i32, i32) {
    %c0_i32 = arith.constant 0 : i32
    %c0_i32_0 = arith.constant 0 : i32
    return %arg0, %c0_i32 : i32, i32
  }
}

</mosaic_0001>

<sc_bundles>
// kernel: kernel.6.cloned.1.call-start
scs
__scs_entry_jumppad:
0x0: {  	(pc) =	sbr.rel $0x88, $3  }
0x1: {  	(tag) =	ssettag $0x0;
	lr =	simm.s32 $0x1  }
0x2: {  	[smem:$0x3F9D] =	sst lr;
	_ =	strace $0xD0000000  }
0x3: {  	_ = 	snop  }
0x4: {  	_ = 	snop  }
0x5: {  	_ = 	snop  }
0x6: {  	_ = 	snop  }
0x7: {  	_ = 	snop  }
__scs_overlays_trampoline_lowered:
0x8: {  	[smem:$0x3FAC] =	sst s0  }
0x9: {  	[smem:$0x3FAD] =	sst s1  }
0xa: {  	[smem:$0x3FAE] =	sst s2  }
0xb: {  	[smem:$0x3FAF] =	sst s3  }
0xc: {  	[smem:$0x3FB0] =	sst s4  }
0xd: {  	[smem:$0x3FB1] =	sst s5  }
0xe: {  	[smem:$0x3FB2] =	sst s6  }
0xf: {  	[smem:$0x3FB3] =	sst s7  }
0x10: {  	[smem:$0x3FB4] =	sst s8  }
0x11: {  	[smem:$0x3FB5] =	sst s9;
	s0 =	simm.s32 @!p0 $0x0  }
0x12: {  	s1 =	sld [smem:$0x3F9B];
	s0 =	simm.s32 @p0 $0x1  }
0x13: {  	[smem:$0x3FB6] =	sst s0;
	s0 =	simm.s32 @!p1 $0x0  }
0x14: {  	s2 =	sld [smem:$0x3F9A];
	s0 =	simm.s32 @p1 $0x1  }
0x15: {  	[smem:$0x3FB7] =	sst s0;
	s0 =	simm.s32 @!p2 $0x0  }
0x16: {  	s3 =	sld [smem:$0x3FDB];
	s0 =	simm.s32 @p2 $0x1  }
0x17: {  	s4 =	simm.s32 $0x1BF5;
	[smem:$0x3FB9] =	sst s0  }
0x18: {  	s0 =	sld [smem:$0x3F9C];
	_ =	swait.ge [sflag:s4], $0x0  }
0x19: {  	s7 =	sld [smem:$0x3F9D]  }
0x1a: {  	s8 =	sadd.s32 $0xFFFFE003, lr  }
0x1b: {  	s9 =	sadd.s32 $0xFFFFFEF7, lr;
	s5 =	simm.s32 $0xFFFFFFFF;
	p2 =	slt.u32 s8, $0xFFFFF086  }
0x1c: {  	p1 =	slt.u32 s9, $0xF7A;
	s5 =	simm.s32 @!p2 $0x0  }
0x1d: {  	s5 =	simm.s32 @p1 $0x1;
	p0 =	seq.s32 s7, s2  }
0x1e: {  	s7 =	smul.u32 @!p0 $0xF7A, s2;
	p2 =	seq.s32 @!p0 s5, $0x0  }
0x1f: {  	s9 =	smul.u32 $0xF7A, s1;
	s8 =	simm.s32 @!p0 $0x1BF5;
	p2 =	por !p2, p0  }
0x20: {  	[sflag:s8] =	ssyncset.s32 @!p0 $0xFFFFF086;
	s6 =	sadd.s32 @!p0 s3, s7;
	s7 =	simm.s32 @!p0 $0x108  }
0x21: {  	s3 =	sadd.s32 s3, s9;
	s6 =	sadd.s32 @!p0 $0x88, s6;
	s7 =	simm.s32 @p2 $0x1082  }
0x22: {  	[simem:s7], [sflag:s8] =	dma.local @!p0 [hbm:s6], $0xF7A  }
0x23: {  	s9 =	sor.u32 $0xD0000000, s2;
	s6 =	simm.s32 $0x108;
	_ =	swait.ge @!p0 [sflag:s8], $0x0  }
0x24: {  	s3 =	sadd.s32 $0x88, s3;
	s6 =	simm.s32 @!p1 $0x1082;
	[sflag:s4] =	ssyncset.s32 $0xFFFFF086  }
0x25: {  	[simem:s6], [sflag:s4] =	dma.local [hbm:s3], $0xF7A  }
0x26: {  	[smem:$0x3F9D] =	sst s1;
	(tag) =	ssettag s2;
	_ =	strace s9  }
0x27: {  	s1 =	sld [smem:$0x3FAD]  }
0x28: {  	s2 =	sld [smem:$0x3FAE]  }
0x29: {  	s4 =	sld [smem:$0x3FB0]  }
0x2a: {  	p0 =	seq.s32 s5, $0x0;
	s5 =	sld [smem:$0x3FB1]  }
0x2b: {  	s6 =	sld [smem:$0x3FB2]  }
0x2c: {  	s7 =	sld [smem:$0x3FB3]  }
0x2d: {  	s3 =	simm.s32 $0x108;
	s8 =	sld [smem:$0x3FB4]  }
0x2e: {  	s3 =	simm.s32 @!p0 $0x1082;
	s9 =	sld [smem:$0x3FB5]  }
0x2f: {  	lr =	sadd.s32 s0, s3;
	s0 =	sld [smem:$0x3FAC]  }
0x30: {  	s3 =	sld [smem:$0x3FAF]  }
0x31: {  	[smem:$0x3FB8] =	sst s10  }
0x32: {  	s10 =	sld [smem:$0x3FB6];
	_ =	sdelay $0x3  }
0x33: {  	p0 =	seq.s32 s10, $0x1;
	s10 =	sld [smem:$0x3FB8];
	_ =	sdelay $0x3  }
0x34: {  	[smem:$0x3FB8] =	sst s10  }
0x35: {  	s10 =	sld [smem:$0x3FB7];
	_ =	sdelay $0x3  }
0x36: {  	p1 =	seq.s32 s10, $0x1;
	s10 =	sld [smem:$0x3FB8];
	_ =	sdelay $0x3  }
0x37: {  	[smem:$0x3FB8] =	sst s10  }
0x38: {  	s10 =	sld [smem:$0x3FB9]  }
0x39: {  	_ = 	snop;
	(pc) =	sbr.ind lr, $3  }
0x3a: {  	_ = 	snop  }
0x3b: {  	_ = 	snop  }
0x3c: {  	p2 =	seq.s32 s10, $0x1;
	s10 =	sld [smem:$0x3FB8]  }
0x3d: {  	_ =	shalt  }
0x3e: {  	_ =	shalt  }
0x3f: {  	_ =	shalt  }
0x40: {  	_ =	shalt  }
0x41: {  	_ =	shalt  }
0x42: {  	_ =	shalt  }
0x43: {  	_ =	shalt  }
0x44: {  	_ =	shalt  }
0x45: {  	_ =	shalt  }
0x46: {  	_ =	shalt  }
0x47: {  	_ =	shalt  }
0x48: {  	_ =	shalt  }
0x49: {  	_ =	shalt  }
0x4a: {  	_ =	shalt  }
0x4b: {  	_ =	shalt  }
0x4c: {  	_ =	shalt  }
0x4d: {  	_ =	shalt  }
0x4e: {  	_ =	shalt  }
0x4f: {  	_ =	shalt  }
0x50: {  	_ =	shalt  }
0x51: {  	_ =	shalt  }
0x52: {  	_ =	shalt  }
0x53: {  	_ =	shalt  }
0x54: {  	_ =	shalt  }
0x55: {  	_ =	shalt  }
0x56: {  	_ =	shalt  }
0x57: {  	_ =	shalt  }
0x58: {  	_ =	shalt  }
0x59: {  	_ =	shalt  }
0x5a: {  	_ =	shalt  }
0x5b: {  	_ =	shalt  }
0x5c: {  	_ =	shalt  }
0x5d: {  	_ =	shalt  }
0x5e: {  	_ =	shalt  }
0x5f: {  	_ =	shalt  }
0x60: {  	_ =	shalt  }
0x61: {  	_ =	shalt  }
0x62: {  	_ =	shalt  }
0x63: {  	_ =	shalt  }
0x64: {  	_ =	shalt  }
0x65: {  	_ =	shalt  }
0x66: {  	_ =	shalt  }
0x67: {  	_ =	shalt  }
0x68: {  	_ =	shalt  }
0x69: {  	_ =	shalt  }
0x6a: {  	_ =	shalt  }
0x6b: {  	_ =	shalt  }
0x6c: {  	_ =	shalt  }
0x6d: {  	_ =	shalt  }
0x6e: {  	_ =	shalt  }
0x6f: {  	_ =	shalt  }
0x70: {  	_ =	shalt  }
0x71: {  	_ =	shalt  }
0x72: {  	_ =	shalt  }
0x73: {  	_ =	shalt  }
0x74: {  	_ =	shalt  }
0x75: {  	_ =	shalt  }
0x76: {  	_ =	shalt  }
0x77: {  	_ =	shalt  }
0x78: {  	_ =	shalt  }
0x79: {  	_ =	shalt  }
0x7a: {  	_ =	shalt  }
0x7b: {  	_ =	shalt  }
0x7c: {  	_ =	shalt  }
0x7d: {  	_ =	shalt  }
0x7e: {  	_ =	shalt  }
0x7f: {  	_ =	shalt  }
0x80: {  	_ =	shalt  }
0x81: {  	_ =	shalt  }
0x82: {  	_ =	shalt  }
0x83: {  	_ =	shalt  }
0x84: {  	_ =	shalt  }
0x85: {  	_ =	shalt  }
0x86: {  	_ =	shalt  }
0x87: {  	_ =	shalt  }
.Lfunc_end0:
.L_simem_size_0:
called_computation_lowered:
.L_overlay_start_0:
0x88: {  	s2 =	sld [smem:$0x3FD9]  }
0x89: {  	s3 =	sld [smem:$0x3FFE];
	_ =	sdelay $0x1  }
0x8a: {  	s1 =	srdreg.scid  }
0x8b: {  	s0 =	sand.u32 $0x1, s1  }
0x8c: {  	s16 =	sshll.u32 s0, $0xA;
	s2 =	sadd.s32 s3, s2  }
0x8d: {  	s2 =	sadd.s32 s2, s16  }
0x8e: {  	[smem:$0x3FC4] =	sst s2  }
0x8f: {  	_ = 	snop  }
0x90: {  	(tm) =	ssettm $0x1  }
0x91: {  	s17 =	sld [smem:$0x3FFB];
	_ =	sdelay $0x3  }
0x92: {  	_ =	strace s17  }
0x93: {  	s2 =	sld [smem:$0x3FFC];
	_ =	sdelay $0x3  }
0x94: {  	_ =	strace s2  }
0x95: {  	s2 =	sld [smem:$0x3FFD];
	_ =	sdelay $0x3  }
0x96: {  	_ =	strace s2  }
0x97: {  	_ =	strace $0x8FFFFFFF  }
0x98: {  	s18 =	sld [smem:$0x3FDB];
	_ =	sdelay $0x1  }
0x99: {  	s19 =	simm.s32 $_scs_section_size  }
0x9a: {  	s4 =	simm.s32 $_size__tile_overlayer_lowered;
	s5 =	simm.s32 $_tile_overlayer_lowered  }
0x9b: {  	s22 =	simm.s32 $0x1BFF;
	s21 =	sshll.u32 s5, $0x1;
	s2 =	sadd.s32 s19, s18  }
0x9c: {  	s6 =	simm.s32 $0x0;
	s20 =	sshll.u32 s4, $0x1;
	s4 =	sadd.s32 s21, s2  }
0x9d: {  	[timem:s6], [sflag:s22] =	dma.local [hbm:s4], s20  }
0x9e: {  	_ =	swait.ge [sflag:s22], s20  }
0x9f: {  	s3 =	ssub.s32 $0x0, s20;
	[sflag:s22] =	ssyncset.done $0x0  }
0xa0: {  	[sflag:s22] =	ssyncadd.s32 s3;
	_ =	sdelay $0x1  }
0xa1: {  	s23 =	simm.s32 $0x1B8B  }
0xa2: {  	_ =	swait.ge [sflag:s23], $0x1  }
0xa3: {  	[sflag:s23] =	ssyncset.done $0x0  }
0xa4: {  	s25 =	simm.s32 $0x1B8E;
	s24 =	sld [smem:$0x3FFE];
	[sflag:s23] =	ssyncadd.s32 $0xFFFFFFFF  }
0xa5: {  	s26 =	simm.s32 $execute0_lowered;
	[smem:$0x3FD2] =	sst s25  }
0xa6: {  	s4 =	sshll.u32 s26, $0x1;
	_ =	strace $0x80000046;
	[dreg:$0x1] =	wrdreg $0xFFFFFFFF  }
0xa7: {  	s28 =	simm.s32 $_size_execute0_lowered;
	s2 =	sadd.s32 s2, s4;
	[dreg:$0x0] =	wrdreg $0x0  }
0xa8: {  	s4 =	sshll.u32 s28, $0x1;
	[dreg:$0x2] =	wrdreg s2  }
0xa9: {  	[dreg:$0x3] =	wrdreg s4  }
0xaa: {  	[dreg:$0x4] =	wrdreg $0xC0  }
0xab: {  	_ =	task [dreg:s6], $0x5FFFF  }
0xac: {  	[dreg:$0x1] =	wrdreg $0xFFFFFFFF  }
0xad: {  	[dreg:$0x0] =	wrdreg $0x60  }
0xae: {  	[dreg:$0x2] =	wrdreg s24  }
0xaf: {  	[dreg:$0x3] =	wrdreg $0x50000  }
0xb0: {  	[dreg:$0x4] =	wrdreg $0x9  }
0xb1: {  	_ =	task.clear_ibuf [dreg:s6], $0x5FFFF;
	_ =	strace $0x90000046  }
0xb2: {  	s29 =	simm.s32 $0x9;
	_ =	strace $0x80000048  }
0xb3: {  	_ =	swait.ge [sflag:s29], $0x1  }
0xb4: {  	[sflag:s29] =	ssyncadd.s32 $0xFFFFFFFF  }
0xb5: {  	_ =	strace $0x90000048  }
0xb6: {  	_ =	sfence  }
0xb7: {  	s30 =	sld [smem:$0x0];
	_ =	sdelay $0x2  }
0xb8: {  	s31 =	sshll.u32 s1, $0xD;
	s1 =	sshrl.u32 s1, $0x2  }
0xb9: {  	s3 =	sand.u32 $0x4000, s31;
	s1 =	sadd.s32 s1, s30  }
0xba: {  	s0 =	sor.u32 s3, s0;
	s1 =	sshll.u32 s1, $0x11  }
0xbb: {  	s0 =	sor.u32 s1, s0  }
0xbc: {  	s0 =	sadd.s32 $0x8F2B, s0  }
0xbd: {  	[sflag:s0] =	ssyncadd.remote.s32 $0x1  }
0xbe: {  	_ =	sfence.sel $0xFFFF  }
0xbf: {  	[dreg:$0x0] =	wrdreg $0xFFFFFFFF;
	(pc) =	sbr.abs _section_cstart, $3  }
0xc0: {  	[dreg:$0x1] =	wrdreg $0xFFFFFFFF  }
0xc1: {  	_ =	task.clear_ibuf [dreg:s6], $0x2FFFF;
	_ =	strace $0x9FFFFFFF  }
0xc2: {  	(tm) =	ssettm $0x7FFFFFFF  }
0xc3: {  	_ =	shalt  }
tec
execute0_lowered:
.L_overlay_start_1:
0x0: {  	(tag) =	ssettag $0x1  }
0x1: {  	s5 =	rddreg [dreg:$0x0]  }
0x2: {  	s0 =	srdreg.scid;
	s1 =	rddreg [dreg:$0x1]  }
0x3: {  	s13 =	stileid.u32;
	s2 =	simm.s32 $0x0;
	s10 =	simm.s32 $0x2780  }
0x4: {  	s11 =	simm.s32 $0x1;
	s3 =	sand.u32 $0x1, s0;
	s0 =	rddreg [dreg:$0x2]  }
0x5: {  	s12 =	simm.s32 $0x4F80;
	s15 =	simm.s32 $0x0;
	[smem:$0x7FF] =	sst s2  }
0x6: {  	s31 =	sshll.u32 s13, $0xA;
	p0 =	sgt.u32 s13, $0x9;
	s4 =	sshll.u32 s3, $0x4  }
0x7: {  	p1 =	sne.s32 s13, $0x0;
	s7 =	smul.u32 $0x500, s3;
	s4 =	sor.u32 s13, s4  }
0x8: {  	_ =	strace $0x80000047;
	s8 =	ssub.s32 $0x2, s3;
	s4 =	smul.u32 $0x4E2, s4  }
0x9: {  	s3 =	sadd.s32 $0xB800, s5;
	s14 =	sshrl.u32 @!p1 s1, $0x3;
	s9 =	sshrl.u32 s8, $0x1  }
0xa: {  	s7 =	sadd.s32 s7, s5;
	s8 =	ssub.s32 s8, s9;
	s6 =	sadd.s32 s4, s5  }
0xb: {  	s9 =	sadd.s32 s31, s1;
	s4 =	sadd.s32 $0xB600, s5;
	s5 =	sadd.s32 $0x1800, s6  }
0xc: {  	s6 =	sadd.s32 $0xBE00, s7;
	s7 =	smax.u32 s8, $0x1;
	s8 =	sshll.u32 @!p0 s13, $0x6  }
0xd: {  	v0 =	vimm.f32 $1.000000000e+00;
	s9 =	sshrl.u32 @!p0 s9, $0x3;
	s13 =	simm.s32 $0x50;
	s8 =	sor.u32 @!p0 $0x1C01, s8  }
.LBB2_1:
0xe: {  	[spmem:s9], [sflag:s8] =	dma.local @!p0 [hbm:s3], $0x80  }
0xf: {  	s16 =	simm.s32 @!p0 $0x1  }
0x10: {  	_ =	swait.ge @!p0 [sflag:s16], $0x80  }
0x11: {  	[sflag:s16] =	ssyncset.done @!p0 $0x0  }
0x12: {  	[sflag:s16] =	ssyncadd.s32 @!p0 $0xFFFFFF80  }
0x13: {  	[tilespmem:s10], [sflag:$0x1] =	stream.linear.gather [hbm4b:s3+s2], $0x2800, $0x38;
	[tilespmem:$0x5280] =	vst v63  }
0x14: {  	_ =	swait.ge [sflag:s11], $0x2800  }
0x15: {  	[sflag:s11] =	ssyncset.done $0x0  }
0x16: {  	[sflag:s11] =	ssyncadd.s32 $0xFFFFD800  }
0x17: {  	[tilespmem:s12], [sflag:$0x1] =	stream.linear.gather [hbm4b:s4+s2], $0x80, $0x38;
	[tilespmem:$0x5280] =	vst v63  }
0x18: {  	_ =	swait.ge [sflag:s11], $0x80  }
0x19: {  	[sflag:s11] =	ssyncset.done $0x0  }
0x1a: {  	[sflag:s11] =	ssyncadd.s32 $0xFFFFFF80  }
0x1b: {  	[tilespmem:s2], [sflag:$0x1] =	stream.linear.gather [hbm4b:s5+s2], $0x2710, $0x38;
	[tilespmem:$0x5280] =	vst v63  }
0x1c: {  	_ =	swait.ge [sflag:s11], $0x2710  }
0x1d: {  	[sflag:s11] =	ssyncset.done $0x0  }
0x1e: {  	s17 =	simm.s32 $0x0;
	s16 =	simm.s32 $0x40;
	[sflag:s11] =	ssyncadd.s32 $0xFFFFD8F0  }
.LBB2_2:
0x1f: {  	p2 =	sne.s32 s16, $0x9C00;
	v1 =	vld [tilespmem:s17+$0x0];
	_ =	sdelay $0x3  }
.Ltmp0:
0x20: {  	(pc) =	sbr.rel @p2 .LBB2_2-.Ltmp0, $2  }
0x21: {  	_ =	sdelay $0x2  }
0x22: {  	s17 =	sshra.s32 s16, $0x2;
	s16 =	sadd.s32 $0x40, s16;
	[tilespmem:v1+s10+$0x0] =	vst.idx.add.f32.msk $0xffff, v0  }
0x23: {  	v1 =	vld [tilespmem:s17+$0x0];
	_ =	sdelay $0x7  }
0x24: {  	[tilespmem:v1+s10+$0x0] =	vst.idx.add.f32.msk $0xffff, v0  }
0x25: {  	[bflag:$0x0] =	sbarrier.arrive $0xFFFF  }
0x26: {  	[spmem:s1] =	stream.indirect.scatter.add.f32 [tilespmem:s10], [sflag:$0x1], $0x80, s12, s13, $0xb8;
	[tilespmem:$0x5280] =	vst v63  }
0x27: {  	_ =	swait.ge [sflag:s11], $0x2800  }
0x28: {  	[sflag:s11] =	ssyncset.done $0x0  }
0x29: {  	s15 =	sadd.s32 $0x1, s15;
	[sflag:s11] =	ssyncadd.s32 $0xFFFFD800  }
0x2a: {  	s16 =	simm.s32 @!p1 $0x1C01;
	p2 =	sne.s32 s15, s7;
	[bflag:$0x0] =	sbarrier.arrive $0xFFFF  }
0x2b: {  	[hbm:s6], [sflag:s16] =	dma.local @!p1 [spmem:s14], $0x500  }
.Ltmp1:
0x2c: {  	_ = 	snop;
	(pc) =	sbr.rel @p2 .LBB2_1-.Ltmp1, $4  }
0x2d: {  	s16 =	simm.s32 @!p1 $0x1  }
0x2e: {  	_ =	swait.ge @!p1 [sflag:s16], $0x500  }
0x2f: {  	[sflag:s16] =	ssyncset.done @!p1 $0x0  }
0x30: {  	[sflag:s16] =	ssyncadd.s32 @!p1 $0xFFFFFB00  }
0x31: {  	_ =	sfence.sel $0x180000  }
0x32: {  	[bflag:$0x0] =	sbarrier.arrive $0xFFFF  }
0x33: {  	_ =	strace $0x90000047  }
0x34: {  	s0 =	sadd.s32 @!p1 $0x100000, s0;
	[bflag:$0x2] =	sbarrier.arrive $0xFFFF  }
0x35: {  	[sflag:s0] =	ssyncadd.tile.s32 @!p1 $0x1;
	_ =	shalt  }
.Lfunc_end2:
_tile_overlayer_lowered:
.L_overlay_start_2:
0x36: {  	(tag) =	ssettag $0x2  }
0x37: {  	s0 =	rddreg [dreg:$0x0];
	s2 =	stileid.u32  }
0x38: {  	s1 =	rddreg [dreg:$0x1];
	p0 =	sne.s32 s2, $0x0  }
0x39: {  	s3 =	rddreg [dreg:$0x2];
	[bflag:$0x3] =	sbarrier.arrive $0xFFFF;
	s2 =	simm.s32 @!p0 $0x1C01  }
0x3a: {  	[timem:s3], [sflag:s2] =	dma.local @!p0 [hbm:s0], s1  }
0x3b: {  	s0 =	simm.s32 @!p0 $0x1  }
0x3c: {  	_ =	swait.ge @!p0 [sflag:s0], s1  }
0x3d: {  	s1 =	ssub.s32 @!p0 $0x0, s1;
	[sflag:s0] =	ssyncset.done @!p0 $0x0  }
0x3e: {  	[sflag:s0] =	ssyncadd.s32 @!p0 s1  }
0x3f: {  	[bflag:$0x3] =	sbarrier.arrive $0xFFFF  }
0x40: {  	_ =	shalt  }

// kernel: kernel.9.cloned.1.call-start
scs
__scs_entry_jumppad:
0x0: {  	(pc) =	sbr.rel $0x88, $3  }
0x1: {  	(tag) =	ssettag $0x0;
	lr =	simm.s32 $0x1  }
0x2: {  	[smem:$0x3F9D] =	sst lr;
	_ =	strace $0xD0000000  }
0x3: {  	_ = 	snop  }
0x4: {  	_ = 	snop  }
0x5: {  	_ = 	snop  }
0x6: {  	_ = 	snop  }
0x7: {  	_ = 	snop  }
__scs_overlays_trampoline_lowered:
0x8: {  	[smem:$0x3FAC] =	sst s0  }
0x9: {  	[smem:$0x3FAD] =	sst s1  }
0xa: {  	[smem:$0x3FAE] =	sst s2  }
0xb: {  	[smem:$0x3FAF] =	sst s3  }
0xc: {  	[smem:$0x3FB0] =	sst s4  }
0xd: {  	[smem:$0x3FB1] =	sst s5  }
0xe: {  	[smem:$0x3FB2] =	sst s6  }
0xf: {  	[smem:$0x3FB3] =	sst s7  }
0x10: {  	[smem:$0x3FB4] =	sst s8  }
0x11: {  	[smem:$0x3FB5] =	sst s9;
	s0 =	simm.s32 @!p0 $0x0  }
0x12: {  	s1 =	sld [smem:$0x3F9B];
	s0 =	simm.s32 @p0 $0x1  }
0x13: {  	[smem:$0x3FB6] =	sst s0;
	s0 =	simm.s32 @!p1 $0x0  }
0x14: {  	s2 =	sld [smem:$0x3F9A];
	s0 =	simm.s32 @p1 $0x1  }
0x15: {  	[smem:$0x3FB7] =	sst s0;
	s0 =	simm.s32 @!p2 $0x0  }
0x16: {  	s3 =	sld [smem:$0x3FDB];
	s0 =	simm.s32 @p2 $0x1  }
0x17: {  	s4 =	simm.s32 $0x1BF5;
	[smem:$0x3FB9] =	sst s0  }
0x18: {  	s0 =	sld [smem:$0x3F9C];
	_ =	swait.ge [sflag:s4], $0x0  }
0x19: {  	s7 =	sld [smem:$0x3F9D]  }
0x1a: {  	s8 =	sadd.s32 $0xFFFFE003, lr  }
0x1b: {  	s9 =	sadd.s32 $0xFFFFFEF7, lr;
	s5 =	simm.s32 $0xFFFFFFFF;
	p2 =	slt.u32 s8, $0xFFFFF086  }
0x1c: {  	p1 =	slt.u32 s9, $0xF7A;
	s5 =	simm.s32 @!p2 $0x0  }
0x1d: {  	s5 =	simm.s32 @p1 $0x1;
	p0 =	seq.s32 s7, s2  }
0x1e: {  	s7 =	smul.u32 @!p0 $0xF7A, s2;
	p2 =	seq.s32 @!p0 s5, $0x0  }
0x1f: {  	s9 =	smul.u32 $0xF7A, s1;
	s8 =	simm.s32 @!p0 $0x1BF5;
	p2 =	por !p2, p0  }
0x20: {  	[sflag:s8] =	ssyncset.s32 @!p0 $0xFFFFF086;
	s6 =	sadd.s32 @!p0 s3, s7;
	s7 =	simm.s32 @!p0 $0x108  }
0x21: {  	s3 =	sadd.s32 s3, s9;
	s6 =	sadd.s32 @!p0 $0x88, s6;
	s7 =	simm.s32 @p2 $0x1082  }
0x22: {  	[simem:s7], [sflag:s8] =	dma.local @!p0 [hbm:s6], $0xF7A  }
0x23: {  	s9 =	sor.u32 $0xD0000000, s2;
	s6 =	simm.s32 $0x108;
	_ =	swait.ge @!p0 [sflag:s8], $0x0  }
0x24: {  	s3 =	sadd.s32 $0x88, s3;
	s6 =	simm.s32 @!p1 $0x1082;
	[sflag:s4] =	ssyncset.s32 $0xFFFFF086  }
0x25: {  	[simem:s6], [sflag:s4] =	dma.local [hbm:s3], $0xF7A  }
0x26: {  	[smem:$0x3F9D] =	sst s1;
	(tag) =	ssettag s2;
	_ =	strace s9  }
0x27: {  	s1 =	sld [smem:$0x3FAD]  }
0x28: {  	s2 =	sld [smem:$0x3FAE]  }
0x29: {  	s4 =	sld [smem:$0x3FB0]  }
0x2a: {  	p0 =	seq.s32 s5, $0x0;
	s5 =	sld [smem:$0x3FB1]  }
0x2b: {  	s6 =	sld [smem:$0x3FB2]  }
0x2c: {  	s7 =	sld [smem:$0x3FB3]  }
0x2d: {  	s3 =	simm.s32 $0x108;
	s8 =	sld [smem:$0x3FB4]  }
0x2e: {  	s3 =	simm.s32 @!p0 $0x1082;
	s9 =	sld [smem:$0x3FB5]  }
0x2f: {  	lr =	sadd.s32 s0, s3;
	s0 =	sld [smem:$0x3FAC]  }
0x30: {  	s3 =	sld [smem:$0x3FAF]  }
0x31: {  	[smem:$0x3FB8] =	sst s10  }
0x32: {  	s10 =	sld [smem:$0x3FB6];
	_ =	sdelay $0x3  }
0x33: {  	p0 =	seq.s32 s10, $0x1;
	s10 =	sld [smem:$0x3FB8];
	_ =	sdelay $0x3  }
0x34: {  	[smem:$0x3FB8] =	sst s10  }
0x35: {  	s10 =	sld [smem:$0x3FB7];
	_ =	sdelay $0x3  }
0x36: {  	p1 =	seq.s32 s10, $0x1;
	s10 =	sld [smem:$0x3FB8];
	_ =	sdelay $0x3  }
0x37: {  	[smem:$0x3FB8] =	sst s10  }
0x38: {  	s10 =	sld [smem:$0x3FB9]  }
0x39: {  	_ = 	snop;
	(pc) =	sbr.ind lr, $3  }
0x3a: {  	_ = 	snop  }
0x3b: {  	_ = 	snop  }
0x3c: {  	p2 =	seq.s32 s10, $0x1;
	s10 =	sld [smem:$0x3FB8]  }
0x3d: {  	_ =	shalt  }
0x3e: {  	_ =	shalt  }
0x3f: {  	_ =	shalt  }
0x40: {  	_ =	shalt  }
0x41: {  	_ =	shalt  }
0x42: {  	_ =	shalt  }
0x43: {  	_ =	shalt  }
0x44: {  	_ =	shalt  }
0x45: {  	_ =	shalt  }
0x46: {  	_ =	shalt  }
0x47: {  	_ =	shalt  }
0x48: {  	_ =	shalt  }
0x49: {  	_ =	shalt  }
0x4a: {  	_ =	shalt  }
0x4b: {  	_ =	shalt  }
0x4c: {  	_ =	shalt  }
0x4d: {  	_ =	shalt  }
0x4e: {  	_ =	shalt  }
0x4f: {  	_ =	shalt  }
0x50: {  	_ =	shalt  }
0x51: {  	_ =	shalt  }
0x52: {  	_ =	shalt  }
0x53: {  	_ =	shalt  }
0x54: {  	_ =	shalt  }
0x55: {  	_ =	shalt  }
0x56: {  	_ =	shalt  }
0x57: {  	_ =	shalt  }
0x58: {  	_ =	shalt  }
0x59: {  	_ =	shalt  }
0x5a: {  	_ =	shalt  }
0x5b: {  	_ =	shalt  }
0x5c: {  	_ =	shalt  }
0x5d: {  	_ =	shalt  }
0x5e: {  	_ =	shalt  }
0x5f: {  	_ =	shalt  }
0x60: {  	_ =	shalt  }
0x61: {  	_ =	shalt  }
0x62: {  	_ =	shalt  }
0x63: {  	_ =	shalt  }
0x64: {  	_ =	shalt  }
0x65: {  	_ =	shalt  }
0x66: {  	_ =	shalt  }
0x67: {  	_ =	shalt  }
0x68: {  	_ =	shalt  }
0x69: {  	_ =	shalt  }
0x6a: {  	_ =	shalt  }
0x6b: {  	_ =	shalt  }
0x6c: {  	_ =	shalt  }
0x6d: {  	_ =	shalt  }
0x6e: {  	_ =	shalt  }
0x6f: {  	_ =	shalt  }
0x70: {  	_ =	shalt  }
0x71: {  	_ =	shalt  }
0x72: {  	_ =	shalt  }
0x73: {  	_ =	shalt  }
0x74: {  	_ =	shalt  }
0x75: {  	_ =	shalt  }
0x76: {  	_ =	shalt  }
0x77: {  	_ =	shalt  }
0x78: {  	_ =	shalt  }
0x79: {  	_ =	shalt  }
0x7a: {  	_ =	shalt  }
0x7b: {  	_ =	shalt  }
0x7c: {  	_ =	shalt  }
0x7d: {  	_ =	shalt  }
0x7e: {  	_ =	shalt  }
0x7f: {  	_ =	shalt  }
0x80: {  	_ =	shalt  }
0x81: {  	_ =	shalt  }
0x82: {  	_ =	shalt  }
0x83: {  	_ =	shalt  }
0x84: {  	_ =	shalt  }
0x85: {  	_ =	shalt  }
0x86: {  	_ =	shalt  }
0x87: {  	_ =	shalt  }
.Lfunc_end0:
.L_simem_size_0:
called_computation.1_lowered:
.L_overlay_start_0:
0x88: {  	s2 =	sld [smem:$0x3FD9]  }
0x89: {  	s3 =	sld [smem:$0x3FFE];
	_ =	sdelay $0x1  }
0x8a: {  	s1 =	srdreg.scid  }
0x8b: {  	s0 =	sand.u32 $0x1, s1  }
0x8c: {  	s17 =	sshll.u32 s0, $0xA;
	s2 =	sadd.s32 s3, s2  }
0x8d: {  	s2 =	sadd.s32 s2, s17  }
0x8e: {  	[smem:$0x3FC4] =	sst s2  }
0x8f: {  	_ = 	snop  }
0x90: {  	s2 =	sld [smem:$0x3FD0];
	(tm) =	ssettm $0x1  }
0x91: {  	s18 =	sld [smem:$0x3FFB];
	_ =	sdelay $0x3  }
0x92: {  	_ =	strace s18  }
0x93: {  	s3 =	sld [smem:$0x3FFC];
	_ =	sdelay $0x3  }
0x94: {  	_ =	strace s3  }
0x95: {  	s3 =	sld [smem:$0x3FFD];
	_ =	sdelay $0x3  }
0x96: {  	_ =	strace s3  }
0x97: {  	_ =	strace $0x8FFFFFFF  }
0x98: {  	s19 =	sld [smem:$0x3FDB];
	_ =	sdelay $0x1  }
0x99: {  	s4 =	simm.s32 $_scs_section_size  }
0x9a: {  	s5 =	simm.s32 $_size__tile_overlayer_lowered;
	s6 =	simm.s32 $_tile_overlayer_lowered  }
0x9b: {  	s22 =	simm.s32 $0x1BFF;
	s21 =	sshll.u32 s6, $0x1;
	s3 =	sadd.s32 s4, s19  }
0x9c: {  	s7 =	simm.s32 $0x0;
	s20 =	sshll.u32 s5, $0x1;
	s5 =	sadd.s32 s21, s3  }
0x9d: {  	[timem:s7], [sflag:s22] =	dma.local [hbm:s5], s20  }
0x9e: {  	_ =	swait.ge [sflag:s22], s20  }
0x9f: {  	s4 =	ssub.s32 $0x0, s20;
	[sflag:s22] =	ssyncset.done $0x0  }
0xa0: {  	[sflag:s22] =	ssyncadd.s32 s4;
	_ =	sdelay $0x1  }
0xa1: {  	s23 =	simm.s32 $0x1B8B  }
0xa2: {  	_ =	swait.ge [sflag:s23], $0x1  }
0xa3: {  	[sflag:s23] =	ssyncset.done $0x0  }
0xa4: {  	s25 =	simm.s32 $0x1B8E;
	s24 =	sld [smem:$0x3FFE];
	[sflag:s23] =	ssyncadd.s32 $0xFFFFFFFF  }
0xa5: {  	s26 =	simm.s32 $execute0_lowered;
	[smem:$0x3FD2] =	sst s25  }
0xa6: {  	s5 =	sshll.u32 s26, $0x1;
	_ =	strace $0x80000049;
	[dreg:$0x1] =	wrdreg $0xFFFFFFFF  }
0xa7: {  	s28 =	simm.s32 $_size_execute0_lowered;
	s3 =	sadd.s32 s3, s5;
	[dreg:$0x0] =	wrdreg $0x0  }
0xa8: {  	s5 =	sshll.u32 s28, $0x1;
	[dreg:$0x2] =	wrdreg s3  }
0xa9: {  	[dreg:$0x3] =	wrdreg s5  }
0xaa: {  	[dreg:$0x4] =	wrdreg $0xC0  }
0xab: {  	_ =	task [dreg:s7], $0x5FFFF  }
0xac: {  	[dreg:$0x1] =	wrdreg $0xFFFFFFFF  }
0xad: {  	[dreg:$0x0] =	wrdreg $0x60  }
0xae: {  	[dreg:$0x2] =	wrdreg s24  }
0xaf: {  	[dreg:$0x3] =	wrdreg s2  }
0xb0: {  	[dreg:$0x4] =	wrdreg $0x90000  }
0xb1: {  	[dreg:$0x5] =	wrdreg $0x9  }
0xb2: {  	_ =	task.clear_ibuf [dreg:s7], $0x6FFFF;
	_ =	strace $0x90000049  }
0xb3: {  	s29 =	simm.s32 $0x9;
	_ =	strace $0x8000004B  }
0xb4: {  	_ =	swait.ge [sflag:s29], $0x1  }
0xb5: {  	[sflag:s29] =	ssyncadd.s32 $0xFFFFFFFF  }
0xb6: {  	_ =	strace $0x9000004B  }
0xb7: {  	_ =	sfence  }
0xb8: {  	s30 =	sld [smem:$0x0];
	_ =	sdelay $0x2  }
0xb9: {  	s31 =	sshll.u32 s1, $0xD;
	s1 =	sshrl.u32 s1, $0x2  }
0xba: {  	s3 =	sand.u32 $0x4000, s31;
	s1 =	sadd.s32 s1, s30  }
0xbb: {  	s0 =	sor.u32 s3, s0;
	s1 =	sshll.u32 s1, $0x11  }
0xbc: {  	s0 =	sor.u32 s1, s0  }
0xbd: {  	s0 =	sadd.s32 $0x8F2B, s0  }
0xbe: {  	[sflag:s0] =	ssyncadd.remote.s32 $0x1  }
0xbf: {  	_ =	sfence.sel $0xFFFF  }
0xc0: {  	[dreg:$0x0] =	wrdreg $0xFFFFFFFF;
	(pc) =	sbr.abs _section_cstart, $3  }
0xc1: {  	[dreg:$0x1] =	wrdreg $0xFFFFFFFF  }
0xc2: {  	_ =	task.clear_ibuf [dreg:s7], $0x2FFFF;
	_ =	strace $0x9FFFFFFF  }
0xc3: {  	(tm) =	ssettm $0x7FFFFFFF  }
tec
execute0_lowered:
.L_overlay_start_1:
0x0: {  	(tag) =	ssettag $0x1  }
0x1: {  	s1 =	srdreg.scid;
	s0 =	rddreg [dreg:$0x0]  }
0x2: {  	s3 =	rddreg [dreg:$0x1];
	s4 =	stileid.u32;
	s11 =	sand.u32 $0x1, s1  }
0x3: {  	s24 =	simm.s32 $0x0;
	s18 =	smul.u32 $0x13800, s4;
	s2 =	sshll.u32 s11, $0x4  }
0x4: {  	s1 =	rddreg [dreg:$0x2];
	s22 =	smul.u32 $0x4E000, s4;
	s5 =	sor.u32 s4, s2  }
0x5: {  	[smem:$0x7FF] =	sst s24;
	s7 =	sadd.s32 $0xC800, s0;
	s6 =	smul.u32 $0x500, s5  }
0x6: {  	s8 =	sadd.s32 $0x1800, s0;
	[dreg:$0x15] =	wrdreg s11;
	s5 =	smul.u32 $0x2800, s5  }
0x7: {  	p0 =	sne.s32 s4, $0x0;
	_ =	strace $0x8000004A;
	[dreg:$0x4] =	wrdreg s8  }
0x8: {  	s26 =	rddreg [dreg:$0x4];
	s31 =	sadd.s32 s3, s6;
	s5 =	sshrl.u32 s5, $0x3  }
0x9: {  	s6 =	sadd.s32 s7, s6;
	[dreg:$0x5] =	wrdreg s31;
	s2 =	sadd.s32 $0x100, s5  }
0xa: {  	s17 =	smul.u32 $0x138800, s11;
	[dreg:$0x6] =	wrdreg s6;
	s9 =	sadd.s32 s3, s2  }
0xb: {  	s12 =	sadd.s32 $0x200, s5;
	s10 =	sadd.s32 s7, s2;
	[dreg:$0x7] =	wrdreg s9  }
0xc: {  	s20 =	sadd.s32 s18, s17;
	s13 =	sadd.s32 s3, s12;
	[dreg:$0x8] =	wrdreg s10  }
0xd: {  	s15 =	sadd.s32 $0x300, s5;
	s14 =	sadd.s32 s7, s12;
	[dreg:$0x9] =	wrdreg s13  }
0xe: {  	s5 =	sadd.s32 $0x400, s5;
	s16 =	sadd.s32 s3, s15;
	[dreg:$0xa] =	wrdreg s14  }
0xf: {  	s6 =	sshrl.u32 s17, $0x3;
	s8 =	sadd.s32 s7, s15;
	[dreg:$0xb] =	wrdreg s16  }
0x10: {  	s3 =	sadd.s32 s3, s5;
	s5 =	sadd.s32 s7, s5;
	[dreg:$0xc] =	wrdreg s8  }
0x11: {  	s9 =	smul.u32 $0x4F000, s4;
	s10 =	sadd.s32 $0x64C00, s0;
	[dreg:$0xd] =	wrdreg s3  }
0x12: {  	s3 =	sshrl.u32 s20, $0x3;
	[dreg:$0xe] =	wrdreg s5;
	s4 =	sshll.u32 s4, $0x6  }
0x13: {  	s3 =	sadd.s32 s10, s3;
	s21 =	sadd.s32 s10, s6;
	s28 =	sor.u32 $0x1C03, s4  }
0x14: {  	s9 =	sshrl.u32 s9, $0x2;
	[dreg:$0xf] =	wrdreg s3;
	s5 =	sadd.s32 $0x27000, s21  }
0x15: {  	s3 =	sshrl.u32 s22, $0x2;
	[dreg:$0x14] =	wrdreg s28;
	s19 =	sadd.s32 s9, s1  }
0x16: {  	[dreg:$0x10] =	wrdreg s5;
	s3 =	sadd.s32 s3, s1;
	s23 =	sshrl.u32 s19, $0x3  }
0x17: {  	s5 =	sadd.s32 $0x138000, s1;
	s3 =	sshrl.u32 s3, $0x3;
	[dreg:$0x11] =	wrdreg s23  }
0x18: {  	s5 =	sshrl.u32 @!p0 s5, $0x3;
	[dreg:$0x12] =	wrdreg s3  }
0x19: {  	[dreg:$0x13] =	wrdreg s5  }
0x1a: {  	s4 =	simm.s32 $0x3;
	s25 =	rddreg [dreg:$0x11]  }
0x1b: {  	[spmem:s25], [sflag:s28] =	dma.local [hbm:s26], $0x2780  }
0x1c: {  	_ =	swait.ge [sflag:s4], $0x2780  }
0x1d: {  	[sflag:s4] =	ssyncset.done $0x0  }
0x1e: {  	[sflag:s4] =	ssyncadd.s32 $0xFFFFD880  }
0x1f: {  	[bflag:$0x0] =	sbarrier.arrive $0xFFFF  }
0x20: {  	s29 =	rddreg [dreg:$0x5]  }
0x21: {  	[tilespmem:s24], [sflag:$0x3] =	stream.linear.gather [hbm4b:s29+s24], $0x800, $0x38;
	[tilespmem:$0x1CC00] =	vst v63  }
0x22: {  	_ =	swait.ge [sflag:s4], $0x800  }
0x23: {  	[sflag:s4] =	ssyncset.done $0x0  }
0x24: {  	s31 =	simm.s32 $0x800;
	s30 =	rddreg [dreg:$0x6];
	[sflag:s4] =	ssyncadd.s32 $0xFFFFF800  }
0x25: {  	[tilespmem:s31], [sflag:$0x3] =	stream.linear.gather [hbm4b:s30+s24], $0x800, $0x38;
	[tilespmem:$0x1CC00] =	vst v63  }
0x26: {  	_ =	swait.ge [sflag:s4], $0x800  }
0x27: {  	s7 =	simm.s32 $0x80;
	[sflag:s4] =	ssyncset.done $0x0  }
0x28: {  	s8 =	simm.s32 $0x1000;
	s6 =	sadd.s32 $0x3DA00, s0;
	[sflag:s4] =	ssyncadd.s32 $0xFFFFF800  }
0x29: {  	[tilespmem:s8], [sflag:$0x1] =	stream.indirect.gather [hbm4b:s6+s7], $0x80, s24, s7, $0xb8;
	[tilespmem:$0x1CC00] =	vst v63  }
0x2a: {  	s10 =	simm.s32 $0x1;
	s9 =	simm.s32 $0x5000  }
0x2b: {  	[tilespmem:s9], [sflag:$0x2] =	stream.indirect.gather [hbm4b:s6+s7], $0x80, s7, s7, $0xb8;
	[tilespmem:$0x1CC00] =	vst v63  }
0x2c: {  	_ =	swait.ge [sflag:s10], $0x4000  }
0x2d: {  	[sflag:s10] =	ssyncset.done $0x0  }
0x2e: {  	s3 =	simm.s32 $0x800;
	[sflag:s10] =	ssyncadd.s32 $0xFFFFC000  }
0x2f: {  	[spmem:s1] =	stream.indirect.scatter.add.f32 [tilespmem:s8], [sflag:$0x3], $0x80, s3, s7, $0xb8;
	[tilespmem:$0x1CC00] =	vst v63  }
0x30: {  	_ =	swait.ge [sflag:s4], $0x4000  }
0x31: {  	[sflag:s4] =	ssyncset.done $0x0  }
0x32: {  	s12 =	simm.s32 $0x2;
	s5 =	simm.s32 $0x100;
	[sflag:s4] =	ssyncadd.s32 $0xFFFFC000  }
0x33: {  	[tilespmem:s8], [sflag:$0x1] =	stream.indirect.gather [hbm4b:s6+s7], $0x80, s5, s7, $0xb8;
	[tilespmem:$0x1CC00] =	vst v63  }
0x34: {  	_ =	swait.ge [sflag:s12], $0x4000  }
0x35: {  	[sflag:s12] =	ssyncset.done $0x0  }
0x36: {  	s11 =	simm.s32 $0x880;
	[sflag:s12] =	ssyncadd.s32 $0xFFFFC000  }
0x37: {  	[spmem:s1] =	stream.indirect.scatter.add.f32 [tilespmem:s9], [sflag:$0x3], $0x80, s11, s7, $0xb8;
	[tilespmem:$0x1CC00] =	vst v63  }
0x38: {  	_ =	swait.ge [sflag:s4], $0x4000  }
0x39: {  	[sflag:s4] =	ssyncset.done $0x0  }
0x3a: {  	s13 =	simm.s32 $0x180;
	[sflag:s4] =	ssyncadd.s32 $0xFFFFC000  }
0x3b: {  	[tilespmem:s9], [sflag:$0x2] =	stream.indirect.gather [hbm4b:s6+s7], $0x80, s13, s7, $0xb8;
	[tilespmem:$0x1CC00] =	vst v63  }
0x3c: {  	_ =	swait.ge [sflag:s10], $0x4000  }
0x3d: {  	[sflag:s10] =	ssyncset.done $0x0  }
0x3e: {  	s14 =	simm.s32 $0x900;
	[sflag:s10] =	ssyncadd.s32 $0xFFFFC000  }
0x3f: {  	[spmem:s1] =	stream.indirect.scatter.add.f32 [tilespmem:s8], [sflag:$0x3], $0x80, s14, s7, $0xb8;
	[tilespmem:$0x1CC00] =	vst v63  }
0x40: {  	_ =	swait.ge [sflag:s4], $0x4000  }
0x41: {  	[sflag:s4] =	ssyncset.done $0x0  }
0x42: {  	s15 =	simm.s32 $0x200;
	[sflag:s4] =	ssyncadd.s32 $0xFFFFC000  }
0x43: {  	[tilespmem:s8], [sflag:$0x1] =	stream.indirect.gather [hbm4b:s6+s7], $0x80, s15, s7, $0xb8;
	[tilespmem:$0x1CC00] =	vst v63  }
0x44: {  	_ =	swait.ge [sflag:s12], $0x4000  }
0x45: {  	[sflag:s12] =	ssyncset.done $0x0  }
0x46: {  	s16 =	simm.s32 $0x980;
	[sflag:s12] =	ssyncadd.s32 $0xFFFFC000  }
0x47: {  	[spmem:s1] =	stream.indirect.scatter.add.f32 [tilespmem:s9], [sflag:$0x3], $0x80, s16, s7, $0xb8;
	[tilespmem:$0x1CC00] =	vst v63  }
0x48: {  	_ =	swait.ge [sflag:s4], $0x4000  }
0x49: {  	[sflag:s4] =	ssyncset.done $0x0  }
0x4a: {  	s17 =	simm.s32 $0x280;
	[sflag:s4] =	ssyncadd.s32 $0xFFFFC000  }
0x4b: {  	[tilespmem:s9], [sflag:$0x2] =	stream.indirect.gather [hbm4b:s6+s7], $0x80, s17, s7, $0xb8;
	[tilespmem:$0x1CC00] =	vst v63  }
0x4c: {  	_ =	swait.ge [sflag:s10], $0x4000  }
0x4d: {  	[sflag:s10] =	ssyncset.done $0x0  }
0x4e: {  	s18 =	simm.s32 $0xA00;
	[sflag:s10] =	ssyncadd.s32 $0xFFFFC000  }
0x4f: {  	[spmem:s1] =	stream.indirect.scatter.add.f32 [tilespmem:s8], [sflag:$0x3], $0x80, s18, s7, $0xb8;
	[tilespmem:$0x1CC00] =	vst v63  }
0x50: {  	_ =	swait.ge [sflag:s4], $0x4000  }
0x51: {  	[sflag:s4] =	ssyncset.done $0x0  }
0x52: {  	s19 =	simm.s32 $0x300;
	[sflag:s4] =	ssyncadd.s32 $0xFFFFC000  }
0x53: {  	[tilespmem:s8], [sflag:$0x1] =	stream.indirect.gather [hbm4b:s6+s7], $0x80, s19, s7, $0xb8;
	[tilespmem:$0x1CC00] =	vst v63  }
0x54: {  	_ =	swait.ge [sflag:s12], $0x4000  }
0x55: {  	[sflag:s12] =	ssyncset.done $0x0  }
0x56: {  	s20 =	simm.s32 $0xA80;
	[sflag:s12] =	ssyncadd.s32 $0xFFFFC000  }
0x57: {  	[spmem:s1] =	stream.indirect.scatter.add.f32 [tilespmem:s9], [sflag:$0x3], $0x80, s20, s7, $0xb8;
	[tilespmem:$0x1CC00] =	vst v63  }
0x58: {  	_ =	swait.ge [sflag:s4], $0x4000  }
0x59: {  	[sflag:s4] =	ssyncset.done $0x0  }
0x5a: {  	s21 =	simm.s32 $0x380;
	[sflag:s4] =	ssyncadd.s32 $0xFFFFC000  }
0x5b: {  	[tilespmem:s9], [sflag:$0x2] =	stream.indirect.gather [hbm4b:s6+s7], $0x80, s21, s7, $0xb8;
	[tilespmem:$0x1CC00] =	vst v63  }
0x5c: {  	_ =	swait.ge [sflag:s10], $0x4000  }
0x5d: {  	[sflag:s10] =	ssyncset.done $0x0  }
0x5e: {  	s22 =	simm.s32 $0xB00;
	[sflag:s10] =	ssyncadd.s32 $0xFFFFC000  }
0x5f: {  	[spmem:s1] =	stream.indirect.scatter.add.f32 [tilespmem:s8], [sflag:$0x3], $0x80, s22, s7, $0xb8;
	[tilespmem:$0x1CC00] =	vst v63  }
0x60: {  	_ =	swait.ge [sflag:s4], $0x4000  }
0x61: {  	[sflag:s4] =	ssyncset.done $0x0  }
0x62: {  	s23 =	simm.s32 $0x400;
	[sflag:s4] =	ssyncadd.s32 $0xFFFFC000  }
0x63: {  	[tilespmem:s8], [sflag:$0x1] =	stream.indirect.gather [hbm4b:s6+s7], $0x80, s23, s7, $0xb8;
	[tilespmem:$0x1CC00] =	vst v63  }
0x64: {  	_ =	swait.ge [sflag:s12], $0x4000  }
0x65: {  	[sflag:s12] =	ssyncset.done $0x0  }
0x66: {  	s25 =	simm.s32 $0xB80;
	[sflag:s12] =	ssyncadd.s32 $0xFFFFC000  }
0x67: {  	[spmem:s1] =	stream.indirect.scatter.add.f32 [tilespmem:s9], [sflag:$0x3], $0x80, s25, s7, $0xb8;
	[tilespmem:$0x1CC00] =	vst v63  }
0x68: {  	_ =	swait.ge [sflag:s4], $0x4000  }
0x69: {  	[sflag:s4] =	ssyncset.done $0x0  }
0x6a: {  	s26 =	simm.s32 $0x480;
	[sflag:s4] =	ssyncadd.s32 $0xFFFFC000  }
0x6b: {  	[tilespmem:s9], [sflag:$0x2] =	stream.indirect.gather [hbm4b:s6+s7], $0x80, s26, s7, $0xb8;
	[tilespmem:$0x1CC00] =	vst v63  }
0x6c: {  	_ =	swait.ge [sflag:s10], $0x4000  }
0x6d: {  	[sflag:s10] =	ssyncset.done $0x0  }
0x6e: {  	s28 =	simm.s32 $0xC00;
	[sflag:s10] =	ssyncadd.s32 $0xFFFFC000  }
0x6f: {  	[spmem:s1] =	stream.indirect.scatter.add.f32 [tilespmem:s8], [sflag:$0x3], $0x80, s28, s7, $0xb8;
	[tilespmem:$0x1CC00] =	vst v63  }
0x70: {  	_ =	swait.ge [sflag:s4], $0x4000  }
0x71: {  	[sflag:s4] =	ssyncset.done $0x0  }
0x72: {  	s29 =	simm.s32 $0x500;
	[sflag:s4] =	ssyncadd.s32 $0xFFFFC000  }
0x73: {  	[tilespmem:s8], [sflag:$0x1] =	stream.indirect.gather [hbm4b:s6+s7], $0x80, s29, s7, $0xb8;
	[tilespmem:$0x1CC00] =	vst v63  }
0x74: {  	_ =	swait.ge [sflag:s12], $0x4000  }
0x75: {  	[sflag:s12] =	ssyncset.done $0x0  }
0x76: {  	s30 =	simm.s32 $0xC80;
	[sflag:s12] =	ssyncadd.s32 $0xFFFFC000  }
0x77: {  	[spmem:s1] =	stream.indirect.scatter.add.f32 [tilespmem:s9], [sflag:$0x3], $0x80, s30, s7, $0xb8;
	[tilespmem:$0x1CC00] =	vst v63  }
0x78: {  	_ =	swait.ge [sflag:s4], $0x4000  }
0x79: {  	[sflag:s4] =	ssyncset.done $0x0  }
0x7a: {  	s31 =	simm.s32 $0x580;
	[sflag:s4] =	ssyncadd.s32 $0xFFFFC000  }
0x7b: {  	[tilespmem:s9], [sflag:$0x2] =	stream.indirect.gather [hbm4b:s6+s7], $0x80, s31, s7, $0xb8;
	[tilespmem:$0x1CC00] =	vst v63  }
0x7c: {  	_ =	swait.ge [sflag:s10], $0x4000  }
0x7d: {  	[sflag:s10] =	ssyncset.done $0x0  }
0x7e: {  	s2 =	simm.s32 $0xD00;
	[sflag:s10] =	ssyncadd.s32 $0xFFFFC000  }
0x7f: {  	[spmem:s1] =	stream.indirect.scatter.add.f32 [tilespmem:s8], [sflag:$0x3], $0x80, s2, s7, $0xb8;
	[tilespmem:$0x1CC00] =	vst v63  }
0x80: {  	_ =	swait.ge [sflag:s4], $0x4000  }
0x81: {  	[sflag:s4] =	ssyncset.done $0x0  }
0x82: {  	s3 =	simm.s32 $0x600;
	[sflag:s4] =	ssyncadd.s32 $0xFFFFC000  }
0x83: {  	[tilespmem:s8], [sflag:$0x1] =	stream.indirect.gather [hbm4b:s6+s7], $0x80, s3, s7, $0xb8;
	[tilespmem:$0x1CC00] =	vst v63  }
0x84: {  	_ =	swait.ge [sflag:s12], $0x4000  }
0x85: {  	[sflag:s12] =	ssyncset.done $0x0  }
0x86: {  	s5 =	simm.s32 $0xD80;
	[sflag:s12] =	ssyncadd.s32 $0xFFFFC000  }
0x87: {  	[spmem:s1] =	stream.indirect.scatter.add.f32 [tilespmem:s9], [sflag:$0x3], $0x80, s5, s7, $0xb8;
	[tilespmem:$0x1CC00] =	vst v63  }
0x88: {  	_ =	swait.ge [sflag:s4], $0x4000  }
0x89: {  	[sflag:s4] =	ssyncset.done $0x0  }
0x8a: {  	s11 =	simm.s32 $0x680;
	[sflag:s4] =	ssyncadd.s32 $0xFFFFC000  }
0x8b: {  	[tilespmem:s9], [sflag:$0x2] =	stream.indirect.gather [hbm4b:s6+s7], $0x80, s11, s7, $0xb8;
	[tilespmem:$0x1CC00] =	vst v63  }
0x8c: {  	_ =	swait.ge [sflag:s10], $0x4000  }
0x8d: {  	[sflag:s10] =	ssyncset.done $0x0  }
0x8e: {  	s13 =	simm.s32 $0xE00;
	[sflag:s10] =	ssyncadd.s32 $0xFFFFC000  }
0x8f: {  	[spmem:s1] =	stream.indirect.scatter.add.f32 [tilespmem:s8], [sflag:$0x3], $0x80, s13, s7, $0xb8;
	[tilespmem:$0x1CC00] =	vst v63  }
0x90: {  	_ =	swait.ge [sflag:s4], $0x4000  }
0x91: {  	[sflag:s4] =	ssyncset.done $0x0  }
0x92: {  	s14 =	simm.s32 $0x700;
	[sflag:s4] =	ssyncadd.s32 $0xFFFFC000  }
0x93: {  	[tilespmem:s8], [sflag:$0x1] =	stream.indirect.gather [hbm4b:s6+s7], $0x80, s14, s7, $0xb8;
	[tilespmem:$0x1CC00] =	vst v63  }
0x94: {  	_ =	swait.ge [sflag:s12], $0x4000  }
0x95: {  	[sflag:s12] =	ssyncset.done $0x0  }
0x96: {  	s15 =	simm.s32 $0xE80;
	[sflag:s12] =	ssyncadd.s32 $0xFFFFC000  }
0x97: {  	[spmem:s1] =	stream.indirect.scatter.add.f32 [tilespmem:s9], [sflag:$0x3], $0x80, s15, s7, $0xb8;
	[tilespmem:$0x1CC00] =	vst v63  }
0x98: {  	_ =	swait.ge [sflag:s4], $0x4000  }
0x99: {  	[sflag:s4] =	ssyncset.done $0x0  }
0x9a: {  	s0 =	simm.s32 $0x780;
	[sflag:s4] =	ssyncadd.s32 $0xFFFFC000  }
0x9b: {  	[tilespmem:s9], [sflag:$0x2] =	stream.indirect.gather [hbm4b:s6+s7], $0x80, s0, s7, $0xb8;
	[tilespmem:$0x1CC00] =	vst v63  }
0x9c: {  	_ =	swait.ge [sflag:s10], $0x4000  }
0x9d: {  	[sflag:s10] =	ssyncset.done $0x0  }
0x9e: {  	s16 =	simm.s32 $0xF00;
	[sflag:s10] =	ssyncadd.s32 $0xFFFFC000  }
0x9f: {  	[spmem:s1] =	stream.indirect.scatter.add.f32 [tilespmem:s8], [sflag:$0x3], $0x80, s16, s7, $0xb8;
	[tilespmem:$0x1CC00] =	vst v63  }
0xa0: {  	_ =	swait.ge [sflag:s4], $0x4000  }
0xa1: {  	[sflag:s4] =	ssyncset.done $0x0  }
0xa2: {  	[sflag:s4] =	ssyncadd.s32 $0xFFFFC000  }
0xa3: {  	[tilespmem:s8], [sflag:$0x1] =	stream.indirect.gather [hbm4b:s6+s7], $0x80, s0, s7, $0xb8;
	[tilespmem:$0x1CC00] =	vst v63  }
0xa4: {  	_ =	swait.ge [sflag:s12], $0x4000  }
0xa5: {  	[sflag:s12] =	ssyncset.done $0x0  }
0xa6: {  	s17 =	simm.s32 $0xF80;
	[sflag:s12] =	ssyncadd.s32 $0xFFFFC000  }
0xa7: {  	[spmem:s1] =	stream.indirect.scatter.add.f32 [tilespmem:s9], [sflag:$0x3], $0x80, s17, s7, $0xb8;
	[tilespmem:$0x1CC00] =	vst v63  }
0xa8: {  	_ =	swait.ge [sflag:s4], $0x4000  }
0xa9: {  	[sflag:s4] =	ssyncset.done $0x0  }
0xaa: {  	[sflag:s4] =	ssyncadd.s32 $0xFFFFC000  }
0xab: {  	_ =	swait.ge [sflag:s10], $0x4000  }
0xac: {  	[sflag:s10] =	ssyncset.done $0x0  }
0xad: {  	s21 =	rddreg [dreg:$0x7];
	[sflag:s10] =	ssyncadd.s32 $0xFFFFC000  }
0xae: {  	[tilespmem:s24], [sflag:$0x3] =	stream.linear.gather [hbm4b:s21+s24], $0x800, $0x38;
	[tilespmem:$0x1CC00] =	vst v63  }
0xaf: {  	_ =	swait.ge [sflag:s4], $0x800  }
0xb0: {  	[sflag:s4] =	ssyncset.done $0x0  }
0xb1: {  	s19 =	simm.s32 $0x800;
	s18 =	rddreg [dreg:$0x8];
	[sflag:s4] =	ssyncadd.s32 $0xFFFFF800  }
0xb2: {  	[tilespmem:s19], [sflag:$0x3] =	stream.linear.gather [hbm4b:s18+s24], $0x800, $0x38;
	[tilespmem:$0x1CC00] =	vst v63  }
0xb3: {  	_ =	swait.ge [sflag:s4], $0x800  }
0xb4: {  	[sflag:s4] =	ssyncset.done $0x0  }
0xb5: {  	[sflag:s4] =	ssyncadd.s32 $0xFFFFF800  }
0xb6: {  	[tilespmem:s8], [sflag:$0x1] =	stream.indirect.gather [hbm4b:s6+s7], $0x80, s24, s7, $0xb8;
	[tilespmem:$0x1CC00] =	vst v63  }
0xb7: {  	_ = 	snop  }
0xb8: {  	[tilespmem:s9], [sflag:$0x2] =	stream.indirect.gather [hbm4b:s6+s7], $0x80, s7, s7, $0xb8;
	[tilespmem:$0x1CC00] =	vst v63  }
0xb9: {  	_ =	swait.ge [sflag:s10], $0x4000  }
0xba: {  	[sflag:s10] =	ssyncset.done $0x0  }
0xbb: {  	[sflag:s10] =	ssyncadd.s32 $0xFFFFC000  }
0xbc: {  	[spmem:s1] =	stream.indirect.scatter.add.f32 [tilespmem:s8], [sflag:$0x3], $0x80, s19, s7, $0xb8;
	[tilespmem:$0x1CC00] =	vst v63  }
0xbd: {  	_ =	swait.ge [sflag:s4], $0x4000  }
0xbe: {  	[sflag:s4] =	ssyncset.done $0x0  }
0xbf: {  	s20 =	simm.s32 $0x100;
	[sflag:s4] =	ssyncadd.s32 $0xFFFFC000  }
0xc0: {  	[tilespmem:s8], [sflag:$0x1] =	stream.indirect.gather [hbm4b:s6+s7], $0x80, s20, s7, $0xb8;
	[tilespmem:$0x1CC00] =	vst v63  }
0xc1: {  	_ =	swait.ge [sflag:s12], $0x4000  }
0xc2: {  	[sflag:s12] =	ssyncset.done $0x0  }
0xc3: {  	s3 =	simm.s32 $0x880;
	[sflag:s12] =	ssyncadd.s32 $0xFFFFC000  }
0xc4: {  	[spmem:s1] =	stream.indirect.scatter.add.f32 [tilespmem:s9], [sflag:$0x3], $0x80, s3, s7, $0xb8;
	[tilespmem:$0x1CC00] =	vst v63  }
0xc5: {  	_ =	swait.ge [sflag:s4], $0x4000  }
0xc6: {  	[sflag:s4] =	ssyncset.done $0x0  }
0xc7: {  	s5 =	simm.s32 $0x180;
	[sflag:s4] =	ssyncadd.s32 $0xFFFFC000  }
0xc8: {  	[tilespmem:s9], [sflag:$0x2] =	stream.indirect.gather [hbm4b:s6+s7], $0x80, s5, s7, $0xb8;
	[tilespmem:$0x1CC00] =	vst v63  }
0xc9: {  	_ =	swait.ge [sflag:s10], $0x4000  }
0xca: {  	[sflag:s10] =	ssyncset.done $0x0  }
0xcb: {  	s11 =	simm.s32 $0x900;
	[sflag:s10] =	ssyncadd.s32 $0xFFFFC000  }
0xcc: {  	[spmem:s1] =	stream.indirect.scatter.add.f32 [tilespmem:s8], [sflag:$0x3], $0x80, s11, s7, $0xb8;
	[tilespmem:$0x1CC00] =	vst v63  }
0xcd: {  	_ =	swait.ge [sflag:s4], $0x4000  }
0xce: {  	[sflag:s4] =	ssyncset.done $0x0  }
0xcf: {  	s13 =	simm.s32 $0x200;
	[sflag:s4] =	ssyncadd.s32 $0xFFFFC000  }
0xd0: {  	[tilespmem:s8], [sflag:$0x1] =	stream.indirect.gather [hbm4b:s6+s7], $0x80, s13, s7, $0xb8;
	[tilespmem:$0x1CC00] =	vst v63  }
0xd1: {  	_ =	swait.ge [sflag:s12], $0x4000  }
0xd2: {  	[sflag:s12] =	ssyncset.done $0x0  }
0xd3: {  	s14 =	simm.s32 $0x980;
	[sflag:s12] =	ssyncadd.s32 $0xFFFFC000  }
0xd4: {  	[spmem:s1] =	stream.indirect.scatter.add.f32 [tilespmem:s9], [sflag:$0x3], $0x80, s14, s7, $0xb8;
	[tilespmem:$0x1CC00] =	vst v63  }
0xd5: {  	_ =	swait.ge [sflag:s4], $0x4000  }
0xd6: {  	[sflag:s4] =	ssyncset.done $0x0  }
0xd7: {  	s15 =	simm.s32 $0x280;
	[sflag:s4] =	ssyncadd.s32 $0xFFFFC000  }
0xd8: {  	[tilespmem:s9], [sflag:$0x2] =	stream.indirect.gather [hbm4b:s6+s7], $0x80, s15, s7, $0xb8;
	[tilespmem:$0x1CC00] =	vst v63  }
0xd9: {  	_ =	swait.ge [sflag:s10], $0x4000  }
0xda: {  	[sflag:s10] =	ssyncset.done $0x0  }
0xdb: {  	s16 =	simm.s32 $0xA00;
	[sflag:s10] =	ssyncadd.s32 $0xFFFFC000  }
0xdc: {  	[spmem:s1] =	stream.indirect.scatter.add.f32 [tilespmem:s8], [sflag:$0x3], $0x80, s16, s7, $0xb8;
	[tilespmem:$0x1CC00] =	vst v63  }
0xdd: {  	_ =	swait.ge [sflag:s4], $0x4000  }
0xde: {  	[sflag:s4] =	ssyncset.done $0x0  }
0xdf: {  	s17 =	simm.s32 $0x300;
	[sflag:s4] =	ssyncadd.s32 $0xFFFFC000  }
0xe0: {  	[tilespmem:s8], [sflag:$0x1] =	stream.indirect.gather [hbm4b:s6+s7], $0x80, s17, s7, $0xb8;
	[tilespmem:$0x1CC00] =	vst v63  }
0xe1: {  	_ =	swait.ge [sflag:s12], $0x4000  }
0xe2: {  	[sflag:s12] =	ssyncset.done $0x0  }
0xe3: {  	s18 =	simm.s32 $0xA80;
	[sflag:s12] =	ssyncadd.s32 $0xFFFFC000  }
0xe4: {  	[spmem:s1] =	stream.indirect.scatter.add.f32 [tilespmem:s9], [sflag:$0x3], $0x80, s18, s7, $0xb8;
	[tilespmem:$0x1CC00] =	vst v63  }
0xe5: {  	_ =	swait.ge [sflag:s4], $0x4000  }
0xe6: {  	[sflag:s4] =	ssyncset.done $0x0  }
0xe7: {  	s19 =	simm.s32 $0x380;
	[sflag:s4] =	ssyncadd.s32 $0xFFFFC000  }
0xe8: {  	[tilespmem:s9], [sflag:$0x2] =	stream.indirect.gather [hbm4b:s6+s7], $0x80, s19, s7, $0xb8;
	[tilespmem:$0x1CC00] =	vst v63  }
0xe9: {  	_ =	swait.ge [sflag:s10], $0x4000  }
0xea: {  	[sflag:s10] =	ssyncset.done $0x0  }
0xeb: {  	s20 =	simm.s32 $0xB00;
	[sflag:s10] =	ssyncadd.s32 $0xFFFFC000  }
0xec: {  	[spmem:s1] =	stream.indirect.scatter.add.f32 [tilespmem:s8], [sflag:$0x3], $0x80, s20, s7, $0xb8;
	[tilespmem:$0x1CC00] =	vst v63  }
0xed: {  	_ =	swait.ge [sflag:s4], $0x4000  }
0xee: {  	[sflag:s4] =	ssyncset.done $0x0  }
0xef: {  	s22 =	simm.s32 $0x400;
	[sflag:s4] =	ssyncadd.s32 $0xFFFFC000  }
0xf0: {  	[tilespmem:s8], [sflag:$0x1] =	stream.indirect.gather [hbm4b:s6+s7], $0x80, s22, s7, $0xb8;
	[tilespmem:$0x1CC00] =	vst v63  }
0xf1: {  	_ =	swait.ge [sflag:s12], $0x4000  }
0xf2: {  	[sflag:s12] =	ssyncset.done $0x0  }
0xf3: {  	s23 =	simm.s32 $0xB80;
	[sflag:s12] =	ssyncadd.s32 $0xFFFFC000  }
0xf4: {  	[spmem:s1] =	stream.indirect.scatter.add.f32 [tilespmem:s9], [sflag:$0x3], $0x80, s23, s7, $0xb8;
	[tilespmem:$0x1CC00] =	vst v63  }
0xf5: {  	_ =	swait.ge [sflag:s4], $0x4000  }
0xf6: {  	[sflag:s4] =	ssyncset.done $0x0  }
0xf7: {  	s25 =	simm.s32 $0x480;
	[sflag:s4] =	ssyncadd.s32 $0xFFFFC000  }
0xf8: {  	[tilespmem:s9], [sflag:$0x2] =	stream.indirect.gather [hbm4b:s6+s7], $0x80, s25, s7, $0xb8;
	[tilespmem:$0x1CC00] =	vst v63  }
0xf9: {  	_ =	swait.ge [sflag:s10], $0x4000  }
0xfa: {  	[sflag:s10] =	ssyncset.done $0x0  }
0xfb: {  	s26 =	simm.s32 $0xC00;
	[sflag:s10] =	ssyncadd.s32 $0xFFFFC000  }
0xfc: {  	[spmem:s1] =	stream.indirect.scatter.add.f32 [tilespmem:s8], [sflag:$0x3], $0x80, s26, s7, $0xb8;
	[tilespmem:$0x1CC00] =	vst v63  }
0xfd: {  	_ =	swait.ge [sflag:s4], $0x4000  }
0xfe: {  	[sflag:s4] =	ssyncset.done $0x0  }
0xff: {  	s28 =	simm.s32 $0x500;
	[sflag:s4] =	ssyncadd.s32 $0xFFFFC000  }
0x100: {  	[tilespmem:s8], [sflag:$0x1] =	stream.indirect.gather [hbm4b:s6+s7], $0x80, s28, s7, $0xb8;
	[tilespmem:$0x1CC00] =	vst v63  }
0x101: {  	_ =	swait.ge [sflag:s12], $0x4000  }
0x102: {  	[sflag:s12] =	ssyncset.done $0x0  }
0x103: {  	s29 =	simm.s32 $0xC80;
	[sflag:s12] =	ssyncadd.s32 $0xFFFFC000  }
0x104: {  	[spmem:s1] =	stream.indirect.scatter.add.f32 [tilespmem:s9], [sflag:$0x3], $0x80, s29, s7, $0xb8;
	[tilespmem:$0x1CC00] =	vst v63  }
0x105: {  	_ =	swait.ge [sflag:s4], $0x4000  }
0x106: {  	[sflag:s4] =	ssyncset.done $0x0  }
0x107: {  	s30 =	simm.s32 $0x580;
	[sflag:s4] =	ssyncadd.s32 $0xFFFFC000  }
0x108: {  	[tilespmem:s9], [sflag:$0x2] =	stream.indirect.gather [hbm4b:s6+s7], $0x80, s30, s7, $0xb8;
	[tilespmem:$0x1CC00] =	vst v63  }
0x109: {  	_ =	swait.ge [sflag:s10], $0x4000  }
0x10a: {  	[sflag:s10] =	ssyncset.done $0x0  }
0x10b: {  	s31 =	simm.s32 $0xD00;
	[sflag:s10] =	ssyncadd.s32 $0xFFFFC000  }
0x10c: {  	[spmem:s1] =	stream.indirect.scatter.add.f32 [tilespmem:s8], [sflag:$0x3], $0x80, s31, s7, $0xb8;
	[tilespmem:$0x1CC00] =	vst v63  }
0x10d: {  	_ =	swait.ge [sflag:s4], $0x4000  }
0x10e: {  	[sflag:s4] =	ssyncset.done $0x0  }
0x10f: {  	s21 =	simm.s32 $0x600;
	[sflag:s4] =	ssyncadd.s32 $0xFFFFC000  }
0x110: {  	[tilespmem:s8], [sflag:$0x1] =	stream.indirect.gather [hbm4b:s6+s7], $0x80, s21, s7, $0xb8;
	[tilespmem:$0x1CC00] =	vst v63  }
0x111: {  	_ =	swait.ge [sflag:s12], $0x4000  }
0x112: {  	[sflag:s12] =	ssyncset.done $0x0  }
0x113: {  	s21 =	simm.s32 $0xD80;
	[sflag:s12] =	ssyncadd.s32 $0xFFFFC000  }
0x114: {  	[spmem:s1] =	stream.indirect.scatter.add.f32 [tilespmem:s9], [sflag:$0x3], $0x80, s21, s7, $0xb8;
	[tilespmem:$0x1CC00] =	vst v63  }
0x115: {  	_ =	swait.ge [sflag:s4], $0x4000  }
0x116: {  	[sflag:s4] =	ssyncset.done $0x0  }
0x117: {  	s21 =	simm.s32 $0x680;
	[sflag:s4] =	ssyncadd.s32 $0xFFFFC000  }
0x118: {  	[tilespmem:s9], [sflag:$0x2] =	stream.indirect.gather [hbm4b:s6+s7], $0x80, s21, s7, $0xb8;
	[tilespmem:$0x1CC00] =	vst v63  }
0x119: {  	_ =	swait.ge [sflag:s10], $0x4000  }
0x11a: {  	[sflag:s10] =	ssyncset.done $0x0  }
0x11b: {  	s21 =	simm.s32 $0xE00;
	[sflag:s10] =	ssyncadd.s32 $0xFFFFC000  }
0x11c: {  	[spmem:s1] =	stream.indirect.scatter.add.f32 [tilespmem:s8], [sflag:$0x3], $0x80, s21, s7, $0xb8;
	[tilespmem:$0x1CC00] =	vst v63  }
0x11d: {  	_ =	swait.ge [sflag:s4], $0x4000  }
0x11e: {  	[sflag:s4] =	ssyncset.done $0x0  }
0x11f: {  	s21 =	simm.s32 $0x700;
	[sflag:s4] =	ssyncadd.s32 $0xFFFFC000  }
0x120: {  	[tilespmem:s8], [sflag:$0x1] =	stream.indirect.gather [hbm4b:s6+s7], $0x80, s21, s7, $0xb8;
	[tilespmem:$0x1CC00] =	vst v63  }
0x121: {  	_ =	swait.ge [sflag:s12], $0x4000  }
0x122: {  	[sflag:s12] =	ssyncset.done $0x0  }
0x123: {  	s21 =	simm.s32 $0xE80;
	[sflag:s12] =	ssyncadd.s32 $0xFFFFC000  }
0x124: {  	[spmem:s1] =	stream.indirect.scatter.add.f32 [tilespmem:s9], [sflag:$0x3], $0x80, s21, s7, $0xb8;
	[tilespmem:$0x1CC00] =	vst v63  }
0x125: {  	_ =	swait.ge [sflag:s4], $0x4000  }
0x126: {  	[sflag:s4] =	ssyncset.done $0x0  }
0x127: {  	[sflag:s4] =	ssyncadd.s32 $0xFFFFC000  }
0x128: {  	[tilespmem:s9], [sflag:$0x2] =	stream.indirect.gather [hbm4b:s6+s7], $0x80, s0, s7, $0xb8;
	[tilespmem:$0x1CC00] =	vst v63  }
0x129: {  	_ =	swait.ge [sflag:s10], $0x4000  }
0x12a: {  	[sflag:s10] =	ssyncset.done $0x0  }
0x12b: {  	s21 =	simm.s32 $0xF00;
	[sflag:s10] =	ssyncadd.s32 $0xFFFFC000  }
0x12c: {  	[spmem:s1] =	stream.indirect.scatter.add.f32 [tilespmem:s8], [sflag:$0x3], $0x80, s21, s7, $0xb8;
	[tilespmem:$0x1CC00] =	vst v63  }
0x12d: {  	_ =	swait.ge [sflag:s4], $0x4000  }
0x12e: {  	[sflag:s4] =	ssyncset.done $0x0  }
0x12f: {  	[sflag:s4] =	ssyncadd.s32 $0xFFFFC000  }
0x130: {  	[tilespmem:s8], [sflag:$0x1] =	stream.indirect.gather [hbm4b:s6+s7], $0x80, s0, s7, $0xb8;
	[tilespmem:$0x1CC00] =	vst v63  }
0x131: {  	_ =	swait.ge [sflag:s12], $0x4000  }
0x132: {  	[sflag:s12] =	ssyncset.done $0x0  }
0x133: {  	s21 =	simm.s32 $0xF80;
	[sflag:s12] =	ssyncadd.s32 $0xFFFFC000  }
0x134: {  	[spmem:s1] =	stream.indirect.scatter.add.f32 [tilespmem:s9], [sflag:$0x3], $0x80, s21, s7, $0xb8;
	[tilespmem:$0x1CC00] =	vst v63  }
0x135: {  	_ =	swait.ge [sflag:s4], $0x4000  }
0x136: {  	[sflag:s4] =	ssyncset.done $0x0  }
0x137: {  	[sflag:s4] =	ssyncadd.s32 $0xFFFFC000  }
0x138: {  	_ =	swait.ge [sflag:s10], $0x4000  }
0x139: {  	[sflag:s10] =	ssyncset.done $0x0  }
0x13a: {  	s21 =	rddreg [dreg:$0x9];
	[sflag:s10] =	ssyncadd.s32 $0xFFFFC000  }
0x13b: {  	[tilespmem:s24], [sflag:$0x3] =	stream.linear.gather [hbm4b:s21+s24], $0x800, $0x38;
	[tilespmem:$0x1CC00] =	vst v63  }
0x13c: {  	_ =	swait.ge [sflag:s4], $0x800  }
0x13d: {  	[sflag:s4] =	ssyncset.done $0x0  }
0x13e: {  	s2 =	simm.s32 $0x800;
	s21 =	rddreg [dreg:$0xa];
	[sflag:s4] =	ssyncadd.s32 $0xFFFFF800  }
0x13f: {  	[tilespmem:s2], [sflag:$0x3] =	stream.linear.gather [hbm4b:s21+s24], $0x800, $0x38;
	[tilespmem:$0x1CC00] =	vst v63  }
0x140: {  	_ =	swait.ge [sflag:s4], $0x800  }
0x141: {  	[sflag:s4] =	ssyncset.done $0x0  }
0x142: {  	[sflag:s4] =	ssyncadd.s32 $0xFFFFF800  }
0x143: {  	[tilespmem:s8], [sflag:$0x1] =	stream.indirect.gather [hbm4b:s6+s7], $0x80, s24, s7, $0xb8;
	[tilespmem:$0x1CC00] =	vst v63  }
0x144: {  	_ = 	snop  }
0x145: {  	[tilespmem:s9], [sflag:$0x2] =	stream.indirect.gather [hbm4b:s6+s7], $0x80, s7, s7, $0xb8;
	[tilespmem:$0x1CC00] =	vst v63  }
0x146: {  	_ =	swait.ge [sflag:s10], $0x4000  }
0x147: {  	[sflag:s10] =	ssyncset.done $0x0  }
0x148: {  	[sflag:s10] =	ssyncadd.s32 $0xFFFFC000  }
0x149: {  	[spmem:s1] =	stream.indirect.scatter.add.f32 [tilespmem:s8], [sflag:$0x3], $0x80, s2, s7, $0xb8;
	[tilespmem:$0x1CC00] =	vst v63  }
0x14a: {  	_ =	swait.ge [sflag:s4], $0x4000  }
0x14b: {  	[sflag:s4] =	ssyncset.done $0x0  }
0x14c: {  	s21 =	simm.s32 $0x100;
	[sflag:s4] =	ssyncadd.s32 $0xFFFFC000  }
0x14d: {  	[tilespmem:s8], [sflag:$0x1] =	stream.indirect.gather [hbm4b:s6+s7], $0x80, s21, s7, $0xb8;
	[tilespmem:$0x1CC00] =	vst v63  }
0x14e: {  	_ =	swait.ge [sflag:s12], $0x4000  }
0x14f: {  	[sflag:s12] =	ssyncset.done $0x0  }
0x150: {  	[sflag:s12] =	ssyncadd.s32 $0xFFFFC000  }
0x151: {  	[spmem:s1] =	stream.indirect.scatter.add.f32 [tilespmem:s9], [sflag:$0x3], $0x80, s3, s7, $0xb8;
	[tilespmem:$0x1CC00] =	vst v63  }
0x152: {  	_ =	swait.ge [sflag:s4], $0x4000  }
0x153: {  	[sflag:s4] =	ssyncset.done $0x0  }
0x154: {  	[sflag:s4] =	ssyncadd.s32 $0xFFFFC000  }
0x155: {  	[tilespmem:s9], [sflag:$0x2] =	stream.indirect.gather [hbm4b:s6+s7], $0x80, s5, s7, $0xb8;
	[tilespmem:$0x1CC00] =	vst v63  }
0x156: {  	_ =	swait.ge [sflag:s10], $0x4000  }
0x157: {  	[sflag:s10] =	ssyncset.done $0x0  }
0x158: {  	[sflag:s10] =	ssyncadd.s32 $0xFFFFC000  }
0x159: {  	[spmem:s1] =	stream.indirect.scatter.add.f32 [tilespmem:s8], [sflag:$0x3], $0x80, s11, s7, $0xb8;
	[tilespmem:$0x1CC00] =	vst v63  }
0x15a: {  	_ =	swait.ge [sflag:s4], $0x4000  }
0x15b: {  	[sflag:s4] =	ssyncset.done $0x0  }
0x15c: {  	[sflag:s4] =	ssyncadd.s32 $0xFFFFC000  }
0x15d: {  	[tilespmem:s8], [sflag:$0x1] =	stream.indirect.gather [hbm4b:s6+s7], $0x80, s13, s7, $0xb8;
	[tilespmem:$0x1CC00] =	vst v63  }
0x15e: {  	_ =	swait.ge [sflag:s12], $0x4000  }
0x15f: {  	[sflag:s12] =	ssyncset.done $0x0  }
0x160: {  	[sflag:s12] =	ssyncadd.s32 $0xFFFFC000  }
0x161: {  	[spmem:s1] =	stream.indirect.scatter.add.f32 [tilespmem:s9], [sflag:$0x3], $0x80, s14, s7, $0xb8;
	[tilespmem:$0x1CC00] =	vst v63  }
0x162: {  	_ =	swait.ge [sflag:s4], $0x4000  }
0x163: {  	[sflag:s4] =	ssyncset.done $0x0  }
0x164: {  	[sflag:s4] =	ssyncadd.s32 $0xFFFFC000  }
0x165: {  	[tilespmem:s9], [sflag:$0x2] =	stream.indirect.gather [hbm4b:s6+s7], $0x80, s15, s7, $0xb8;
	[tilespmem:$0x1CC00] =	vst v63  }
0x166: {  	_ =	swait.ge [sflag:s10], $0x4000  }
0x167: {  	[sflag:s10] =	ssyncset.done $0x0  }
0x168: {  	[sflag:s10] =	ssyncadd.s32 $0xFFFFC000  }
0x169: {  	[spmem:s1] =	stream.indirect.scatter.add.f32 [tilespmem:s8], [sflag:$0x3], $0x80, s16, s7, $0xb8;
	[tilespmem:$0x1CC00] =	vst v63  }
0x16a: {  	_ =	swait.ge [sflag:s4], $0x4000  }
0x16b: {  	[sflag:s4] =	ssyncset.done $0x0  }
0x16c: {  	[sflag:s4] =	ssyncadd.s32 $0xFFFFC000  }
0x16d: {  	[tilespmem:s8], [sflag:$0x1] =	stream.indirect.gather [hbm4b:s6+s7], $0x80, s17, s7, $0xb8;
	[tilespmem:$0x1CC00] =	vst v63  }
0x16e: {  	_ =	swait.ge [sflag:s12], $0x4000  }
0x16f: {  	[sflag:s12] =	ssyncset.done $0x0  }
0x170: {  	[sflag:s12] =	ssyncadd.s32 $0xFFFFC000  }
0x171: {  	[spmem:s1] =	stream.indirect.scatter.add.f32 [tilespmem:s9], [sflag:$0x3], $0x80, s18, s7, $0xb8;
	[tilespmem:$0x1CC00] =	vst v63  }
0x172: {  	_ =	swait.ge [sflag:s4], $0x4000  }
0x173: {  	[sflag:s4] =	ssyncset.done $0x0  }
0x174: {  	[sflag:s4] =	ssyncadd.s32 $0xFFFFC000  }
0x175: {  	[tilespmem:s9], [sflag:$0x2] =	stream.indirect.gather [hbm4b:s6+s7], $0x80, s19, s7, $0xb8;
	[tilespmem:$0x1CC00] =	vst v63  }
0x176: {  	_ =	swait.ge [sflag:s10], $0x4000  }
0x177: {  	[sflag:s10] =	ssyncset.done $0x0  }
0x178: {  	[sflag:s10] =	ssyncadd.s32 $0xFFFFC000  }
0x179: {  	[spmem:s1] =	stream.indirect.scatter.add.f32 [tilespmem:s8], [sflag:$0x3], $0x80, s20, s7, $0xb8;
	[tilespmem:$0x1CC00] =	vst v63  }
0x17a: {  	_ =	swait.ge [sflag:s4], $0x4000  }
0x17b: {  	[sflag:s4] =	ssyncset.done $0x0  }
0x17c: {  	[sflag:s4] =	ssyncadd.s32 $0xFFFFC000  }
0x17d: {  	[tilespmem:s8], [sflag:$0x1] =	stream.indirect.gather [hbm4b:s6+s7], $0x80, s22, s7, $0xb8;
	[tilespmem:$0x1CC00] =	vst v63  }
0x17e: {  	_ =	swait.ge [sflag:s12], $0x4000  }
0x17f: {  	[sflag:s12] =	ssyncset.done $0x0  }
0x180: {  	[sflag:s12] =	ssyncadd.s32 $0xFFFFC000  }
0x181: {  	[spmem:s1] =	stream.indirect.scatter.add.f32 [tilespmem:s9], [sflag:$0x3], $0x80, s23, s7, $0xb8;
	[tilespmem:$0x1CC00] =	vst v63  }
0x182: {  	_ =	swait.ge [sflag:s4], $0x4000  }
0x183: {  	[sflag:s4] =	ssyncset.done $0x0  }
0x184: {  	[sflag:s4] =	ssyncadd.s32 $0xFFFFC000  }
0x185: {  	[tilespmem:s9], [sflag:$0x2] =	stream.indirect.gather [hbm4b:s6+s7], $0x80, s25, s7, $0xb8;
	[tilespmem:$0x1CC00] =	vst v63  }
0x186: {  	_ =	swait.ge [sflag:s10], $0x4000  }
0x187: {  	[sflag:s10] =	ssyncset.done $0x0  }
0x188: {  	[sflag:s10] =	ssyncadd.s32 $0xFFFFC000  }
0x189: {  	[spmem:s1] =	stream.indirect.scatter.add.f32 [tilespmem:s8], [sflag:$0x3], $0x80, s26, s7, $0xb8;
	[tilespmem:$0x1CC00] =	vst v63  }
0x18a: {  	_ =	swait.ge [sflag:s4], $0x4000  }
0x18b: {  	[sflag:s4] =	ssyncset.done $0x0  }
0x18c: {  	[sflag:s4] =	ssyncadd.s32 $0xFFFFC000  }
0x18d: {  	[tilespmem:s8], [sflag:$0x1] =	stream.indirect.gather [hbm4b:s6+s7], $0x80, s28, s7, $0xb8;
	[tilespmem:$0x1CC00] =	vst v63  }
0x18e: {  	_ =	swait.ge [sflag:s12], $0x4000  }
0x18f: {  	[sflag:s12] =	ssyncset.done $0x0  }
0x190: {  	[sflag:s12] =	ssyncadd.s32 $0xFFFFC000  }
0x191: {  	[spmem:s1] =	stream.indirect.scatter.add.f32 [tilespmem:s9], [sflag:$0x3], $0x80, s29, s7, $0xb8;
	[tilespmem:$0x1CC00] =	vst v63  }
0x192: {  	_ =	swait.ge [sflag:s4], $0x4000  }
0x193: {  	[sflag:s4] =	ssyncset.done $0x0  }
0x194: {  	[sflag:s4] =	ssyncadd.s32 $0xFFFFC000  }
0x195: {  	[tilespmem:s9], [sflag:$0x2] =	stream.indirect.gather [hbm4b:s6+s7], $0x80, s30, s7, $0xb8;
	[tilespmem:$0x1CC00] =	vst v63  }
0x196: {  	_ =	swait.ge [sflag:s10], $0x4000  }
0x197: {  	[sflag:s10] =	ssyncset.done $0x0  }
0x198: {  	[sflag:s10] =	ssyncadd.s32 $0xFFFFC000  }
0x199: {  	[spmem:s1] =	stream.indirect.scatter.add.f32 [tilespmem:s8], [sflag:$0x3], $0x80, s31, s7, $0xb8;
	[tilespmem:$0x1CC00] =	vst v63  }
0x19a: {  	_ =	swait.ge [sflag:s4], $0x4000  }
0x19b: {  	[sflag:s4] =	ssyncset.done $0x0  }
0x19c: {  	s23 =	simm.s32 $0x600;
	[sflag:s4] =	ssyncadd.s32 $0xFFFFC000  }
0x19d: {  	[tilespmem:s8], [sflag:$0x1] =	stream.indirect.gather [hbm4b:s6+s7], $0x80, s23, s7, $0xb8;
	[tilespmem:$0x1CC00] =	vst v63  }
0x19e: {  	_ =	swait.ge [sflag:s12], $0x4000  }
0x19f: {  	[sflag:s12] =	ssyncset.done $0x0  }
0x1a0: {  	s25 =	simm.s32 $0xD80;
	[sflag:s12] =	ssyncadd.s32 $0xFFFFC000  }
0x1a1: {  	[spmem:s1] =	stream.indirect.scatter.add.f32 [tilespmem:s9], [sflag:$0x3], $0x80, s25, s7, $0xb8;
	[tilespmem:$0x1CC00] =	vst v63  }
0x1a2: {  	_ =	swait.ge [sflag:s4], $0x4000  }
0x1a3: {  	[sflag:s4] =	ssyncset.done $0x0  }
0x1a4: {  	s26 =	simm.s32 $0x680;
	[sflag:s4] =	ssyncadd.s32 $0xFFFFC000  }
0x1a5: {  	[tilespmem:s9], [sflag:$0x2] =	stream.indirect.gather [hbm4b:s6+s7], $0x80, s26, s7, $0xb8;
	[tilespmem:$0x1CC00] =	vst v63  }
0x1a6: {  	_ =	swait.ge [sflag:s10], $0x4000  }
0x1a7: {  	[sflag:s10] =	ssyncset.done $0x0  }
0x1a8: {  	s28 =	simm.s32 $0xE00;
	[sflag:s10] =	ssyncadd.s32 $0xFFFFC000  }
0x1a9: {  	[spmem:s1] =	stream.indirect.scatter.add.f32 [tilespmem:s8], [sflag:$0x3], $0x80, s28, s7, $0xb8;
	[tilespmem:$0x1CC00] =	vst v63  }
0x1aa: {  	_ =	swait.ge [sflag:s4], $0x4000  }
0x1ab: {  	[sflag:s4] =	ssyncset.done $0x0  }
0x1ac: {  	s29 =	simm.s32 $0x700;
	[sflag:s4] =	ssyncadd.s32 $0xFFFFC000  }
0x1ad: {  	[tilespmem:s8], [sflag:$0x1] =	stream.indirect.gather [hbm4b:s6+s7], $0x80, s29, s7, $0xb8;
	[tilespmem:$0x1CC00] =	vst v63  }
0x1ae: {  	_ =	swait.ge [sflag:s12], $0x4000  }
0x1af: {  	[sflag:s12] =	ssyncset.done $0x0  }
0x1b0: {  	s30 =	simm.s32 $0xE80;
	[sflag:s12] =	ssyncadd.s32 $0xFFFFC000  }
0x1b1: {  	[spmem:s1] =	stream.indirect.scatter.add.f32 [tilespmem:s9], [sflag:$0x3], $0x80, s30, s7, $0xb8;
	[tilespmem:$0x1CC00] =	vst v63  }
0x1b2: {  	_ =	swait.ge [sflag:s4], $0x4000  }
0x1b3: {  	[sflag:s4] =	ssyncset.done $0x0  }
0x1b4: {  	[sflag:s4] =	ssyncadd.s32 $0xFFFFC000  }
0x1b5: {  	[tilespmem:s9], [sflag:$0x2] =	stream.indirect.gather [hbm4b:s6+s7], $0x80, s0, s7, $0xb8;
	[tilespmem:$0x1CC00] =	vst v63  }
0x1b6: {  	_ =	swait.ge [sflag:s10], $0x4000  }
0x1b7: {  	[sflag:s10] =	ssyncset.done $0x0  }
0x1b8: {  	s31 =	simm.s32 $0xF00;
	[sflag:s10] =	ssyncadd.s32 $0xFFFFC000  }
0x1b9: {  	[spmem:s1] =	stream.indirect.scatter.add.f32 [tilespmem:s8], [sflag:$0x3], $0x80, s31, s7, $0xb8;
	[tilespmem:$0x1CC00] =	vst v63  }
0x1ba: {  	_ =	swait.ge [sflag:s4], $0x4000  }
0x1bb: {  	[sflag:s4] =	ssyncset.done $0x0  }
0x1bc: {  	[sflag:s4] =	ssyncadd.s32 $0xFFFFC000  }
0x1bd: {  	[tilespmem:s8], [sflag:$0x1] =	stream.indirect.gather [hbm4b:s6+s7], $0x80, s0, s7, $0xb8;
	[tilespmem:$0x1CC00] =	vst v63  }
0x1be: {  	_ =	swait.ge [sflag:s12], $0x4000  }
0x1bf: {  	[sflag:s12] =	ssyncset.done $0x0  }
0x1c0: {  	s3 =	simm.s32 $0xF80;
	[sflag:s12] =	ssyncadd.s32 $0xFFFFC000  }
0x1c1: {  	[spmem:s1] =	stream.indirect.scatter.add.f32 [tilespmem:s9], [sflag:$0x3], $0x80, s3, s7, $0xb8;
	[tilespmem:$0x1CC00] =	vst v63  }
0x1c2: {  	_ =	swait.ge [sflag:s4], $0x4000  }
0x1c3: {  	[sflag:s4] =	ssyncset.done $0x0  }
0x1c4: {  	[sflag:s4] =	ssyncadd.s32 $0xFFFFC000  }
0x1c5: {  	_ =	swait.ge [sflag:s10], $0x4000  }
0x1c6: {  	[sflag:s10] =	ssyncset.done $0x0  }
0x1c7: {  	s5 =	rddreg [dreg:$0xb];
	[sflag:s10] =	ssyncadd.s32 $0xFFFFC000  }
0x1c8: {  	[tilespmem:s24], [sflag:$0x3] =	stream.linear.gather [hbm4b:s5+s24], $0x800, $0x38;
	[tilespmem:$0x1CC00] =	vst v63  }
0x1c9: {  	_ =	swait.ge [sflag:s4], $0x800  }
0x1ca: {  	[sflag:s4] =	ssyncset.done $0x0  }
0x1cb: {  	s13 =	simm.s32 $0x800;
	s11 =	rddreg [dreg:$0xc];
	[sflag:s4] =	ssyncadd.s32 $0xFFFFF800  }
0x1cc: {  	[tilespmem:s13], [sflag:$0x3] =	stream.linear.gather [hbm4b:s11+s24], $0x800, $0x38;
	[tilespmem:$0x1CC00] =	vst v63  }
0x1cd: {  	_ =	swait.ge [sflag:s4], $0x800  }
0x1ce: {  	[sflag:s4] =	ssyncset.done $0x0  }
0x1cf: {  	[sflag:s4] =	ssyncadd.s32 $0xFFFFF800  }
0x1d0: {  	[tilespmem:s8], [sflag:$0x1] =	stream.indirect.gather [hbm4b:s6+s7], $0x80, s24, s7, $0xb8;
	[tilespmem:$0x1CC00] =	vst v63  }
0x1d1: {  	_ = 	snop  }
0x1d2: {  	[tilespmem:s9], [sflag:$0x2] =	stream.indirect.gather [hbm4b:s6+s7], $0x80, s7, s7, $0xb8;
	[tilespmem:$0x1CC00] =	vst v63  }
0x1d3: {  	_ =	swait.ge [sflag:s10], $0x4000  }
0x1d4: {  	[sflag:s10] =	ssyncset.done $0x0  }
0x1d5: {  	[sflag:s10] =	ssyncadd.s32 $0xFFFFC000  }
0x1d6: {  	[spmem:s1] =	stream.indirect.scatter.add.f32 [tilespmem:s8], [sflag:$0x3], $0x80, s13, s7, $0xb8;
	[tilespmem:$0x1CC00] =	vst v63  }
0x1d7: {  	_ =	swait.ge [sflag:s4], $0x4000  }
0x1d8: {  	[sflag:s4] =	ssyncset.done $0x0  }
0x1d9: {  	s14 =	simm.s32 $0x100;
	[sflag:s4] =	ssyncadd.s32 $0xFFFFC000  }
0x1da: {  	[tilespmem:s8], [sflag:$0x1] =	stream.indirect.gather [hbm4b:s6+s7], $0x80, s14, s7, $0xb8;
	[tilespmem:$0x1CC00] =	vst v63  }
0x1db: {  	_ =	swait.ge [sflag:s12], $0x4000  }
0x1dc: {  	[sflag:s12] =	ssyncset.done $0x0  }
0x1dd: {  	s3 =	simm.s32 $0x880;
	[sflag:s12] =	ssyncadd.s32 $0xFFFFC000  }
0x1de: {  	[spmem:s1] =	stream.indirect.scatter.add.f32 [tilespmem:s9], [sflag:$0x3], $0x80, s3, s7, $0xb8;
	[tilespmem:$0x1CC00] =	vst v63  }
0x1df: {  	_ =	swait.ge [sflag:s4], $0x4000  }
0x1e0: {  	[sflag:s4] =	ssyncset.done $0x0  }
0x1e1: {  	s15 =	simm.s32 $0x180;
	[sflag:s4] =	ssyncadd.s32 $0xFFFFC000  }
0x1e2: {  	[tilespmem:s9], [sflag:$0x2] =	stream.indirect.gather [hbm4b:s6+s7], $0x80, s15, s7, $0xb8;
	[tilespmem:$0x1CC00] =	vst v63  }
0x1e3: {  	_ =	swait.ge [sflag:s10], $0x4000  }
0x1e4: {  	[sflag:s10] =	ssyncset.done $0x0  }
0x1e5: {  	s5 =	simm.s32 $0x900;
	[sflag:s10] =	ssyncadd.s32 $0xFFFFC000  }
0x1e6: {  	[spmem:s1] =	stream.indirect.scatter.add.f32 [tilespmem:s8], [sflag:$0x3], $0x80, s5, s7, $0xb8;
	[tilespmem:$0x1CC00] =	vst v63  }
0x1e7: {  	_ =	swait.ge [sflag:s4], $0x4000  }
0x1e8: {  	[sflag:s4] =	ssyncset.done $0x0  }
0x1e9: {  	s16 =	simm.s32 $0x200;
	[sflag:s4] =	ssyncadd.s32 $0xFFFFC000  }
0x1ea: {  	[tilespmem:s8], [sflag:$0x1] =	stream.indirect.gather [hbm4b:s6+s7], $0x80, s16, s7, $0xb8;
	[tilespmem:$0x1CC00] =	vst v63  }
0x1eb: {  	_ =	swait.ge [sflag:s12], $0x4000  }
0x1ec: {  	[sflag:s12] =	ssyncset.done $0x0  }
0x1ed: {  	s11 =	simm.s32 $0x980;
	[sflag:s12] =	ssyncadd.s32 $0xFFFFC000  }
0x1ee: {  	[spmem:s1] =	stream.indirect.scatter.add.f32 [tilespmem:s9], [sflag:$0x3], $0x80, s11, s7, $0xb8;
	[tilespmem:$0x1CC00] =	vst v63  }
0x1ef: {  	_ =	swait.ge [sflag:s4], $0x4000  }
0x1f0: {  	[sflag:s4] =	ssyncset.done $0x0  }
0x1f1: {  	s18 =	simm.s32 $0x280;
	[sflag:s4] =	ssyncadd.s32 $0xFFFFC000  }
0x1f2: {  	[tilespmem:s9], [sflag:$0x2] =	stream.indirect.gather [hbm4b:s6+s7], $0x80, s18, s7, $0xb8;
	[tilespmem:$0x1CC00] =	vst v63  }
0x1f3: {  	_ =	swait.ge [sflag:s10], $0x4000  }
0x1f4: {  	[sflag:s10] =	ssyncset.done $0x0  }
0x1f5: {  	s13 =	simm.s32 $0xA00;
	[sflag:s10] =	ssyncadd.s32 $0xFFFFC000  }
0x1f6: {  	[spmem:s1] =	stream.indirect.scatter.add.f32 [tilespmem:s8], [sflag:$0x3], $0x80, s13, s7, $0xb8;
	[tilespmem:$0x1CC00] =	vst v63  }
0x1f7: {  	_ =	swait.ge [sflag:s4], $0x4000  }
0x1f8: {  	[sflag:s4] =	ssyncset.done $0x0  }
0x1f9: {  	s20 =	simm.s32 $0x300;
	[sflag:s4] =	ssyncadd.s32 $0xFFFFC000  }
0x1fa: {  	[tilespmem:s8], [sflag:$0x1] =	stream.indirect.gather [hbm4b:s6+s7], $0x80, s20, s7, $0xb8;
	[tilespmem:$0x1CC00] =	vst v63  }
0x1fb: {  	_ =	swait.ge [sflag:s12], $0x4000  }
0x1fc: {  	[sflag:s12] =	ssyncset.done $0x0  }
0x1fd: {  	s14 =	simm.s32 $0xA80;
	[sflag:s12] =	ssyncadd.s32 $0xFFFFC000  }
0x1fe: {  	[spmem:s1] =	stream.indirect.scatter.add.f32 [tilespmem:s9], [sflag:$0x3], $0x80, s14, s7, $0xb8;
	[tilespmem:$0x1CC00] =	vst v63  }
0x1ff: {  	_ =	swait.ge [sflag:s4], $0x4000  }
0x200: {  	[sflag:s4] =	ssyncset.done $0x0  }
0x201: {  	s21 =	simm.s32 $0x380;
	[sflag:s4] =	ssyncadd.s32 $0xFFFFC000  }
0x202: {  	[tilespmem:s9], [sflag:$0x2] =	stream.indirect.gather [hbm4b:s6+s7], $0x80, s21, s7, $0xb8;
	[tilespmem:$0x1CC00] =	vst v63  }
0x203: {  	_ =	swait.ge [sflag:s10], $0x4000  }
0x204: {  	[sflag:s10] =	ssyncset.done $0x0  }
0x205: {  	s15 =	simm.s32 $0xB00;
	[sflag:s10] =	ssyncadd.s32 $0xFFFFC000  }
0x206: {  	[spmem:s1] =	stream.indirect.scatter.add.f32 [tilespmem:s8], [sflag:$0x3], $0x80, s15, s7, $0xb8;
	[tilespmem:$0x1CC00] =	vst v63  }
0x207: {  	_ =	swait.ge [sflag:s4], $0x4000  }
0x208: {  	[sflag:s4] =	ssyncset.done $0x0  }
0x209: {  	s23 =	simm.s32 $0x400;
	[sflag:s4] =	ssyncadd.s32 $0xFFFFC000  }
0x20a: {  	[tilespmem:s8], [sflag:$0x1] =	stream.indirect.gather [hbm4b:s6+s7], $0x80, s23, s7, $0xb8;
	[tilespmem:$0x1CC00] =	vst v63  }
0x20b: {  	_ =	swait.ge [sflag:s12], $0x4000  }
0x20c: {  	[sflag:s12] =	ssyncset.done $0x0  }
0x20d: {  	s25 =	simm.s32 $0xB80;
	[sflag:s12] =	ssyncadd.s32 $0xFFFFC000  }
0x20e: {  	[spmem:s1] =	stream.indirect.scatter.add.f32 [tilespmem:s9], [sflag:$0x3], $0x80, s25, s7, $0xb8;
	[tilespmem:$0x1CC00] =	vst v63  }
0x20f: {  	_ =	swait.ge [sflag:s4], $0x4000  }
0x210: {  	[sflag:s4] =	ssyncset.done $0x0  }
0x211: {  	s26 =	simm.s32 $0x480;
	[sflag:s4] =	ssyncadd.s32 $0xFFFFC000  }
0x212: {  	[tilespmem:s9], [sflag:$0x2] =	stream.indirect.gather [hbm4b:s6+s7], $0x80, s26, s7, $0xb8;
	[tilespmem:$0x1CC00] =	vst v63  }
0x213: {  	_ =	swait.ge [sflag:s10], $0x4000  }
0x214: {  	[sflag:s10] =	ssyncset.done $0x0  }
0x215: {  	s28 =	simm.s32 $0xC00;
	[sflag:s10] =	ssyncadd.s32 $0xFFFFC000  }
0x216: {  	[spmem:s1] =	stream.indirect.scatter.add.f32 [tilespmem:s8], [sflag:$0x3], $0x80, s28, s7, $0xb8;
	[tilespmem:$0x1CC00] =	vst v63  }
0x217: {  	_ =	swait.ge [sflag:s4], $0x4000  }
0x218: {  	[sflag:s4] =	ssyncset.done $0x0  }
0x219: {  	s29 =	simm.s32 $0x500;
	[sflag:s4] =	ssyncadd.s32 $0xFFFFC000  }
0x21a: {  	[tilespmem:s8], [sflag:$0x1] =	stream.indirect.gather [hbm4b:s6+s7], $0x80, s29, s7, $0xb8;
	[tilespmem:$0x1CC00] =	vst v63  }
0x21b: {  	_ =	swait.ge [sflag:s12], $0x4000  }
0x21c: {  	[sflag:s12] =	ssyncset.done $0x0  }
0x21d: {  	s30 =	simm.s32 $0xC80;
	[sflag:s12] =	ssyncadd.s32 $0xFFFFC000  }
0x21e: {  	[spmem:s1] =	stream.indirect.scatter.add.f32 [tilespmem:s9], [sflag:$0x3], $0x80, s30, s7, $0xb8;
	[tilespmem:$0x1CC00] =	vst v63  }
0x21f: {  	_ =	swait.ge [sflag:s4], $0x4000  }
0x220: {  	[sflag:s4] =	ssyncset.done $0x0  }
0x221: {  	s31 =	simm.s32 $0x580;
	[sflag:s4] =	ssyncadd.s32 $0xFFFFC000  }
0x222: {  	[tilespmem:s9], [sflag:$0x2] =	stream.indirect.gather [hbm4b:s6+s7], $0x80, s31, s7, $0xb8;
	[tilespmem:$0x1CC00] =	vst v63  }
0x223: {  	_ =	swait.ge [sflag:s10], $0x4000  }
0x224: {  	[sflag:s10] =	ssyncset.done $0x0  }
0x225: {  	s21 =	simm.s32 $0xD00;
	[sflag:s10] =	ssyncadd.s32 $0xFFFFC000  }
0x226: {  	[spmem:s1] =	stream.indirect.scatter.add.f32 [tilespmem:s8], [sflag:$0x3], $0x80, s21, s7, $0xb8;
	[tilespmem:$0x1CC00] =	vst v63  }
0x227: {  	_ =	swait.ge [sflag:s4], $0x4000  }
0x228: {  	[sflag:s4] =	ssyncset.done $0x0  }
0x229: {  	s21 =	simm.s32 $0x600;
	[sflag:s4] =	ssyncadd.s32 $0xFFFFC000  }
0x22a: {  	[tilespmem:s8], [sflag:$0x1] =	stream.indirect.gather [hbm4b:s6+s7], $0x80, s21, s7, $0xb8;
	[tilespmem:$0x1CC00] =	vst v63  }
0x22b: {  	_ =	swait.ge [sflag:s12], $0x4000  }
0x22c: {  	[sflag:s12] =	ssyncset.done $0x0  }
0x22d: {  	s21 =	simm.s32 $0xD80;
	[sflag:s12] =	ssyncadd.s32 $0xFFFFC000  }
0x22e: {  	[spmem:s1] =	stream.indirect.scatter.add.f32 [tilespmem:s9], [sflag:$0x3], $0x80, s21, s7, $0xb8;
	[tilespmem:$0x1CC00] =	vst v63  }
0x22f: {  	_ =	swait.ge [sflag:s4], $0x4000  }
0x230: {  	[sflag:s4] =	ssyncset.done $0x0  }
0x231: {  	s21 =	simm.s32 $0x680;
	[sflag:s4] =	ssyncadd.s32 $0xFFFFC000  }
0x232: {  	[tilespmem:s9], [sflag:$0x2] =	stream.indirect.gather [hbm4b:s6+s7], $0x80, s21, s7, $0xb8;
	[tilespmem:$0x1CC00] =	vst v63  }
0x233: {  	_ =	swait.ge [sflag:s10], $0x4000  }
0x234: {  	[sflag:s10] =	ssyncset.done $0x0  }
0x235: {  	s21 =	simm.s32 $0xE00;
	[sflag:s10] =	ssyncadd.s32 $0xFFFFC000  }
0x236: {  	[spmem:s1] =	stream.indirect.scatter.add.f32 [tilespmem:s8], [sflag:$0x3], $0x80, s21, s7, $0xb8;
	[tilespmem:$0x1CC00] =	vst v63  }
0x237: {  	_ =	swait.ge [sflag:s4], $0x4000  }
0x238: {  	[sflag:s4] =	ssyncset.done $0x0  }
0x239: {  	s21 =	simm.s32 $0x700;
	[sflag:s4] =	ssyncadd.s32 $0xFFFFC000  }
0x23a: {  	[tilespmem:s8], [sflag:$0x1] =	stream.indirect.gather [hbm4b:s6+s7], $0x80, s21, s7, $0xb8;
	[tilespmem:$0x1CC00] =	vst v63  }
0x23b: {  	_ =	swait.ge [sflag:s12], $0x4000  }
0x23c: {  	[sflag:s12] =	ssyncset.done $0x0  }
0x23d: {  	s21 =	simm.s32 $0xE80;
	[sflag:s12] =	ssyncadd.s32 $0xFFFFC000  }
0x23e: {  	[spmem:s1] =	stream.indirect.scatter.add.f32 [tilespmem:s9], [sflag:$0x3], $0x80, s21, s7, $0xb8;
	[tilespmem:$0x1CC00] =	vst v63  }
0x23f: {  	_ =	swait.ge [sflag:s4], $0x4000  }
0x240: {  	[sflag:s4] =	ssyncset.done $0x0  }
0x241: {  	[sflag:s4] =	ssyncadd.s32 $0xFFFFC000  }
0x242: {  	[tilespmem:s9], [sflag:$0x2] =	stream.indirect.gather [hbm4b:s6+s7], $0x80, s0, s7, $0xb8;
	[tilespmem:$0x1CC00] =	vst v63  }
0x243: {  	_ =	swait.ge [sflag:s10], $0x4000  }
0x244: {  	[sflag:s10] =	ssyncset.done $0x0  }
0x245: {  	s21 =	simm.s32 $0xF00;
	[sflag:s10] =	ssyncadd.s32 $0xFFFFC000  }
0x246: {  	[spmem:s1] =	stream.indirect.scatter.add.f32 [tilespmem:s8], [sflag:$0x3], $0x80, s21, s7, $0xb8;
	[tilespmem:$0x1CC00] =	vst v63  }
0x247: {  	_ =	swait.ge [sflag:s4], $0x4000  }
0x248: {  	[sflag:s4] =	ssyncset.done $0x0  }
0x249: {  	[sflag:s4] =	ssyncadd.s32 $0xFFFFC000  }
0x24a: {  	[tilespmem:s8], [sflag:$0x1] =	stream.indirect.gather [hbm4b:s6+s7], $0x80, s0, s7, $0xb8;
	[tilespmem:$0x1CC00] =	vst v63  }
0x24b: {  	_ =	swait.ge [sflag:s12], $0x4000  }
0x24c: {  	[sflag:s12] =	ssyncset.done $0x0  }
0x24d: {  	s21 =	simm.s32 $0xF80;
	[sflag:s12] =	ssyncadd.s32 $0xFFFFC000  }
0x24e: {  	[spmem:s1] =	stream.indirect.scatter.add.f32 [tilespmem:s9], [sflag:$0x3], $0x80, s21, s7, $0xb8;
	[tilespmem:$0x1CC00] =	vst v63  }
0x24f: {  	_ =	swait.ge [sflag:s4], $0x4000  }
0x250: {  	[sflag:s4] =	ssyncset.done $0x0  }
0x251: {  	[sflag:s4] =	ssyncadd.s32 $0xFFFFC000  }
0x252: {  	_ =	swait.ge [sflag:s10], $0x4000  }
0x253: {  	[sflag:s10] =	ssyncset.done $0x0  }
0x254: {  	s21 =	rddreg [dreg:$0xd];
	[sflag:s10] =	ssyncadd.s32 $0xFFFFC000  }
0x255: {  	[tilespmem:s24], [sflag:$0x3] =	stream.linear.gather [hbm4b:s21+s24], $0x800, $0x38;
	[tilespmem:$0x1CC00] =	vst v63  }
0x256: {  	_ =	swait.ge [sflag:s4], $0x800  }
0x257: {  	[sflag:s4] =	ssyncset.done $0x0  }
0x258: {  	s2 =	simm.s32 $0x800;
	s21 =	rddreg [dreg:$0xe];
	[sflag:s4] =	ssyncadd.s32 $0xFFFFF800  }
0x259: {  	[tilespmem:s2], [sflag:$0x3] =	stream.linear.gather [hbm4b:s21+s24], $0x800, $0x38;
	[tilespmem:$0x1CC00] =	vst v63  }
0x25a: {  	_ =	swait.ge [sflag:s4], $0x800  }
0x25b: {  	[sflag:s4] =	ssyncset.done $0x0  }
0x25c: {  	[sflag:s4] =	ssyncadd.s32 $0xFFFFF800  }
0x25d: {  	[tilespmem:s8], [sflag:$0x1] =	stream.indirect.gather [hbm4b:s6+s7], $0x80, s24, s7, $0xb8;
	[tilespmem:$0x1CC00] =	vst v63  }
0x25e: {  	_ = 	snop  }
0x25f: {  	[tilespmem:s9], [sflag:$0x2] =	stream.indirect.gather [hbm4b:s6+s7], $0x80, s7, s7, $0xb8;
	[tilespmem:$0x1CC00] =	vst v63  }
0x260: {  	_ =	swait.ge [sflag:s10], $0x4000  }
0x261: {  	[sflag:s10] =	ssyncset.done $0x0  }
0x262: {  	[sflag:s10] =	ssyncadd.s32 $0xFFFFC000  }
0x263: {  	[spmem:s1] =	stream.indirect.scatter.add.f32 [tilespmem:s8], [sflag:$0x3], $0x80, s2, s7, $0xb8;
	[tilespmem:$0x1CC00] =	vst v63  }
0x264: {  	_ =	swait.ge [sflag:s4], $0x4000  }
0x265: {  	[sflag:s4] =	ssyncset.done $0x0  }
0x266: {  	s17 =	simm.s32 $0x100;
	[sflag:s4] =	ssyncadd.s32 $0xFFFFC000  }
0x267: {  	[tilespmem:s8], [sflag:$0x1] =	stream.indirect.gather [hbm4b:s6+s7], $0x80, s17, s7, $0xb8;
	[tilespmem:$0x1CC00] =	vst v63  }
0x268: {  	_ =	swait.ge [sflag:s12], $0x4000  }
0x269: {  	[sflag:s12] =	ssyncset.done $0x0  }
0x26a: {  	[sflag:s12] =	ssyncadd.s32 $0xFFFFC000  }
0x26b: {  	[spmem:s1] =	stream.indirect.scatter.add.f32 [tilespmem:s9], [sflag:$0x3], $0x80, s3, s7, $0xb8;
	[tilespmem:$0x1CC00] =	vst v63  }
0x26c: {  	_ =	swait.ge [sflag:s4], $0x4000  }
0x26d: {  	[sflag:s4] =	ssyncset.done $0x0  }
0x26e: {  	s22 =	simm.s32 $0x180;
	[sflag:s4] =	ssyncadd.s32 $0xFFFFC000  }
0x26f: {  	[tilespmem:s9], [sflag:$0x2] =	stream.indirect.gather [hbm4b:s6+s7], $0x80, s22, s7, $0xb8;
	[tilespmem:$0x1CC00] =	vst v63  }
0x270: {  	_ =	swait.ge [sflag:s10], $0x4000  }
0x271: {  	[sflag:s10] =	ssyncset.done $0x0  }
0x272: {  	[sflag:s10] =	ssyncadd.s32 $0xFFFFC000  }
0x273: {  	[spmem:s1] =	stream.indirect.scatter.add.f32 [tilespmem:s8], [sflag:$0x3], $0x80, s5, s7, $0xb8;
	[tilespmem:$0x1CC00] =	vst v63  }
0x274: {  	_ =	swait.ge [sflag:s4], $0x4000  }
0x275: {  	[sflag:s4] =	ssyncset.done $0x0  }
0x276: {  	s19 =	simm.s32 $0x200;
	[sflag:s4] =	ssyncadd.s32 $0xFFFFC000  }
0x277: {  	[tilespmem:s8], [sflag:$0x1] =	stream.indirect.gather [hbm4b:s6+s7], $0x80, s19, s7, $0xb8;
	[tilespmem:$0x1CC00] =	vst v63  }
0x278: {  	_ =	swait.ge [sflag:s12], $0x4000  }
0x279: {  	[sflag:s12] =	ssyncset.done $0x0  }
0x27a: {  	[sflag:s12] =	ssyncadd.s32 $0xFFFFC000  }
0x27b: {  	[spmem:s1] =	stream.indirect.scatter.add.f32 [tilespmem:s9], [sflag:$0x3], $0x80, s11, s7, $0xb8;
	[tilespmem:$0x1CC00] =	vst v63  }
0x27c: {  	_ =	swait.ge [sflag:s4], $0x4000  }
0x27d: {  	[sflag:s4] =	ssyncset.done $0x0  }
0x27e: {  	s16 =	simm.s32 $0x280;
	[sflag:s4] =	ssyncadd.s32 $0xFFFFC000  }
0x27f: {  	[tilespmem:s9], [sflag:$0x2] =	stream.indirect.gather [hbm4b:s6+s7], $0x80, s16, s7, $0xb8;
	[tilespmem:$0x1CC00] =	vst v63  }
0x280: {  	_ =	swait.ge [sflag:s10], $0x4000  }
0x281: {  	[sflag:s10] =	ssyncset.done $0x0  }
0x282: {  	[sflag:s10] =	ssyncadd.s32 $0xFFFFC000  }
0x283: {  	[spmem:s1] =	stream.indirect.scatter.add.f32 [tilespmem:s8], [sflag:$0x3], $0x80, s13, s7, $0xb8;
	[tilespmem:$0x1CC00] =	vst v63  }
0x284: {  	_ =	swait.ge [sflag:s4], $0x4000  }
0x285: {  	[sflag:s4] =	ssyncset.done $0x0  }
0x286: {  	s18 =	simm.s32 $0x300;
	[sflag:s4] =	ssyncadd.s32 $0xFFFFC000  }
0x287: {  	[tilespmem:s8], [sflag:$0x1] =	stream.indirect.gather [hbm4b:s6+s7], $0x80, s18, s7, $0xb8;
	[tilespmem:$0x1CC00] =	vst v63  }
0x288: {  	_ =	swait.ge [sflag:s12], $0x4000  }
0x289: {  	[sflag:s12] =	ssyncset.done $0x0  }
0x28a: {  	[sflag:s12] =	ssyncadd.s32 $0xFFFFC000  }
0x28b: {  	[spmem:s1] =	stream.indirect.scatter.add.f32 [tilespmem:s9], [sflag:$0x3], $0x80, s14, s7, $0xb8;
	[tilespmem:$0x1CC00] =	vst v63  }
0x28c: {  	_ =	swait.ge [sflag:s4], $0x4000  }
0x28d: {  	[sflag:s4] =	ssyncset.done $0x0  }
0x28e: {  	s20 =	simm.s32 $0x380;
	[sflag:s4] =	ssyncadd.s32 $0xFFFFC000  }
0x28f: {  	[tilespmem:s9], [sflag:$0x2] =	stream.indirect.gather [hbm4b:s6+s7], $0x80, s20, s7, $0xb8;
	[tilespmem:$0x1CC00] =	vst v63  }
0x290: {  	_ =	swait.ge [sflag:s10], $0x4000  }
0x291: {  	[sflag:s10] =	ssyncset.done $0x0  }
0x292: {  	[sflag:s10] =	ssyncadd.s32 $0xFFFFC000  }
0x293: {  	[spmem:s1] =	stream.indirect.scatter.add.f32 [tilespmem:s8], [sflag:$0x3], $0x80, s15, s7, $0xb8;
	[tilespmem:$0x1CC00] =	vst v63  }
0x294: {  	_ =	swait.ge [sflag:s4], $0x4000  }
0x295: {  	[sflag:s4] =	ssyncset.done $0x0  }
0x296: {  	s23 =	simm.s32 $0x400;
	[sflag:s4] =	ssyncadd.s32 $0xFFFFC000  }
0x297: {  	[tilespmem:s8], [sflag:$0x1] =	stream.indirect.gather [hbm4b:s6+s7], $0x80, s23, s7, $0xb8;
	[tilespmem:$0x1CC00] =	vst v63  }
0x298: {  	_ =	swait.ge [sflag:s12], $0x4000  }
0x299: {  	[sflag:s12] =	ssyncset.done $0x0  }
0x29a: {  	s25 =	simm.s32 $0xB80;
	[sflag:s12] =	ssyncadd.s32 $0xFFFFC000  }
0x29b: {  	[spmem:s1] =	stream.indirect.scatter.add.f32 [tilespmem:s9], [sflag:$0x3], $0x80, s25, s7, $0xb8;
	[tilespmem:$0x1CC00] =	vst v63  }
0x29c: {  	_ =	swait.ge [sflag:s4], $0x4000  }
0x29d: {  	[sflag:s4] =	ssyncset.done $0x0  }
0x29e: {  	s26 =	simm.s32 $0x480;
	[sflag:s4] =	ssyncadd.s32 $0xFFFFC000  }
0x29f: {  	[tilespmem:s9], [sflag:$0x2] =	stream.indirect.gather [hbm4b:s6+s7], $0x80, s26, s7, $0xb8;
	[tilespmem:$0x1CC00] =	vst v63  }
0x2a0: {  	_ =	swait.ge [sflag:s10], $0x4000  }
0x2a1: {  	[sflag:s10] =	ssyncset.done $0x0  }
0x2a2: {  	s28 =	simm.s32 $0xC00;
	[sflag:s10] =	ssyncadd.s32 $0xFFFFC000  }
0x2a3: {  	[spmem:s1] =	stream.indirect.scatter.add.f32 [tilespmem:s8], [sflag:$0x3], $0x80, s28, s7, $0xb8;
	[tilespmem:$0x1CC00] =	vst v63  }
0x2a4: {  	_ =	swait.ge [sflag:s4], $0x4000  }
0x2a5: {  	[sflag:s4] =	ssyncset.done $0x0  }
0x2a6: {  	s29 =	simm.s32 $0x500;
	[sflag:s4] =	ssyncadd.s32 $0xFFFFC000  }
0x2a7: {  	[tilespmem:s8], [sflag:$0x1] =	stream.indirect.gather [hbm4b:s6+s7], $0x80, s29, s7, $0xb8;
	[tilespmem:$0x1CC00] =	vst v63  }
0x2a8: {  	_ =	swait.ge [sflag:s12], $0x4000  }
0x2a9: {  	[sflag:s12] =	ssyncset.done $0x0  }
0x2aa: {  	s30 =	simm.s32 $0xC80;
	[sflag:s12] =	ssyncadd.s32 $0xFFFFC000  }
0x2ab: {  	[spmem:s1] =	stream.indirect.scatter.add.f32 [tilespmem:s9], [sflag:$0x3], $0x80, s30, s7, $0xb8;
	[tilespmem:$0x1CC00] =	vst v63  }
0x2ac: {  	_ =	swait.ge [sflag:s4], $0x4000  }
0x2ad: {  	[sflag:s4] =	ssyncset.done $0x0  }
0x2ae: {  	s31 =	simm.s32 $0x580;
	[sflag:s4] =	ssyncadd.s32 $0xFFFFC000  }
0x2af: {  	[tilespmem:s9], [sflag:$0x2] =	stream.indirect.gather [hbm4b:s6+s7], $0x80, s31, s7, $0xb8;
	[tilespmem:$0x1CC00] =	vst v63  }
0x2b0: {  	_ =	swait.ge [sflag:s10], $0x4000  }
0x2b1: {  	[sflag:s10] =	ssyncset.done $0x0  }
0x2b2: {  	s19 =	simm.s32 $0xD00;
	[sflag:s10] =	ssyncadd.s32 $0xFFFFC000  }
0x2b3: {  	[spmem:s1] =	stream.indirect.scatter.add.f32 [tilespmem:s8], [sflag:$0x3], $0x80, s19, s7, $0xb8;
	[tilespmem:$0x1CC00] =	vst v63  }
0x2b4: {  	_ =	swait.ge [sflag:s4], $0x4000  }
0x2b5: {  	[sflag:s4] =	ssyncset.done $0x0  }
0x2b6: {  	s20 =	simm.s32 $0x600;
	[sflag:s4] =	ssyncadd.s32 $0xFFFFC000  }
0x2b7: {  	[tilespmem:s8], [sflag:$0x1] =	stream.indirect.gather [hbm4b:s6+s7], $0x80, s20, s7, $0xb8;
	[tilespmem:$0x1CC00] =	vst v63  }
0x2b8: {  	_ =	swait.ge [sflag:s12], $0x4000  }
0x2b9: {  	[sflag:s12] =	ssyncset.done $0x0  }
0x2ba: {  	s21 =	simm.s32 $0xD80;
	[sflag:s12] =	ssyncadd.s32 $0xFFFFC000  }
0x2bb: {  	[spmem:s1] =	stream.indirect.scatter.add.f32 [tilespmem:s9], [sflag:$0x3], $0x80, s21, s7, $0xb8;
	[tilespmem:$0x1CC00] =	vst v63  }
0x2bc: {  	_ =	swait.ge [sflag:s4], $0x4000  }
0x2bd: {  	[sflag:s4] =	ssyncset.done $0x0  }
0x2be: {  	s22 =	simm.s32 $0x680;
	[sflag:s4] =	ssyncadd.s32 $0xFFFFC000  }
0x2bf: {  	[tilespmem:s9], [sflag:$0x2] =	stream.indirect.gather [hbm4b:s6+s7], $0x80, s22, s7, $0xb8;
	[tilespmem:$0x1CC00] =	vst v63  }
0x2c0: {  	_ =	swait.ge [sflag:s10], $0x4000  }
0x2c1: {  	[sflag:s10] =	ssyncset.done $0x0  }
0x2c2: {  	s23 =	simm.s32 $0xE00;
	[sflag:s10] =	ssyncadd.s32 $0xFFFFC000  }
0x2c3: {  	[spmem:s1] =	stream.indirect.scatter.add.f32 [tilespmem:s8], [sflag:$0x3], $0x80, s23, s7, $0xb8;
	[tilespmem:$0x1CC00] =	vst v63  }
0x2c4: {  	_ =	swait.ge [sflag:s4], $0x4000  }
0x2c5: {  	[sflag:s4] =	ssyncset.done $0x0  }
0x2c6: {  	s24 =	simm.s32 $0x700;
	[sflag:s4] =	ssyncadd.s32 $0xFFFFC000  }
0x2c7: {  	[tilespmem:s8], [sflag:$0x1] =	stream.indirect.gather [hbm4b:s6+s7], $0x80, s24, s7, $0xb8;
	[tilespmem:$0x1CC00] =	vst v63  }
0x2c8: {  	_ =	swait.ge [sflag:s12], $0x4000  }
0x2c9: {  	[sflag:s12] =	ssyncset.done $0x0  }
0x2ca: {  	s25 =	simm.s32 $0xE80;
	[sflag:s12] =	ssyncadd.s32 $0xFFFFC000  }
0x2cb: {  	[spmem:s1] =	stream.indirect.scatter.add.f32 [tilespmem:s9], [sflag:$0x3], $0x80, s25, s7, $0xb8;
	[tilespmem:$0x1CC00] =	vst v63  }
0x2cc: {  	_ =	swait.ge [sflag:s4], $0x4000  }
0x2cd: {  	[sflag:s4] =	ssyncset.done $0x0  }
0x2ce: {  	[sflag:s4] =	ssyncadd.s32 $0xFFFFC000  }
0x2cf: {  	[tilespmem:s9], [sflag:$0x2] =	stream.indirect.gather [hbm4b:s6+s7], $0x80, s0, s7, $0xb8;
	[tilespmem:$0x1CC00] =	vst v63  }
0x2d0: {  	_ =	swait.ge [sflag:s10], $0x4000  }
0x2d1: {  	[sflag:s10] =	ssyncset.done $0x0  }
0x2d2: {  	s26 =	simm.s32 $0xF00;
	[sflag:s10] =	ssyncadd.s32 $0xFFFFC000  }
0x2d3: {  	[spmem:s1] =	stream.indirect.scatter.add.f32 [tilespmem:s8], [sflag:$0x3], $0x80, s26, s7, $0xb8;
	[tilespmem:$0x1CC00] =	vst v63  }
0x2d4: {  	_ =	swait.ge [sflag:s4], $0x4000  }
0x2d5: {  	[sflag:s4] =	ssyncset.done $0x0  }
0x2d6: {  	[sflag:s4] =	ssyncadd.s32 $0xFFFFC000  }
0x2d7: {  	[tilespmem:s8], [sflag:$0x1] =	stream.indirect.gather [hbm4b:s6+s7], $0x80, s0, s7, $0xb8;
	[tilespmem:$0x1CC00] =	vst v63  }
0x2d8: {  	_ =	swait.ge [sflag:s12], $0x4000  }
0x2d9: {  	[sflag:s12] =	ssyncset.done $0x0  }
0x2da: {  	s28 =	simm.s32 $0xF80;
	[sflag:s12] =	ssyncadd.s32 $0xFFFFC000  }
0x2db: {  	[spmem:s1] =	stream.indirect.scatter.add.f32 [tilespmem:s9], [sflag:$0x3], $0x80, s28, s7, $0xb8;
	[tilespmem:$0x1CC00] =	vst v63  }
0x2dc: {  	_ =	swait.ge [sflag:s4], $0x4000  }
0x2dd: {  	[sflag:s4] =	ssyncset.done $0x0  }
0x2de: {  	[sflag:s4] =	ssyncadd.s32 $0xFFFFC000  }
0x2df: {  	_ =	swait.ge [sflag:s10], $0x4000  }
0x2e0: {  	[sflag:s10] =	ssyncset.done $0x0  }
0x2e1: {  	[sflag:s10] =	ssyncadd.s32 $0xFFFFC000  }
0x2e2: {  	[bflag:$0x0] =	sbarrier.arrive $0xFFFF  }
0x2e3: {  	s29 =	rddreg [dreg:$0x12]  }
0x2e4: {  	s30 =	rddreg [dreg:$0xf]  }
0x2e5: {  	s0 =	rddreg [dreg:$0x14]  }
0x2e6: {  	[hbm:s30], [sflag:s0] =	dma.local [spmem:s29], $0x2700  }
0x2e7: {  	_ =	swait.ge [sflag:s4], $0x2700  }
0x2e8: {  	s2 =	rddreg [dreg:$0x10];
	[sflag:s4] =	ssyncset.done $0x0  }
0x2e9: {  	s21 =	rddreg [dreg:$0x13];
	[sflag:s4] =	ssyncadd.s32 $0xFFFFD900  }
0x2ea: {  	[hbm:s2], [sflag:s0] =	dma.local @!p0 [spmem:s21], $0x100  }
0x2eb: {  	s0 =	rddreg [dreg:$0x15]  }
0x2ec: {  	s0 =	ssub.s32 $0x2, s0  }
0x2ed: {  	s31 =	sshrl.u32 s0, $0x1  }
0x2ee: {  	s21 =	ssub.s32 s0, s31  }
0x2ef: {  	s21 =	smax.u32 s21, $0x1  }
0x2f0: {  	s3 =	sadd.s32 $0xFFFFFFFF, s21  }
0x2f1: {  	p1 =	sne.s32 s3, $0x0  }
.Ltmp0:
0x2f2: {  	_ = 	snop;
	(pc) =	sbr.rel @!p1 .LBB2_3-.Ltmp0, $3  }
0x2f3: {  	_ =	sdelay $0x1  }
0x2f4: {  	s0 =	simm.s32 @!p0 $0x3  }
0x2f5: {  	_ =	swait.ge @!p0 [sflag:s0], $0x100  }
0x2f6: {  	s21 =	simm.s32 $0x0;
	s18 =	simm.s32 $0x800  }
.LBB2_2:
0x2f7: {  	s22 =	rddreg [dreg:$0x11]  }
0x2f8: {  	[sflag:s0] =	ssyncset.done @!p0 $0x0;
	s23 =	rddreg [dreg:$0x4]  }
0x2f9: {  	s19 =	rddreg [dreg:$0x14];
	[sflag:s0] =	ssyncadd.s32 @!p0 $0xFFFFFF00  }
0x2fa: {  	[spmem:s22], [sflag:s19] =	dma.local [hbm:s23], $0x2780  }
0x2fb: {  	_ =	swait.ge [sflag:s4], $0x2780  }
0x2fc: {  	[sflag:s4] =	ssyncset.done $0x0  }
0x2fd: {  	[sflag:s4] =	ssyncadd.s32 $0xFFFFD880  }
0x2fe: {  	[bflag:$0x0] =	sbarrier.arrive $0xFFFF  }
0x2ff: {  	s20 =	rddreg [dreg:$0x5]  }
0x300: {  	[tilespmem:s21], [sflag:$0x3] =	stream.linear.gather [hbm4b:s20+s21], $0x800, $0x38;
	[tilespmem:$0x1CC00] =	vst v63  }
0x301: {  	_ =	swait.ge [sflag:s4], $0x800  }
0x302: {  	[sflag:s4] =	ssyncset.done $0x0  }
0x303: {  	s23 =	rddreg [dreg:$0x6];
	[sflag:s4] =	ssyncadd.s32 $0xFFFFF800  }
0x304: {  	[tilespmem:s18], [sflag:$0x3] =	stream.linear.gather [hbm4b:s23+s21], $0x800, $0x38;
	[tilespmem:$0x1CC00] =	vst v63  }
0x305: {  	_ =	swait.ge [sflag:s4], $0x800  }
0x306: {  	[sflag:s4] =	ssyncset.done $0x0  }
0x307: {  	[sflag:s4] =	ssyncadd.s32 $0xFFFFF800  }
0x308: {  	[tilespmem:s8], [sflag:$0x1] =	stream.indirect.gather [hbm4b:s6+s7], $0x80, s21, s7, $0xb8;
	[tilespmem:$0x1CC00] =	vst v63  }
0x309: {  	_ = 	snop  }
0x30a: {  	[tilespmem:s9], [sflag:$0x2] =	stream.indirect.gather [hbm4b:s6+s7], $0x80, s7, s7, $0xb8;
	[tilespmem:$0x1CC00] =	vst v63  }
0x30b: {  	_ =	swait.ge [sflag:s10], $0x4000  }
0x30c: {  	[sflag:s10] =	ssyncset.done $0x0  }
0x30d: {  	[sflag:s10] =	ssyncadd.s32 $0xFFFFC000  }
0x30e: {  	[spmem:s1] =	stream.indirect.scatter.add.f32 [tilespmem:s8], [sflag:$0x3], $0x80, s18, s7, $0xb8;
	[tilespmem:$0x1CC00] =	vst v63  }
0x30f: {  	_ =	swait.ge [sflag:s4], $0x4000  }
0x310: {  	[sflag:s4] =	ssyncset.done $0x0  }
0x311: {  	s24 =	simm.s32 $0x100;
	[sflag:s4] =	ssyncadd.s32 $0xFFFFC000  }
0x312: {  	[tilespmem:s8], [sflag:$0x1] =	stream.indirect.gather [hbm4b:s6+s7], $0x80, s24, s7, $0xb8;
	[tilespmem:$0x1CC00] =	vst v63  }
0x313: {  	_ =	swait.ge [sflag:s12], $0x4000  }
0x314: {  	[sflag:s12] =	ssyncset.done $0x0  }
0x315: {  	s25 =	simm.s32 $0x880;
	[sflag:s12] =	ssyncadd.s32 $0xFFFFC000  }
0x316: {  	[spmem:s1] =	stream.indirect.scatter.add.f32 [tilespmem:s9], [sflag:$0x3], $0x80, s25, s7, $0xb8;
	[tilespmem:$0x1CC00] =	vst v63  }
0x317: {  	_ =	swait.ge [sflag:s4], $0x4000  }
0x318: {  	[sflag:s4] =	ssyncset.done $0x0  }
0x319: {  	s26 =	simm.s32 $0x180;
	[sflag:s4] =	ssyncadd.s32 $0xFFFFC000  }
0x31a: {  	[tilespmem:s9], [sflag:$0x2] =	stream.indirect.gather [hbm4b:s6+s7], $0x80, s26, s7, $0xb8;
	[tilespmem:$0x1CC00] =	vst v63  }
0x31b: {  	_ =	swait.ge [sflag:s10], $0x4000  }
0x31c: {  	[sflag:s10] =	ssyncset.done $0x0  }
0x31d: {  	s28 =	simm.s32 $0x900;
	[sflag:s10] =	ssyncadd.s32 $0xFFFFC000  }
0x31e: {  	[spmem:s1] =	stream.indirect.scatter.add.f32 [tilespmem:s8], [sflag:$0x3], $0x80, s28, s7, $0xb8;
	[tilespmem:$0x1CC00] =	vst v63  }
0x31f: {  	_ =	swait.ge [sflag:s4], $0x4000  }
0x320: {  	[sflag:s4] =	ssyncset.done $0x0  }
0x321: {  	s29 =	simm.s32 $0x200;
	[sflag:s4] =	ssyncadd.s32 $0xFFFFC000  }
0x322: {  	[tilespmem:s8], [sflag:$0x1] =	stream.indirect.gather [hbm4b:s6+s7], $0x80, s29, s7, $0xb8;
	[tilespmem:$0x1CC00] =	vst v63  }
0x323: {  	_ =	swait.ge [sflag:s12], $0x4000  }
0x324: {  	[sflag:s12] =	ssyncset.done $0x0  }
0x325: {  	s30 =	simm.s32 $0x980;
	[sflag:s12] =	ssyncadd.s32 $0xFFFFC000  }
0x326: {  	[spmem:s1] =	stream.indirect.scatter.add.f32 [tilespmem:s9], [sflag:$0x3], $0x80, s30, s7, $0xb8;
	[tilespmem:$0x1CC00] =	vst v63  }
0x327: {  	_ =	swait.ge [sflag:s4], $0x4000  }
0x328: {  	[sflag:s4] =	ssyncset.done $0x0  }
0x329: {  	s31 =	simm.s32 $0x280;
	[sflag:s4] =	ssyncadd.s32 $0xFFFFC000  }
0x32a: {  	[tilespmem:s9], [sflag:$0x2] =	stream.indirect.gather [hbm4b:s6+s7], $0x80, s31, s7, $0xb8;
	[tilespmem:$0x1CC00] =	vst v63  }
0x32b: {  	_ =	swait.ge [sflag:s10], $0x4000  }
0x32c: {  	[sflag:s10] =	ssyncset.done $0x0  }
0x32d: {  	s5 =	simm.s32 $0xA00;
	[sflag:s10] =	ssyncadd.s32 $0xFFFFC000  }
0x32e: {  	[spmem:s1] =	stream.indirect.scatter.add.f32 [tilespmem:s8], [sflag:$0x3], $0x80, s5, s7, $0xb8;
	[tilespmem:$0x1CC00] =	vst v63  }
0x32f: {  	_ =	swait.ge [sflag:s4], $0x4000  }
0x330: {  	[sflag:s4] =	ssyncset.done $0x0  }
0x331: {  	s11 =	simm.s32 $0x300;
	[sflag:s4] =	ssyncadd.s32 $0xFFFFC000  }
0x332: {  	[tilespmem:s8], [sflag:$0x1] =	stream.indirect.gather [hbm4b:s6+s7], $0x80, s11, s7, $0xb8;
	[tilespmem:$0x1CC00] =	vst v63  }
0x333: {  	_ =	swait.ge [sflag:s12], $0x4000  }
0x334: {  	[sflag:s12] =	ssyncset.done $0x0  }
0x335: {  	s13 =	simm.s32 $0xA80;
	[sflag:s12] =	ssyncadd.s32 $0xFFFFC000  }
0x336: {  	[spmem:s1] =	stream.indirect.scatter.add.f32 [tilespmem:s9], [sflag:$0x3], $0x80, s13, s7, $0xb8;
	[tilespmem:$0x1CC00] =	vst v63  }
0x337: {  	_ =	swait.ge [sflag:s4], $0x4000  }
0x338: {  	[sflag:s4] =	ssyncset.done $0x0  }
0x339: {  	s14 =	simm.s32 $0x380;
	[sflag:s4] =	ssyncadd.s32 $0xFFFFC000  }
0x33a: {  	[tilespmem:s9], [sflag:$0x2] =	stream.indirect.gather [hbm4b:s6+s7], $0x80, s14, s7, $0xb8;
	[tilespmem:$0x1CC00] =	vst v63  }
0x33b: {  	_ =	swait.ge [sflag:s10], $0x4000  }
0x33c: {  	[sflag:s10] =	ssyncset.done $0x0  }
0x33d: {  	s15 =	simm.s32 $0xB00;
	[sflag:s10] =	ssyncadd.s32 $0xFFFFC000  }
0x33e: {  	[spmem:s1] =	stream.indirect.scatter.add.f32 [tilespmem:s8], [sflag:$0x3], $0x80, s15, s7, $0xb8;
	[tilespmem:$0x1CC00] =	vst v63  }
0x33f: {  	_ =	swait.ge [sflag:s4], $0x4000  }
0x340: {  	[sflag:s4] =	ssyncset.done $0x0  }
0x341: {  	s16 =	simm.s32 $0x400;
	[sflag:s4] =	ssyncadd.s32 $0xFFFFC000  }
0x342: {  	[tilespmem:s8], [sflag:$0x1] =	stream.indirect.gather [hbm4b:s6+s7], $0x80, s16, s7, $0xb8;
	[tilespmem:$0x1CC00] =	vst v63  }
0x343: {  	_ =	swait.ge [sflag:s12], $0x4000  }
0x344: {  	[sflag:s12] =	ssyncset.done $0x0  }
0x345: {  	s17 =	simm.s32 $0xB80;
	[sflag:s12] =	ssyncadd.s32 $0xFFFFC000  }
0x346: {  	[spmem:s1] =	stream.indirect.scatter.add.f32 [tilespmem:s9], [sflag:$0x3], $0x80, s17, s7, $0xb8;
	[tilespmem:$0x1CC00] =	vst v63  }
0x347: {  	_ =	swait.ge [sflag:s4], $0x4000  }
0x348: {  	[sflag:s4] =	ssyncset.done $0x0  }
0x349: {  	s19 =	simm.s32 $0x480;
	[sflag:s4] =	ssyncadd.s32 $0xFFFFC000  }
0x34a: {  	[tilespmem:s9], [sflag:$0x2] =	stream.indirect.gather [hbm4b:s6+s7], $0x80, s19, s7, $0xb8;
	[tilespmem:$0x1CC00] =	vst v63  }
0x34b: {  	_ =	swait.ge [sflag:s10], $0x4000  }
0x34c: {  	[sflag:s10] =	ssyncset.done $0x0  }
0x34d: {  	s20 =	simm.s32 $0xC00;
	[sflag:s10] =	ssyncadd.s32 $0xFFFFC000  }
0x34e: {  	[spmem:s1] =	stream.indirect.scatter.add.f32 [tilespmem:s8], [sflag:$0x3], $0x80, s20, s7, $0xb8;
	[tilespmem:$0x1CC00] =	vst v63  }
0x34f: {  	_ =	swait.ge [sflag:s4], $0x4000  }
0x350: {  	[sflag:s4] =	ssyncset.done $0x0  }
0x351: {  	s22 =	simm.s32 $0x500;
	[sflag:s4] =	ssyncadd.s32 $0xFFFFC000  }
0x352: {  	[tilespmem:s8], [sflag:$0x1] =	stream.indirect.gather [hbm4b:s6+s7], $0x80, s22, s7, $0xb8;
	[tilespmem:$0x1CC00] =	vst v63  }
0x353: {  	_ =	swait.ge [sflag:s12], $0x4000  }
0x354: {  	[sflag:s12] =	ssyncset.done $0x0  }
0x355: {  	s24 =	simm.s32 $0xC80;
	[sflag:s12] =	ssyncadd.s32 $0xFFFFC000  }
0x356: {  	[spmem:s1] =	stream.indirect.scatter.add.f32 [tilespmem:s9], [sflag:$0x3], $0x80, s24, s7, $0xb8;
	[tilespmem:$0x1CC00] =	vst v63  }
0x357: {  	_ =	swait.ge [sflag:s4], $0x4000  }
0x358: {  	[sflag:s4] =	ssyncset.done $0x0  }
0x359: {  	s28 =	simm.s32 $0x580;
	[sflag:s4] =	ssyncadd.s32 $0xFFFFC000  }
0x35a: {  	[tilespmem:s9], [sflag:$0x2] =	stream.indirect.gather [hbm4b:s6+s7], $0x80, s28, s7, $0xb8;
	[tilespmem:$0x1CC00] =	vst v63  }
0x35b: {  	_ =	swait.ge [sflag:s10], $0x4000  }
0x35c: {  	[sflag:s10] =	ssyncset.done $0x0  }
0x35d: {  	s29 =	simm.s32 $0xD00;
	[sflag:s10] =	ssyncadd.s32 $0xFFFFC000  }
0x35e: {  	[spmem:s1] =	stream.indirect.scatter.add.f32 [tilespmem:s8], [sflag:$0x3], $0x80, s29, s7, $0xb8;
	[tilespmem:$0x1CC00] =	vst v63  }
0x35f: {  	_ =	swait.ge [sflag:s4], $0x4000  }
0x360: {  	[sflag:s4] =	ssyncset.done $0x0  }
0x361: {  	s30 =	simm.s32 $0x600;
	[sflag:s4] =	ssyncadd.s32 $0xFFFFC000  }
0x362: {  	[tilespmem:s8], [sflag:$0x1] =	stream.indirect.gather [hbm4b:s6+s7], $0x80, s30, s7, $0xb8;
	[tilespmem:$0x1CC00] =	vst v63  }
0x363: {  	_ =	swait.ge [sflag:s12], $0x4000  }
0x364: {  	[sflag:s12] =	ssyncset.done $0x0  }
0x365: {  	s31 =	simm.s32 $0xD80;
	[sflag:s12] =	ssyncadd.s32 $0xFFFFC000  }
0x366: {  	[spmem:s1] =	stream.indirect.scatter.add.f32 [tilespmem:s9], [sflag:$0x3], $0x80, s31, s7, $0xb8;
	[tilespmem:$0x1CC00] =	vst v63  }
0x367: {  	_ =	swait.ge [sflag:s4], $0x4000  }
0x368: {  	[sflag:s4] =	ssyncset.done $0x0  }
0x369: {  	s5 =	simm.s32 $0x680;
	[sflag:s4] =	ssyncadd.s32 $0xFFFFC000  }
0x36a: {  	[tilespmem:s9], [sflag:$0x2] =	stream.indirect.gather [hbm4b:s6+s7], $0x80, s5, s7, $0xb8;
	[tilespmem:$0x1CC00] =	vst v63  }
0x36b: {  	_ =	swait.ge [sflag:s10], $0x4000  }
0x36c: {  	[sflag:s10] =	ssyncset.done $0x0  }
0x36d: {  	s20 =	simm.s32 $0xE00;
	[sflag:s10] =	ssyncadd.s32 $0xFFFFC000  }
0x36e: {  	[spmem:s1] =	stream.indirect.scatter.add.f32 [tilespmem:s8], [sflag:$0x3], $0x80, s20, s7, $0xb8;
	[tilespmem:$0x1CC00] =	vst v63  }
0x36f: {  	_ =	swait.ge [sflag:s4], $0x4000  }
0x370: {  	[sflag:s4] =	ssyncset.done $0x0  }
0x371: {  	s22 =	simm.s32 $0x700;
	[sflag:s4] =	ssyncadd.s32 $0xFFFFC000  }
0x372: {  	[tilespmem:s8], [sflag:$0x1] =	stream.indirect.gather [hbm4b:s6+s7], $0x80, s22, s7, $0xb8;
	[tilespmem:$0x1CC00] =	vst v63  }
0x373: {  	_ =	swait.ge [sflag:s12], $0x4000  }
0x374: {  	[sflag:s12] =	ssyncset.done $0x0  }
0x375: {  	s24 =	simm.s32 $0xE80;
	[sflag:s12] =	ssyncadd.s32 $0xFFFFC000  }
0x376: {  	[spmem:s1] =	stream.indirect.scatter.add.f32 [tilespmem:s9], [sflag:$0x3], $0x80, s24, s7, $0xb8;
	[tilespmem:$0x1CC00] =	vst v63  }
0x377: {  	_ =	swait.ge [sflag:s4], $0x4000  }
0x378: {  	[sflag:s4] =	ssyncset.done $0x0  }
0x379: {  	s0 =	simm.s32 $0x780;
	[sflag:s4] =	ssyncadd.s32 $0xFFFFC000  }
0x37a: {  	[tilespmem:s9], [sflag:$0x2] =	stream.indirect.gather [hbm4b:s6+s7], $0x80, s0, s7, $0xb8;
	[tilespmem:$0x1CC00] =	vst v63  }
0x37b: {  	_ =	swait.ge [sflag:s10], $0x4000  }
0x37c: {  	[sflag:s10] =	ssyncset.done $0x0  }
0x37d: {  	s28 =	simm.s32 $0xF00;
	[sflag:s10] =	ssyncadd.s32 $0xFFFFC000  }
0x37e: {  	[spmem:s1] =	stream.indirect.scatter.add.f32 [tilespmem:s8], [sflag:$0x3], $0x80, s28, s7, $0xb8;
	[tilespmem:$0x1CC00] =	vst v63  }
0x37f: {  	_ =	swait.ge [sflag:s4], $0x4000  }
0x380: {  	[sflag:s4] =	ssyncset.done $0x0  }
0x381: {  	[sflag:s4] =	ssyncadd.s32 $0xFFFFC000  }
0x382: {  	[tilespmem:s8], [sflag:$0x1] =	stream.indirect.gather [hbm4b:s6+s7], $0x80, s0, s7, $0xb8;
	[tilespmem:$0x1CC00] =	vst v63  }
0x383: {  	_ =	swait.ge [sflag:s12], $0x4000  }
0x384: {  	[sflag:s12] =	ssyncset.done $0x0  }
0x385: {  	s29 =	simm.s32 $0xF80;
	[sflag:s12] =	ssyncadd.s32 $0xFFFFC000  }
0x386: {  	[spmem:s1] =	stream.indirect.scatter.add.f32 [tilespmem:s9], [sflag:$0x3], $0x80, s29, s7, $0xb8;
	[tilespmem:$0x1CC00] =	vst v63  }
0x387: {  	_ =	swait.ge [sflag:s4], $0x4000  }
0x388: {  	[sflag:s4] =	ssyncset.done $0x0  }
0x389: {  	[sflag:s4] =	ssyncadd.s32 $0xFFFFC000  }
0x38a: {  	_ =	swait.ge [sflag:s10], $0x4000  }
0x38b: {  	[sflag:s10] =	ssyncset.done $0x0  }
0x38c: {  	s30 =	rddreg [dreg:$0x7];
	[sflag:s10] =	ssyncadd.s32 $0xFFFFC000  }
0x38d: {  	[tilespmem:s21], [sflag:$0x3] =	stream.linear.gather [hbm4b:s30+s21], $0x800, $0x38;
	[tilespmem:$0x1CC00] =	vst v63  }
0x38e: {  	_ =	swait.ge [sflag:s4], $0x800  }
0x38f: {  	[sflag:s4] =	ssyncset.done $0x0  }
0x390: {  	s31 =	rddreg [dreg:$0x8];
	[sflag:s4] =	ssyncadd.s32 $0xFFFFF800  }
0x391: {  	[tilespmem:s18], [sflag:$0x3] =	stream.linear.gather [hbm4b:s31+s21], $0x800, $0x38;
	[tilespmem:$0x1CC00] =	vst v63  }
0x392: {  	_ =	swait.ge [sflag:s4], $0x800  }
0x393: {  	[sflag:s4] =	ssyncset.done $0x0  }
0x394: {  	[sflag:s4] =	ssyncadd.s32 $0xFFFFF800  }
0x395: {  	[tilespmem:s8], [sflag:$0x1] =	stream.indirect.gather [hbm4b:s6+s7], $0x80, s21, s7, $0xb8;
	[tilespmem:$0x1CC00] =	vst v63  }
0x396: {  	_ = 	snop  }
0x397: {  	[tilespmem:s9], [sflag:$0x2] =	stream.indirect.gather [hbm4b:s6+s7], $0x80, s7, s7, $0xb8;
	[tilespmem:$0x1CC00] =	vst v63  }
0x398: {  	_ =	swait.ge [sflag:s10], $0x4000  }
0x399: {  	[sflag:s10] =	ssyncset.done $0x0  }
0x39a: {  	[sflag:s10] =	ssyncadd.s32 $0xFFFFC000  }
0x39b: {  	[spmem:s1] =	stream.indirect.scatter.add.f32 [tilespmem:s8], [sflag:$0x3], $0x80, s18, s7, $0xb8;
	[tilespmem:$0x1CC00] =	vst v63  }
0x39c: {  	_ =	swait.ge [sflag:s4], $0x4000  }
0x39d: {  	[sflag:s4] =	ssyncset.done $0x0  }
0x39e: {  	s23 =	simm.s32 $0x100;
	[sflag:s4] =	ssyncadd.s32 $0xFFFFC000  }
0x39f: {  	[tilespmem:s8], [sflag:$0x1] =	stream.indirect.gather [hbm4b:s6+s7], $0x80, s23, s7, $0xb8;
	[tilespmem:$0x1CC00] =	vst v63  }
0x3a0: {  	_ =	swait.ge [sflag:s12], $0x4000  }
0x3a1: {  	[sflag:s12] =	ssyncset.done $0x0  }
0x3a2: {  	s2 =	simm.s32 $0x880;
	[sflag:s12] =	ssyncadd.s32 $0xFFFFC000  }
0x3a3: {  	[spmem:s1] =	stream.indirect.scatter.add.f32 [tilespmem:s9], [sflag:$0x3], $0x80, s2, s7, $0xb8;
	[tilespmem:$0x1CC00] =	vst v63  }
0x3a4: {  	_ =	swait.ge [sflag:s4], $0x4000  }
0x3a5: {  	[sflag:s4] =	ssyncset.done $0x0  }
0x3a6: {  	s25 =	simm.s32 $0x180;
	[sflag:s4] =	ssyncadd.s32 $0xFFFFC000  }
0x3a7: {  	[tilespmem:s9], [sflag:$0x2] =	stream.indirect.gather [hbm4b:s6+s7], $0x80, s25, s7, $0xb8;
	[tilespmem:$0x1CC00] =	vst v63  }
0x3a8: {  	_ =	swait.ge [sflag:s10], $0x4000  }
0x3a9: {  	[sflag:s10] =	ssyncset.done $0x0  }
0x3aa: {  	s26 =	simm.s32 $0x900;
	[sflag:s10] =	ssyncadd.s32 $0xFFFFC000  }
0x3ab: {  	[spmem:s1] =	stream.indirect.scatter.add.f32 [tilespmem:s8], [sflag:$0x3], $0x80, s26, s7, $0xb8;
	[tilespmem:$0x1CC00] =	vst v63  }
0x3ac: {  	_ =	swait.ge [sflag:s4], $0x4000  }
0x3ad: {  	[sflag:s4] =	ssyncset.done $0x0  }
0x3ae: {  	s28 =	simm.s32 $0x200;
	[sflag:s4] =	ssyncadd.s32 $0xFFFFC000  }
0x3af: {  	[tilespmem:s8], [sflag:$0x1] =	stream.indirect.gather [hbm4b:s6+s7], $0x80, s28, s7, $0xb8;
	[tilespmem:$0x1CC00] =	vst v63  }
0x3b0: {  	_ =	swait.ge [sflag:s12], $0x4000  }
0x3b1: {  	[sflag:s12] =	ssyncset.done $0x0  }
0x3b2: {  	s29 =	simm.s32 $0x980;
	[sflag:s12] =	ssyncadd.s32 $0xFFFFC000  }
0x3b3: {  	[spmem:s1] =	stream.indirect.scatter.add.f32 [tilespmem:s9], [sflag:$0x3], $0x80, s29, s7, $0xb8;
	[tilespmem:$0x1CC00] =	vst v63  }
0x3b4: {  	_ =	swait.ge [sflag:s4], $0x4000  }
0x3b5: {  	[sflag:s4] =	ssyncset.done $0x0  }
0x3b6: {  	s30 =	simm.s32 $0x280;
	[sflag:s4] =	ssyncadd.s32 $0xFFFFC000  }
0x3b7: {  	[tilespmem:s9], [sflag:$0x2] =	stream.indirect.gather [hbm4b:s6+s7], $0x80, s30, s7, $0xb8;
	[tilespmem:$0x1CC00] =	vst v63  }
0x3b8: {  	_ =	swait.ge [sflag:s10], $0x4000  }
0x3b9: {  	[sflag:s10] =	ssyncset.done $0x0  }
0x3ba: {  	s31 =	simm.s32 $0xA00;
	[sflag:s10] =	ssyncadd.s32 $0xFFFFC000  }
0x3bb: {  	[spmem:s1] =	stream.indirect.scatter.add.f32 [tilespmem:s8], [sflag:$0x3], $0x80, s31, s7, $0xb8;
	[tilespmem:$0x1CC00] =	vst v63  }
0x3bc: {  	_ =	swait.ge [sflag:s4], $0x4000  }
0x3bd: {  	[sflag:s4] =	ssyncset.done $0x0  }
0x3be: {  	s2 =	simm.s32 $0x300;
	[sflag:s4] =	ssyncadd.s32 $0xFFFFC000  }
0x3bf: {  	[tilespmem:s8], [sflag:$0x1] =	stream.indirect.gather [hbm4b:s6+s7], $0x80, s2, s7, $0xb8;
	[tilespmem:$0x1CC00] =	vst v63  }
0x3c0: {  	_ =	swait.ge [sflag:s12], $0x4000  }
0x3c1: {  	[sflag:s12] =	ssyncset.done $0x0  }
0x3c2: {  	s11 =	simm.s32 $0xA80;
	[sflag:s12] =	ssyncadd.s32 $0xFFFFC000  }
0x3c3: {  	[spmem:s1] =	stream.indirect.scatter.add.f32 [tilespmem:s9], [sflag:$0x3], $0x80, s11, s7, $0xb8;
	[tilespmem:$0x1CC00] =	vst v63  }
0x3c4: {  	_ =	swait.ge [sflag:s4], $0x4000  }
0x3c5: {  	[sflag:s4] =	ssyncset.done $0x0  }
0x3c6: {  	s13 =	simm.s32 $0x380;
	[sflag:s4] =	ssyncadd.s32 $0xFFFFC000  }
0x3c7: {  	[tilespmem:s9], [sflag:$0x2] =	stream.indirect.gather [hbm4b:s6+s7], $0x80, s13, s7, $0xb8;
	[tilespmem:$0x1CC00] =	vst v63  }
0x3c8: {  	_ =	swait.ge [sflag:s10], $0x4000  }
0x3c9: {  	[sflag:s10] =	ssyncset.done $0x0  }
0x3ca: {  	s14 =	simm.s32 $0xB00;
	[sflag:s10] =	ssyncadd.s32 $0xFFFFC000  }
0x3cb: {  	[spmem:s1] =	stream.indirect.scatter.add.f32 [tilespmem:s8], [sflag:$0x3], $0x80, s14, s7, $0xb8;
	[tilespmem:$0x1CC00] =	vst v63  }
0x3cc: {  	_ =	swait.ge [sflag:s4], $0x4000  }
0x3cd: {  	[sflag:s4] =	ssyncset.done $0x0  }
0x3ce: {  	s15 =	simm.s32 $0x400;
	[sflag:s4] =	ssyncadd.s32 $0xFFFFC000  }
0x3cf: {  	[tilespmem:s8], [sflag:$0x1] =	stream.indirect.gather [hbm4b:s6+s7], $0x80, s15, s7, $0xb8;
	[tilespmem:$0x1CC00] =	vst v63  }
0x3d0: {  	_ =	swait.ge [sflag:s12], $0x4000  }
0x3d1: {  	[sflag:s12] =	ssyncset.done $0x0  }
0x3d2: {  	s16 =	simm.s32 $0xB80;
	[sflag:s12] =	ssyncadd.s32 $0xFFFFC000  }
0x3d3: {  	[spmem:s1] =	stream.indirect.scatter.add.f32 [tilespmem:s9], [sflag:$0x3], $0x80, s16, s7, $0xb8;
	[tilespmem:$0x1CC00] =	vst v63  }
0x3d4: {  	_ =	swait.ge [sflag:s4], $0x4000  }
0x3d5: {  	[sflag:s4] =	ssyncset.done $0x0  }
0x3d6: {  	s17 =	simm.s32 $0x480;
	[sflag:s4] =	ssyncadd.s32 $0xFFFFC000  }
0x3d7: {  	[tilespmem:s9], [sflag:$0x2] =	stream.indirect.gather [hbm4b:s6+s7], $0x80, s17, s7, $0xb8;
	[tilespmem:$0x1CC00] =	vst v63  }
0x3d8: {  	_ =	swait.ge [sflag:s10], $0x4000  }
0x3d9: {  	[sflag:s10] =	ssyncset.done $0x0  }
0x3da: {  	s19 =	simm.s32 $0xC00;
	[sflag:s10] =	ssyncadd.s32 $0xFFFFC000  }
0x3db: {  	[spmem:s1] =	stream.indirect.scatter.add.f32 [tilespmem:s8], [sflag:$0x3], $0x80, s19, s7, $0xb8;
	[tilespmem:$0x1CC00] =	vst v63  }
0x3dc: {  	_ =	swait.ge [sflag:s4], $0x4000  }
0x3dd: {  	[sflag:s4] =	ssyncset.done $0x0  }
0x3de: {  	s25 =	simm.s32 $0x500;
	[sflag:s4] =	ssyncadd.s32 $0xFFFFC000  }
0x3df: {  	[tilespmem:s8], [sflag:$0x1] =	stream.indirect.gather [hbm4b:s6+s7], $0x80, s25, s7, $0xb8;
	[tilespmem:$0x1CC00] =	vst v63  }
0x3e0: {  	_ =	swait.ge [sflag:s12], $0x4000  }
0x3e1: {  	[sflag:s12] =	ssyncset.done $0x0  }
0x3e2: {  	s26 =	simm.s32 $0xC80;
	[sflag:s12] =	ssyncadd.s32 $0xFFFFC000  }
0x3e3: {  	[spmem:s1] =	stream.indirect.scatter.add.f32 [tilespmem:s9], [sflag:$0x3], $0x80, s26, s7, $0xb8;
	[tilespmem:$0x1CC00] =	vst v63  }
0x3e4: {  	_ =	swait.ge [sflag:s4], $0x4000  }
0x3e5: {  	[sflag:s4] =	ssyncset.done $0x0  }
0x3e6: {  	s11 =	simm.s32 $0x580;
	[sflag:s4] =	ssyncadd.s32 $0xFFFFC000  }
0x3e7: {  	[tilespmem:s9], [sflag:$0x2] =	stream.indirect.gather [hbm4b:s6+s7], $0x80, s11, s7, $0xb8;
	[tilespmem:$0x1CC00] =	vst v63  }
0x3e8: {  	_ =	swait.ge [sflag:s10], $0x4000  }
0x3e9: {  	[sflag:s10] =	ssyncset.done $0x0  }
0x3ea: {  	s13 =	simm.s32 $0xD00;
	[sflag:s10] =	ssyncadd.s32 $0xFFFFC000  }
0x3eb: {  	[spmem:s1] =	stream.indirect.scatter.add.f32 [tilespmem:s8], [sflag:$0x3], $0x80, s13, s7, $0xb8;
	[tilespmem:$0x1CC00] =	vst v63  }
0x3ec: {  	_ =	swait.ge [sflag:s4], $0x4000  }
0x3ed: {  	[sflag:s4] =	ssyncset.done $0x0  }
0x3ee: {  	s14 =	simm.s32 $0x600;
	[sflag:s4] =	ssyncadd.s32 $0xFFFFC000  }
0x3ef: {  	[tilespmem:s8], [sflag:$0x1] =	stream.indirect.gather [hbm4b:s6+s7], $0x80, s14, s7, $0xb8;
	[tilespmem:$0x1CC00] =	vst v63  }
0x3f0: {  	_ =	swait.ge [sflag:s12], $0x4000  }
0x3f1: {  	[sflag:s12] =	ssyncset.done $0x0  }
0x3f2: {  	s15 =	simm.s32 $0xD80;
	[sflag:s12] =	ssyncadd.s32 $0xFFFFC000  }
0x3f3: {  	[spmem:s1] =	stream.indirect.scatter.add.f32 [tilespmem:s9], [sflag:$0x3], $0x80, s15, s7, $0xb8;
	[tilespmem:$0x1CC00] =	vst v63  }
0x3f4: {  	_ =	swait.ge [sflag:s4], $0x4000  }
0x3f5: {  	[sflag:s4] =	ssyncset.done $0x0  }
0x3f6: {  	s16 =	simm.s32 $0x680;
	[sflag:s4] =	ssyncadd.s32 $0xFFFFC000  }
0x3f7: {  	[tilespmem:s9], [sflag:$0x2] =	stream.indirect.gather [hbm4b:s6+s7], $0x80, s16, s7, $0xb8;
	[tilespmem:$0x1CC00] =	vst v63  }
0x3f8: {  	_ =	swait.ge [sflag:s10], $0x4000  }
0x3f9: {  	[sflag:s10] =	ssyncset.done $0x0  }
0x3fa: {  	s17 =	simm.s32 $0xE00;
	[sflag:s10] =	ssyncadd.s32 $0xFFFFC000  }
0x3fb: {  	[spmem:s1] =	stream.indirect.scatter.add.f32 [tilespmem:s8], [sflag:$0x3], $0x80, s17, s7, $0xb8;
	[tilespmem:$0x1CC00] =	vst v63  }
0x3fc: {  	_ =	swait.ge [sflag:s4], $0x4000  }
0x3fd: {  	[sflag:s4] =	ssyncset.done $0x0  }
0x3fe: {  	s19 =	simm.s32 $0x700;
	[sflag:s4] =	ssyncadd.s32 $0xFFFFC000  }
0x3ff: {  	[tilespmem:s8], [sflag:$0x1] =	stream.indirect.gather [hbm4b:s6+s7], $0x80, s19, s7, $0xb8;
	[tilespmem:$0x1CC00] =	vst v63  }
0x400: {  	_ =	swait.ge [sflag:s12], $0x4000  }
0x401: {  	[sflag:s12] =	ssyncset.done $0x0  }
0x402: {  	s22 =	simm.s32 $0xE80;
	[sflag:s12] =	ssyncadd.s32 $0xFFFFC000  }
0x403: {  	[spmem:s1] =	stream.indirect.scatter.add.f32 [tilespmem:s9], [sflag:$0x3], $0x80, s22, s7, $0xb8;
	[tilespmem:$0x1CC00] =	vst v63  }
0x404: {  	_ =	swait.ge [sflag:s4], $0x4000  }
0x405: {  	[sflag:s4] =	ssyncset.done $0x0  }
0x406: {  	[sflag:s4] =	ssyncadd.s32 $0xFFFFC000  }
0x407: {  	[tilespmem:s9], [sflag:$0x2] =	stream.indirect.gather [hbm4b:s6+s7], $0x80, s0, s7, $0xb8;
	[tilespmem:$0x1CC00] =	vst v63  }
0x408: {  	_ =	swait.ge [sflag:s10], $0x4000  }
0x409: {  	[sflag:s10] =	ssyncset.done $0x0  }
0x40a: {  	s5 =	simm.s32 $0xF00;
	[sflag:s10] =	ssyncadd.s32 $0xFFFFC000  }
0x40b: {  	[spmem:s1] =	stream.indirect.scatter.add.f32 [tilespmem:s8], [sflag:$0x3], $0x80, s5, s7, $0xb8;
	[tilespmem:$0x1CC00] =	vst v63  }
0x40c: {  	_ =	swait.ge [sflag:s4], $0x4000  }
0x40d: {  	[sflag:s4] =	ssyncset.done $0x0  }
0x40e: {  	[sflag:s4] =	ssyncadd.s32 $0xFFFFC000  }
0x40f: {  	[tilespmem:s8], [sflag:$0x1] =	stream.indirect.gather [hbm4b:s6+s7], $0x80, s0, s7, $0xb8;
	[tilespmem:$0x1CC00] =	vst v63  }
0x410: {  	_ =	swait.ge [sflag:s12], $0x4000  }
0x411: {  	[sflag:s12] =	ssyncset.done $0x0  }
0x412: {  	s20 =	simm.s32 $0xF80;
	[sflag:s12] =	ssyncadd.s32 $0xFFFFC000  }
0x413: {  	[spmem:s1] =	stream.indirect.scatter.add.f32 [tilespmem:s9], [sflag:$0x3], $0x80, s20, s7, $0xb8;
	[tilespmem:$0x1CC00] =	vst v63  }
0x414: {  	_ =	swait.ge [sflag:s4], $0x4000  }
0x415: {  	[sflag:s4] =	ssyncset.done $0x0  }
0x416: {  	[sflag:s4] =	ssyncadd.s32 $0xFFFFC000  }
0x417: {  	_ =	swait.ge [sflag:s10], $0x4000  }
0x418: {  	[sflag:s10] =	ssyncset.done $0x0  }
0x419: {  	s22 =	rddreg [dreg:$0x9];
	[sflag:s10] =	ssyncadd.s32 $0xFFFFC000  }
0x41a: {  	[tilespmem:s21], [sflag:$0x3] =	stream.linear.gather [hbm4b:s22+s21], $0x800, $0x38;
	[tilespmem:$0x1CC00] =	vst v63  }
0x41b: {  	_ =	swait.ge [sflag:s4], $0x800  }
0x41c: {  	[sflag:s4] =	ssyncset.done $0x0  }
0x41d: {  	s22 =	rddreg [dreg:$0xa];
	[sflag:s4] =	ssyncadd.s32 $0xFFFFF800  }
0x41e: {  	[tilespmem:s18], [sflag:$0x3] =	stream.linear.gather [hbm4b:s22+s21], $0x800, $0x38;
	[tilespmem:$0x1CC00] =	vst v63  }
0x41f: {  	_ =	swait.ge [sflag:s4], $0x800  }
0x420: {  	[sflag:s4] =	ssyncset.done $0x0  }
0x421: {  	[sflag:s4] =	ssyncadd.s32 $0xFFFFF800  }
0x422: {  	[tilespmem:s8], [sflag:$0x1] =	stream.indirect.gather [hbm4b:s6+s7], $0x80, s21, s7, $0xb8;
	[tilespmem:$0x1CC00] =	vst v63  }
0x423: {  	_ = 	snop  }
0x424: {  	[tilespmem:s9], [sflag:$0x2] =	stream.indirect.gather [hbm4b:s6+s7], $0x80, s7, s7, $0xb8;
	[tilespmem:$0x1CC00] =	vst v63  }
0x425: {  	_ =	swait.ge [sflag:s10], $0x4000  }
0x426: {  	[sflag:s10] =	ssyncset.done $0x0  }
0x427: {  	[sflag:s10] =	ssyncadd.s32 $0xFFFFC000  }
0x428: {  	[spmem:s1] =	stream.indirect.scatter.add.f32 [tilespmem:s8], [sflag:$0x3], $0x80, s18, s7, $0xb8;
	[tilespmem:$0x1CC00] =	vst v63  }
0x429: {  	_ =	swait.ge [sflag:s4], $0x4000  }
0x42a: {  	[sflag:s4] =	ssyncset.done $0x0  }
0x42b: {  	s22 =	simm.s32 $0x100;
	[sflag:s4] =	ssyncadd.s32 $0xFFFFC000  }
0x42c: {  	[tilespmem:s8], [sflag:$0x1] =	stream.indirect.gather [hbm4b:s6+s7], $0x80, s22, s7, $0xb8;
	[tilespmem:$0x1CC00] =	vst v63  }
0x42d: {  	_ =	swait.ge [sflag:s12], $0x4000  }
0x42e: {  	[sflag:s12] =	ssyncset.done $0x0  }
0x42f: {  	s22 =	simm.s32 $0x880;
	[sflag:s12] =	ssyncadd.s32 $0xFFFFC000  }
0x430: {  	[spmem:s1] =	stream.indirect.scatter.add.f32 [tilespmem:s9], [sflag:$0x3], $0x80, s22, s7, $0xb8;
	[tilespmem:$0x1CC00] =	vst v63  }
0x431: {  	_ =	swait.ge [sflag:s4], $0x4000  }
0x432: {  	[sflag:s4] =	ssyncset.done $0x0  }
0x433: {  	s22 =	simm.s32 $0x180;
	[sflag:s4] =	ssyncadd.s32 $0xFFFFC000  }
0x434: {  	[tilespmem:s9], [sflag:$0x2] =	stream.indirect.gather [hbm4b:s6+s7], $0x80, s22, s7, $0xb8;
	[tilespmem:$0x1CC00] =	vst v63  }
0x435: {  	_ =	swait.ge [sflag:s10], $0x4000  }
0x436: {  	[sflag:s10] =	ssyncset.done $0x0  }
0x437: {  	s22 =	simm.s32 $0x900;
	[sflag:s10] =	ssyncadd.s32 $0xFFFFC000  }
0x438: {  	[spmem:s1] =	stream.indirect.scatter.add.f32 [tilespmem:s8], [sflag:$0x3], $0x80, s22, s7, $0xb8;
	[tilespmem:$0x1CC00] =	vst v63  }
0x439: {  	_ =	swait.ge [sflag:s4], $0x4000  }
0x43a: {  	[sflag:s4] =	ssyncset.done $0x0  }
0x43b: {  	[sflag:s4] =	ssyncadd.s32 $0xFFFFC000  }
0x43c: {  	[tilespmem:s8], [sflag:$0x1] =	stream.indirect.gather [hbm4b:s6+s7], $0x80, s28, s7, $0xb8;
	[tilespmem:$0x1CC00] =	vst v63  }
0x43d: {  	_ =	swait.ge [sflag:s12], $0x4000  }
0x43e: {  	[sflag:s12] =	ssyncset.done $0x0  }
0x43f: {  	[sflag:s12] =	ssyncadd.s32 $0xFFFFC000  }
0x440: {  	[spmem:s1] =	stream.indirect.scatter.add.f32 [tilespmem:s9], [sflag:$0x3], $0x80, s29, s7, $0xb8;
	[tilespmem:$0x1CC00] =	vst v63  }
0x441: {  	_ =	swait.ge [sflag:s4], $0x4000  }
0x442: {  	[sflag:s4] =	ssyncset.done $0x0  }
0x443: {  	[sflag:s4] =	ssyncadd.s32 $0xFFFFC000  }
0x444: {  	[tilespmem:s9], [sflag:$0x2] =	stream.indirect.gather [hbm4b:s6+s7], $0x80, s30, s7, $0xb8;
	[tilespmem:$0x1CC00] =	vst v63  }
0x445: {  	_ =	swait.ge [sflag:s10], $0x4000  }
0x446: {  	[sflag:s10] =	ssyncset.done $0x0  }
0x447: {  	[sflag:s10] =	ssyncadd.s32 $0xFFFFC000  }
0x448: {  	[spmem:s1] =	stream.indirect.scatter.add.f32 [tilespmem:s8], [sflag:$0x3], $0x80, s31, s7, $0xb8;
	[tilespmem:$0x1CC00] =	vst v63  }
0x449: {  	_ =	swait.ge [sflag:s4], $0x4000  }
0x44a: {  	[sflag:s4] =	ssyncset.done $0x0  }
0x44b: {  	[sflag:s4] =	ssyncadd.s32 $0xFFFFC000  }
0x44c: {  	[tilespmem:s8], [sflag:$0x1] =	stream.indirect.gather [hbm4b:s6+s7], $0x80, s2, s7, $0xb8;
	[tilespmem:$0x1CC00] =	vst v63  }
0x44d: {  	_ =	swait.ge [sflag:s12], $0x4000  }
0x44e: {  	[sflag:s12] =	ssyncset.done $0x0  }
0x44f: {  	s23 =	simm.s32 $0xA80;
	[sflag:s12] =	ssyncadd.s32 $0xFFFFC000  }
0x450: {  	[spmem:s1] =	stream.indirect.scatter.add.f32 [tilespmem:s9], [sflag:$0x3], $0x80, s23, s7, $0xb8;
	[tilespmem:$0x1CC00] =	vst v63  }
0x451: {  	_ =	swait.ge [sflag:s4], $0x4000  }
0x452: {  	[sflag:s4] =	ssyncset.done $0x0  }
0x453: {  	s24 =	simm.s32 $0x380;
	[sflag:s4] =	ssyncadd.s32 $0xFFFFC000  }
0x454: {  	[tilespmem:s9], [sflag:$0x2] =	stream.indirect.gather [hbm4b:s6+s7], $0x80, s24, s7, $0xb8;
	[tilespmem:$0x1CC00] =	vst v63  }
0x455: {  	_ =	swait.ge [sflag:s10], $0x4000  }
0x456: {  	[sflag:s10] =	ssyncset.done $0x0  }
0x457: {  	s24 =	simm.s32 $0xB00;
	[sflag:s10] =	ssyncadd.s32 $0xFFFFC000  }
0x458: {  	[spmem:s1] =	stream.indirect.scatter.add.f32 [tilespmem:s8], [sflag:$0x3], $0x80, s24, s7, $0xb8;
	[tilespmem:$0x1CC00] =	vst v63  }
0x459: {  	_ =	swait.ge [sflag:s4], $0x4000  }
0x45a: {  	[sflag:s4] =	ssyncset.done $0x0  }
0x45b: {  	s23 =	simm.s32 $0x400;
	[sflag:s4] =	ssyncadd.s32 $0xFFFFC000  }
0x45c: {  	[tilespmem:s8], [sflag:$0x1] =	stream.indirect.gather [hbm4b:s6+s7], $0x80, s23, s7, $0xb8;
	[tilespmem:$0x1CC00] =	vst v63  }
0x45d: {  	_ =	swait.ge [sflag:s12], $0x4000  }
0x45e: {  	[sflag:s12] =	ssyncset.done $0x0  }
0x45f: {  	s24 =	simm.s32 $0xB80;
	[sflag:s12] =	ssyncadd.s32 $0xFFFFC000  }
0x460: {  	[spmem:s1] =	stream.indirect.scatter.add.f32 [tilespmem:s9], [sflag:$0x3], $0x80, s24, s7, $0xb8;
	[tilespmem:$0x1CC00] =	vst v63  }
0x461: {  	_ =	swait.ge [sflag:s4], $0x4000  }
0x462: {  	[sflag:s4] =	ssyncset.done $0x0  }
0x463: {  	s23 =	simm.s32 $0x480;
	[sflag:s4] =	ssyncadd.s32 $0xFFFFC000  }
0x464: {  	[tilespmem:s9], [sflag:$0x2] =	stream.indirect.gather [hbm4b:s6+s7], $0x80, s23, s7, $0xb8;
	[tilespmem:$0x1CC00] =	vst v63  }
0x465: {  	_ =	swait.ge [sflag:s10], $0x4000  }
0x466: {  	[sflag:s10] =	ssyncset.done $0x0  }
0x467: {  	s24 =	simm.s32 $0xC00;
	[sflag:s10] =	ssyncadd.s32 $0xFFFFC000  }
0x468: {  	[spmem:s1] =	stream.indirect.scatter.add.f32 [tilespmem:s8], [sflag:$0x3], $0x80, s24, s7, $0xb8;
	[tilespmem:$0x1CC00] =	vst v63  }
0x469: {  	_ =	swait.ge [sflag:s4], $0x4000  }
0x46a: {  	[sflag:s4] =	ssyncset.done $0x0  }
0x46b: {  	[sflag:s4] =	ssyncadd.s32 $0xFFFFC000  }
0x46c: {  	[tilespmem:s8], [sflag:$0x1] =	stream.indirect.gather [hbm4b:s6+s7], $0x80, s25, s7, $0xb8;
	[tilespmem:$0x1CC00] =	vst v63  }
0x46d: {  	_ =	swait.ge [sflag:s12], $0x4000  }
0x46e: {  	[sflag:s12] =	ssyncset.done $0x0  }
0x46f: {  	[sflag:s12] =	ssyncadd.s32 $0xFFFFC000  }
0x470: {  	[spmem:s1] =	stream.indirect.scatter.add.f32 [tilespmem:s9], [sflag:$0x3], $0x80, s26, s7, $0xb8;
	[tilespmem:$0x1CC00] =	vst v63  }
0x471: {  	_ =	swait.ge [sflag:s4], $0x4000  }
0x472: {  	[sflag:s4] =	ssyncset.done $0x0  }
0x473: {  	[sflag:s4] =	ssyncadd.s32 $0xFFFFC000  }
0x474: {  	[tilespmem:s9], [sflag:$0x2] =	stream.indirect.gather [hbm4b:s6+s7], $0x80, s11, s7, $0xb8;
	[tilespmem:$0x1CC00] =	vst v63  }
0x475: {  	_ =	swait.ge [sflag:s10], $0x4000  }
0x476: {  	[sflag:s10] =	ssyncset.done $0x0  }
0x477: {  	[sflag:s10] =	ssyncadd.s32 $0xFFFFC000  }
0x478: {  	[spmem:s1] =	stream.indirect.scatter.add.f32 [tilespmem:s8], [sflag:$0x3], $0x80, s13, s7, $0xb8;
	[tilespmem:$0x1CC00] =	vst v63  }
0x479: {  	_ =	swait.ge [sflag:s4], $0x4000  }
0x47a: {  	[sflag:s4] =	ssyncset.done $0x0  }
0x47b: {  	[sflag:s4] =	ssyncadd.s32 $0xFFFFC000  }
0x47c: {  	[tilespmem:s8], [sflag:$0x1] =	stream.indirect.gather [hbm4b:s6+s7], $0x80, s14, s7, $0xb8;
	[tilespmem:$0x1CC00] =	vst v63  }
0x47d: {  	_ =	swait.ge [sflag:s12], $0x4000  }
0x47e: {  	[sflag:s12] =	ssyncset.done $0x0  }
0x47f: {  	[sflag:s12] =	ssyncadd.s32 $0xFFFFC000  }
0x480: {  	[spmem:s1] =	stream.indirect.scatter.add.f32 [tilespmem:s9], [sflag:$0x3], $0x80, s15, s7, $0xb8;
	[tilespmem:$0x1CC00] =	vst v63  }
0x481: {  	_ =	swait.ge [sflag:s4], $0x4000  }
0x482: {  	[sflag:s4] =	ssyncset.done $0x0  }
0x483: {  	[sflag:s4] =	ssyncadd.s32 $0xFFFFC000  }
0x484: {  	[tilespmem:s9], [sflag:$0x2] =	stream.indirect.gather [hbm4b:s6+s7], $0x80, s16, s7, $0xb8;
	[tilespmem:$0x1CC00] =	vst v63  }
0x485: {  	_ =	swait.ge [sflag:s10], $0x4000  }
0x486: {  	[sflag:s10] =	ssyncset.done $0x0  }
0x487: {  	[sflag:s10] =	ssyncadd.s32 $0xFFFFC000  }
0x488: {  	[spmem:s1] =	stream.indirect.scatter.add.f32 [tilespmem:s8], [sflag:$0x3], $0x80, s17, s7, $0xb8;
	[tilespmem:$0x1CC00] =	vst v63  }
0x489: {  	_ =	swait.ge [sflag:s4], $0x4000  }
0x48a: {  	[sflag:s4] =	ssyncset.done $0x0  }
0x48b: {  	[sflag:s4] =	ssyncadd.s32 $0xFFFFC000  }
0x48c: {  	[tilespmem:s8], [sflag:$0x1] =	stream.indirect.gather [hbm4b:s6+s7], $0x80, s19, s7, $0xb8;
	[tilespmem:$0x1CC00] =	vst v63  }
0x48d: {  	_ =	swait.ge [sflag:s12], $0x4000  }
0x48e: {  	[sflag:s12] =	ssyncset.done $0x0  }
0x48f: {  	s25 =	simm.s32 $0xE80;
	[sflag:s12] =	ssyncadd.s32 $0xFFFFC000  }
0x490: {  	[spmem:s1] =	stream.indirect.scatter.add.f32 [tilespmem:s9], [sflag:$0x3], $0x80, s25, s7, $0xb8;
	[tilespmem:$0x1CC00] =	vst v63  }
0x491: {  	_ =	swait.ge [sflag:s4], $0x4000  }
0x492: {  	[sflag:s4] =	ssyncset.done $0x0  }
0x493: {  	[sflag:s4] =	ssyncadd.s32 $0xFFFFC000  }
0x494: {  	[tilespmem:s9], [sflag:$0x2] =	stream.indirect.gather [hbm4b:s6+s7], $0x80, s0, s7, $0xb8;
	[tilespmem:$0x1CC00] =	vst v63  }
0x495: {  	_ =	swait.ge [sflag:s10], $0x4000  }
0x496: {  	[sflag:s10] =	ssyncset.done $0x0  }
0x497: {  	s5 =	simm.s32 $0xF00;
	[sflag:s10] =	ssyncadd.s32 $0xFFFFC000  }
0x498: {  	[spmem:s1] =	stream.indirect.scatter.add.f32 [tilespmem:s8], [sflag:$0x3], $0x80, s5, s7, $0xb8;
	[tilespmem:$0x1CC00] =	vst v63  }
0x499: {  	_ =	swait.ge [sflag:s4], $0x4000  }
0x49a: {  	[sflag:s4] =	ssyncset.done $0x0  }
0x49b: {  	[sflag:s4] =	ssyncadd.s32 $0xFFFFC000  }
0x49c: {  	[tilespmem:s8], [sflag:$0x1] =	stream.indirect.gather [hbm4b:s6+s7], $0x80, s0, s7, $0xb8;
	[tilespmem:$0x1CC00] =	vst v63  }
0x49d: {  	_ =	swait.ge [sflag:s12], $0x4000  }
0x49e: {  	[sflag:s12] =	ssyncset.done $0x0  }
0x49f: {  	s20 =	simm.s32 $0xF80;
	[sflag:s12] =	ssyncadd.s32 $0xFFFFC000  }
0x4a0: {  	[spmem:s1] =	stream.indirect.scatter.add.f32 [tilespmem:s9], [sflag:$0x3], $0x80, s20, s7, $0xb8;
	[tilespmem:$0x1CC00] =	vst v63  }
0x4a1: {  	_ =	swait.ge [sflag:s4], $0x4000  }
0x4a2: {  	[sflag:s4] =	ssyncset.done $0x0  }
0x4a3: {  	[sflag:s4] =	ssyncadd.s32 $0xFFFFC000  }
0x4a4: {  	_ =	swait.ge [sflag:s10], $0x4000  }
0x4a5: {  	[sflag:s10] =	ssyncset.done $0x0  }
0x4a6: {  	s5 =	rddreg [dreg:$0xb];
	[sflag:s10] =	ssyncadd.s32 $0xFFFFC000  }
0x4a7: {  	[tilespmem:s21], [sflag:$0x3] =	stream.linear.gather [hbm4b:s5+s21], $0x800, $0x38;
	[tilespmem:$0x1CC00] =	vst v63  }
0x4a8: {  	_ =	swait.ge [sflag:s4], $0x800  }
0x4a9: {  	[sflag:s4] =	ssyncset.done $0x0  }
0x4aa: {  	s20 =	rddreg [dreg:$0xc];
	[sflag:s4] =	ssyncadd.s32 $0xFFFFF800  }
0x4ab: {  	[tilespmem:s18], [sflag:$0x3] =	stream.linear.gather [hbm4b:s20+s21], $0x800, $0x38;
	[tilespmem:$0x1CC00] =	vst v63  }
0x4ac: {  	_ =	swait.ge [sflag:s4], $0x800  }
0x4ad: {  	[sflag:s4] =	ssyncset.done $0x0  }
0x4ae: {  	[sflag:s4] =	ssyncadd.s32 $0xFFFFF800  }
0x4af: {  	[tilespmem:s8], [sflag:$0x1] =	stream.indirect.gather [hbm4b:s6+s7], $0x80, s21, s7, $0xb8;
	[tilespmem:$0x1CC00] =	vst v63  }
0x4b0: {  	_ = 	snop  }
0x4b1: {  	[tilespmem:s9], [sflag:$0x2] =	stream.indirect.gather [hbm4b:s6+s7], $0x80, s7, s7, $0xb8;
	[tilespmem:$0x1CC00] =	vst v63  }
0x4b2: {  	_ =	swait.ge [sflag:s10], $0x4000  }
0x4b3: {  	[sflag:s10] =	ssyncset.done $0x0  }
0x4b4: {  	[sflag:s10] =	ssyncadd.s32 $0xFFFFC000  }
0x4b5: {  	[spmem:s1] =	stream.indirect.scatter.add.f32 [tilespmem:s8], [sflag:$0x3], $0x80, s18, s7, $0xb8;
	[tilespmem:$0x1CC00] =	vst v63  }
0x4b6: {  	_ =	swait.ge [sflag:s4], $0x4000  }
0x4b7: {  	[sflag:s4] =	ssyncset.done $0x0  }
0x4b8: {  	s22 =	simm.s32 $0x100;
	[sflag:s4] =	ssyncadd.s32 $0xFFFFC000  }
0x4b9: {  	[tilespmem:s8], [sflag:$0x1] =	stream.indirect.gather [hbm4b:s6+s7], $0x80, s22, s7, $0xb8;
	[tilespmem:$0x1CC00] =	vst v63  }
0x4ba: {  	_ =	swait.ge [sflag:s12], $0x4000  }
0x4bb: {  	[sflag:s12] =	ssyncset.done $0x0  }
0x4bc: {  	s20 =	simm.s32 $0x880;
	[sflag:s12] =	ssyncadd.s32 $0xFFFFC000  }
0x4bd: {  	[spmem:s1] =	stream.indirect.scatter.add.f32 [tilespmem:s9], [sflag:$0x3], $0x80, s20, s7, $0xb8;
	[tilespmem:$0x1CC00] =	vst v63  }
0x4be: {  	_ =	swait.ge [sflag:s4], $0x4000  }
0x4bf: {  	[sflag:s4] =	ssyncset.done $0x0  }
0x4c0: {  	s22 =	simm.s32 $0x180;
	[sflag:s4] =	ssyncadd.s32 $0xFFFFC000  }
0x4c1: {  	[tilespmem:s9], [sflag:$0x2] =	stream.indirect.gather [hbm4b:s6+s7], $0x80, s22, s7, $0xb8;
	[tilespmem:$0x1CC00] =	vst v63  }
0x4c2: {  	_ =	swait.ge [sflag:s10], $0x4000  }
0x4c3: {  	[sflag:s10] =	ssyncset.done $0x0  }
0x4c4: {  	s20 =	simm.s32 $0x900;
	[sflag:s10] =	ssyncadd.s32 $0xFFFFC000  }
0x4c5: {  	[spmem:s1] =	stream.indirect.scatter.add.f32 [tilespmem:s8], [sflag:$0x3], $0x80, s20, s7, $0xb8;
	[tilespmem:$0x1CC00] =	vst v63  }
0x4c6: {  	_ =	swait.ge [sflag:s4], $0x4000  }
0x4c7: {  	[sflag:s4] =	ssyncset.done $0x0  }
0x4c8: {  	s28 =	simm.s32 $0x200;
	[sflag:s4] =	ssyncadd.s32 $0xFFFFC000  }
0x4c9: {  	[tilespmem:s8], [sflag:$0x1] =	stream.indirect.gather [hbm4b:s6+s7], $0x80, s28, s7, $0xb8;
	[tilespmem:$0x1CC00] =	vst v63  }
0x4ca: {  	_ =	swait.ge [sflag:s12], $0x4000  }
0x4cb: {  	[sflag:s12] =	ssyncset.done $0x0  }
0x4cc: {  	s29 =	simm.s32 $0x980;
	[sflag:s12] =	ssyncadd.s32 $0xFFFFC000  }
0x4cd: {  	[spmem:s1] =	stream.indirect.scatter.add.f32 [tilespmem:s9], [sflag:$0x3], $0x80, s29, s7, $0xb8;
	[tilespmem:$0x1CC00] =	vst v63  }
0x4ce: {  	_ =	swait.ge [sflag:s4], $0x4000  }
0x4cf: {  	[sflag:s4] =	ssyncset.done $0x0  }
0x4d0: {  	s30 =	simm.s32 $0x280;
	[sflag:s4] =	ssyncadd.s32 $0xFFFFC000  }
0x4d1: {  	[tilespmem:s9], [sflag:$0x2] =	stream.indirect.gather [hbm4b:s6+s7], $0x80, s30, s7, $0xb8;
	[tilespmem:$0x1CC00] =	vst v63  }
0x4d2: {  	_ =	swait.ge [sflag:s10], $0x4000  }
0x4d3: {  	[sflag:s10] =	ssyncset.done $0x0  }
0x4d4: {  	s31 =	simm.s32 $0xA00;
	[sflag:s10] =	ssyncadd.s32 $0xFFFFC000  }
0x4d5: {  	[spmem:s1] =	stream.indirect.scatter.add.f32 [tilespmem:s8], [sflag:$0x3], $0x80, s31, s7, $0xb8;
	[tilespmem:$0x1CC00] =	vst v63  }
0x4d6: {  	_ =	swait.ge [sflag:s4], $0x4000  }
0x4d7: {  	[sflag:s4] =	ssyncset.done $0x0  }
0x4d8: {  	s2 =	simm.s32 $0x300;
	[sflag:s4] =	ssyncadd.s32 $0xFFFFC000  }
0x4d9: {  	[tilespmem:s8], [sflag:$0x1] =	stream.indirect.gather [hbm4b:s6+s7], $0x80, s2, s7, $0xb8;
	[tilespmem:$0x1CC00] =	vst v63  }
0x4da: {  	_ =	swait.ge [sflag:s12], $0x4000  }
0x4db: {  	[sflag:s12] =	ssyncset.done $0x0  }
0x4dc: {  	s22 =	simm.s32 $0xA80;
	[sflag:s12] =	ssyncadd.s32 $0xFFFFC000  }
0x4dd: {  	[spmem:s1] =	stream.indirect.scatter.add.f32 [tilespmem:s9], [sflag:$0x3], $0x80, s22, s7, $0xb8;
	[tilespmem:$0x1CC00] =	vst v63  }
0x4de: {  	_ =	swait.ge [sflag:s4], $0x4000  }
0x4df: {  	[sflag:s4] =	ssyncset.done $0x0  }
0x4e0: {  	s31 =	simm.s32 $0x380;
	[sflag:s4] =	ssyncadd.s32 $0xFFFFC000  }
0x4e1: {  	[tilespmem:s9], [sflag:$0x2] =	stream.indirect.gather [hbm4b:s6+s7], $0x80, s31, s7, $0xb8;
	[tilespmem:$0x1CC00] =	vst v63  }
0x4e2: {  	_ =	swait.ge [sflag:s10], $0x4000  }
0x4e3: {  	[sflag:s10] =	ssyncset.done $0x0  }
0x4e4: {  	s22 =	simm.s32 $0xB00;
	[sflag:s10] =	ssyncadd.s32 $0xFFFFC000  }
0x4e5: {  	[spmem:s1] =	stream.indirect.scatter.add.f32 [tilespmem:s8], [sflag:$0x3], $0x80, s22, s7, $0xb8;
	[tilespmem:$0x1CC00] =	vst v63  }
0x4e6: {  	_ =	swait.ge [sflag:s4], $0x4000  }
0x4e7: {  	[sflag:s4] =	ssyncset.done $0x0  }
0x4e8: {  	s31 =	simm.s32 $0x400;
	[sflag:s4] =	ssyncadd.s32 $0xFFFFC000  }
0x4e9: {  	[tilespmem:s8], [sflag:$0x1] =	stream.indirect.gather [hbm4b:s6+s7], $0x80, s31, s7, $0xb8;
	[tilespmem:$0x1CC00] =	vst v63  }
0x4ea: {  	_ =	swait.ge [sflag:s12], $0x4000  }
0x4eb: {  	[sflag:s12] =	ssyncset.done $0x0  }
0x4ec: {  	s22 =	simm.s32 $0xB80;
	[sflag:s12] =	ssyncadd.s32 $0xFFFFC000  }
0x4ed: {  	[spmem:s1] =	stream.indirect.scatter.add.f32 [tilespmem:s9], [sflag:$0x3], $0x80, s22, s7, $0xb8;
	[tilespmem:$0x1CC00] =	vst v63  }
0x4ee: {  	_ =	swait.ge [sflag:s4], $0x4000  }
0x4ef: {  	[sflag:s4] =	ssyncset.done $0x0  }
0x4f0: {  	s31 =	simm.s32 $0x480;
	[sflag:s4] =	ssyncadd.s32 $0xFFFFC000  }
0x4f1: {  	[tilespmem:s9], [sflag:$0x2] =	stream.indirect.gather [hbm4b:s6+s7], $0x80, s31, s7, $0xb8;
	[tilespmem:$0x1CC00] =	vst v63  }
0x4f2: {  	_ =	swait.ge [sflag:s10], $0x4000  }
0x4f3: {  	[sflag:s10] =	ssyncset.done $0x0  }
0x4f4: {  	s22 =	simm.s32 $0xC00;
	[sflag:s10] =	ssyncadd.s32 $0xFFFFC000  }
0x4f5: {  	[spmem:s1] =	stream.indirect.scatter.add.f32 [tilespmem:s8], [sflag:$0x3], $0x80, s22, s7, $0xb8;
	[tilespmem:$0x1CC00] =	vst v63  }
0x4f6: {  	_ =	swait.ge [sflag:s4], $0x4000  }
0x4f7: {  	[sflag:s4] =	ssyncset.done $0x0  }
0x4f8: {  	s23 =	simm.s32 $0x500;
	[sflag:s4] =	ssyncadd.s32 $0xFFFFC000  }
0x4f9: {  	[tilespmem:s8], [sflag:$0x1] =	stream.indirect.gather [hbm4b:s6+s7], $0x80, s23, s7, $0xb8;
	[tilespmem:$0x1CC00] =	vst v63  }
0x4fa: {  	_ =	swait.ge [sflag:s12], $0x4000  }
0x4fb: {  	[sflag:s12] =	ssyncset.done $0x0  }
0x4fc: {  	s26 =	simm.s32 $0xC80;
	[sflag:s12] =	ssyncadd.s32 $0xFFFFC000  }
0x4fd: {  	[spmem:s1] =	stream.indirect.scatter.add.f32 [tilespmem:s9], [sflag:$0x3], $0x80, s26, s7, $0xb8;
	[tilespmem:$0x1CC00] =	vst v63  }
0x4fe: {  	_ =	swait.ge [sflag:s4], $0x4000  }
0x4ff: {  	[sflag:s4] =	ssyncset.done $0x0  }
0x500: {  	s23 =	simm.s32 $0x580;
	[sflag:s4] =	ssyncadd.s32 $0xFFFFC000  }
0x501: {  	[tilespmem:s9], [sflag:$0x2] =	stream.indirect.gather [hbm4b:s6+s7], $0x80, s23, s7, $0xb8;
	[tilespmem:$0x1CC00] =	vst v63  }
0x502: {  	_ =	swait.ge [sflag:s10], $0x4000  }
0x503: {  	[sflag:s10] =	ssyncset.done $0x0  }
0x504: {  	s13 =	simm.s32 $0xD00;
	[sflag:s10] =	ssyncadd.s32 $0xFFFFC000  }
0x505: {  	[spmem:s1] =	stream.indirect.scatter.add.f32 [tilespmem:s8], [sflag:$0x3], $0x80, s13, s7, $0xb8;
	[tilespmem:$0x1CC00] =	vst v63  }
0x506: {  	_ =	swait.ge [sflag:s4], $0x4000  }
0x507: {  	[sflag:s4] =	ssyncset.done $0x0  }
0x508: {  	s14 =	simm.s32 $0x600;
	[sflag:s4] =	ssyncadd.s32 $0xFFFFC000  }
0x509: {  	[tilespmem:s8], [sflag:$0x1] =	stream.indirect.gather [hbm4b:s6+s7], $0x80, s14, s7, $0xb8;
	[tilespmem:$0x1CC00] =	vst v63  }
0x50a: {  	_ =	swait.ge [sflag:s12], $0x4000  }
0x50b: {  	[sflag:s12] =	ssyncset.done $0x0  }
0x50c: {  	s15 =	simm.s32 $0xD80;
	[sflag:s12] =	ssyncadd.s32 $0xFFFFC000  }
0x50d: {  	[spmem:s1] =	stream.indirect.scatter.add.f32 [tilespmem:s9], [sflag:$0x3], $0x80, s15, s7, $0xb8;
	[tilespmem:$0x1CC00] =	vst v63  }
0x50e: {  	_ =	swait.ge [sflag:s4], $0x4000  }
0x50f: {  	[sflag:s4] =	ssyncset.done $0x0  }
0x510: {  	s16 =	simm.s32 $0x680;
	[sflag:s4] =	ssyncadd.s32 $0xFFFFC000  }
0x511: {  	[tilespmem:s9], [sflag:$0x2] =	stream.indirect.gather [hbm4b:s6+s7], $0x80, s16, s7, $0xb8;
	[tilespmem:$0x1CC00] =	vst v63  }
0x512: {  	_ =	swait.ge [sflag:s10], $0x4000  }
0x513: {  	[sflag:s10] =	ssyncset.done $0x0  }
0x514: {  	s17 =	simm.s32 $0xE00;
	[sflag:s10] =	ssyncadd.s32 $0xFFFFC000  }
0x515: {  	[spmem:s1] =	stream.indirect.scatter.add.f32 [tilespmem:s8], [sflag:$0x3], $0x80, s17, s7, $0xb8;
	[tilespmem:$0x1CC00] =	vst v63  }
0x516: {  	_ =	swait.ge [sflag:s4], $0x4000  }
0x517: {  	[sflag:s4] =	ssyncset.done $0x0  }
0x518: {  	s19 =	simm.s32 $0x700;
	[sflag:s4] =	ssyncadd.s32 $0xFFFFC000  }
0x519: {  	[tilespmem:s8], [sflag:$0x1] =	stream.indirect.gather [hbm4b:s6+s7], $0x80, s19, s7, $0xb8;
	[tilespmem:$0x1CC00] =	vst v63  }
0x51a: {  	_ =	swait.ge [sflag:s12], $0x4000  }
0x51b: {  	[sflag:s12] =	ssyncset.done $0x0  }
0x51c: {  	s24 =	simm.s32 $0xE80;
	[sflag:s12] =	ssyncadd.s32 $0xFFFFC000  }
0x51d: {  	[spmem:s1] =	stream.indirect.scatter.add.f32 [tilespmem:s9], [sflag:$0x3], $0x80, s24, s7, $0xb8;
	[tilespmem:$0x1CC00] =	vst v63  }
0x51e: {  	_ =	swait.ge [sflag:s4], $0x4000  }
0x51f: {  	[sflag:s4] =	ssyncset.done $0x0  }
0x520: {  	[sflag:s4] =	ssyncadd.s32 $0xFFFFC000  }
0x521: {  	[tilespmem:s9], [sflag:$0x2] =	stream.indirect.gather [hbm4b:s6+s7], $0x80, s0, s7, $0xb8;
	[tilespmem:$0x1CC00] =	vst v63  }
0x522: {  	_ =	swait.ge [sflag:s10], $0x4000  }
0x523: {  	[sflag:s10] =	ssyncset.done $0x0  }
0x524: {  	s25 =	simm.s32 $0xF00;
	[sflag:s10] =	ssyncadd.s32 $0xFFFFC000  }
0x525: {  	[spmem:s1] =	stream.indirect.scatter.add.f32 [tilespmem:s8], [sflag:$0x3], $0x80, s25, s7, $0xb8;
	[tilespmem:$0x1CC00] =	vst v63  }
0x526: {  	_ =	swait.ge [sflag:s4], $0x4000  }
0x527: {  	[sflag:s4] =	ssyncset.done $0x0  }
0x528: {  	[sflag:s4] =	ssyncadd.s32 $0xFFFFC000  }
0x529: {  	[tilespmem:s8], [sflag:$0x1] =	stream.indirect.gather [hbm4b:s6+s7], $0x80, s0, s7, $0xb8;
	[tilespmem:$0x1CC00] =	vst v63  }
0x52a: {  	_ =	swait.ge [sflag:s12], $0x4000  }
0x52b: {  	[sflag:s12] =	ssyncset.done $0x0  }
0x52c: {  	s11 =	simm.s32 $0xF80;
	[sflag:s12] =	ssyncadd.s32 $0xFFFFC000  }
0x52d: {  	[spmem:s1] =	stream.indirect.scatter.add.f32 [tilespmem:s9], [sflag:$0x3], $0x80, s11, s7, $0xb8;
	[tilespmem:$0x1CC00] =	vst v63  }
0x52e: {  	_ =	swait.ge [sflag:s4], $0x4000  }
0x52f: {  	[sflag:s4] =	ssyncset.done $0x0  }
0x530: {  	[sflag:s4] =	ssyncadd.s32 $0xFFFFC000  }
0x531: {  	_ =	swait.ge [sflag:s10], $0x4000  }
0x532: {  	[sflag:s10] =	ssyncset.done $0x0  }
0x533: {  	s25 =	rddreg [dreg:$0xd];
	[sflag:s10] =	ssyncadd.s32 $0xFFFFC000  }
0x534: {  	[tilespmem:s21], [sflag:$0x3] =	stream.linear.gather [hbm4b:s25+s21], $0x800, $0x38;
	[tilespmem:$0x1CC00] =	vst v63  }
0x535: {  	_ =	swait.ge [sflag:s4], $0x800  }
0x536: {  	[sflag:s4] =	ssyncset.done $0x0  }
0x537: {  	s11 =	rddreg [dreg:$0xe];
	[sflag:s4] =	ssyncadd.s32 $0xFFFFF800  }
0x538: {  	[tilespmem:s18], [sflag:$0x3] =	stream.linear.gather [hbm4b:s11+s21], $0x800, $0x38;
	[tilespmem:$0x1CC00] =	vst v63  }
0x539: {  	_ =	swait.ge [sflag:s4], $0x800  }
0x53a: {  	[sflag:s4] =	ssyncset.done $0x0  }
0x53b: {  	[sflag:s4] =	ssyncadd.s32 $0xFFFFF800  }
0x53c: {  	[tilespmem:s8], [sflag:$0x1] =	stream.indirect.gather [hbm4b:s6+s7], $0x80, s21, s7, $0xb8;
	[tilespmem:$0x1CC00] =	vst v63  }
0x53d: {  	_ = 	snop  }
0x53e: {  	[tilespmem:s9], [sflag:$0x2] =	stream.indirect.gather [hbm4b:s6+s7], $0x80, s7, s7, $0xb8;
	[tilespmem:$0x1CC00] =	vst v63  }
0x53f: {  	_ =	swait.ge [sflag:s10], $0x4000  }
0x540: {  	[sflag:s10] =	ssyncset.done $0x0  }
0x541: {  	[sflag:s10] =	ssyncadd.s32 $0xFFFFC000  }
0x542: {  	[spmem:s1] =	stream.indirect.scatter.add.f32 [tilespmem:s8], [sflag:$0x3], $0x80, s18, s7, $0xb8;
	[tilespmem:$0x1CC00] =	vst v63  }
0x543: {  	_ =	swait.ge [sflag:s4], $0x4000  }
0x544: {  	[sflag:s4] =	ssyncset.done $0x0  }
0x545: {  	s22 =	simm.s32 $0x100;
	[sflag:s4] =	ssyncadd.s32 $0xFFFFC000  }
0x546: {  	[tilespmem:s8], [sflag:$0x1] =	stream.indirect.gather [hbm4b:s6+s7], $0x80, s22, s7, $0xb8;
	[tilespmem:$0x1CC00] =	vst v63  }
0x547: {  	_ =	swait.ge [sflag:s12], $0x4000  }
0x548: {  	[sflag:s12] =	ssyncset.done $0x0  }
0x549: {  	s25 =	simm.s32 $0x880;
	[sflag:s12] =	ssyncadd.s32 $0xFFFFC000  }
0x54a: {  	[spmem:s1] =	stream.indirect.scatter.add.f32 [tilespmem:s9], [sflag:$0x3], $0x80, s25, s7, $0xb8;
	[tilespmem:$0x1CC00] =	vst v63  }
0x54b: {  	_ =	swait.ge [sflag:s4], $0x4000  }
0x54c: {  	[sflag:s4] =	ssyncset.done $0x0  }
0x54d: {  	s22 =	simm.s32 $0x180;
	[sflag:s4] =	ssyncadd.s32 $0xFFFFC000  }
0x54e: {  	[tilespmem:s9], [sflag:$0x2] =	stream.indirect.gather [hbm4b:s6+s7], $0x80, s22, s7, $0xb8;
	[tilespmem:$0x1CC00] =	vst v63  }
0x54f: {  	_ =	swait.ge [sflag:s10], $0x4000  }
0x550: {  	[sflag:s10] =	ssyncset.done $0x0  }
0x551: {  	s25 =	simm.s32 $0x900;
	[sflag:s10] =	ssyncadd.s32 $0xFFFFC000  }
0x552: {  	[spmem:s1] =	stream.indirect.scatter.add.f32 [tilespmem:s8], [sflag:$0x3], $0x80, s25, s7, $0xb8;
	[tilespmem:$0x1CC00] =	vst v63  }
0x553: {  	_ =	swait.ge [sflag:s4], $0x4000  }
0x554: {  	[sflag:s4] =	ssyncset.done $0x0  }
0x555: {  	s5 =	simm.s32 $0x200;
	[sflag:s4] =	ssyncadd.s32 $0xFFFFC000  }
0x556: {  	[tilespmem:s8], [sflag:$0x1] =	stream.indirect.gather [hbm4b:s6+s7], $0x80, s5, s7, $0xb8;
	[tilespmem:$0x1CC00] =	vst v63  }
0x557: {  	_ =	swait.ge [sflag:s12], $0x4000  }
0x558: {  	[sflag:s12] =	ssyncset.done $0x0  }
0x559: {  	s28 =	simm.s32 $0x980;
	[sflag:s12] =	ssyncadd.s32 $0xFFFFC000  }
0x55a: {  	[spmem:s1] =	stream.indirect.scatter.add.f32 [tilespmem:s9], [sflag:$0x3], $0x80, s28, s7, $0xb8;
	[tilespmem:$0x1CC00] =	vst v63  }
0x55b: {  	_ =	swait.ge [sflag:s4], $0x4000  }
0x55c: {  	[sflag:s4] =	ssyncset.done $0x0  }
0x55d: {  	s29 =	simm.s32 $0x280;
	[sflag:s4] =	ssyncadd.s32 $0xFFFFC000  }
0x55e: {  	[tilespmem:s9], [sflag:$0x2] =	stream.indirect.gather [hbm4b:s6+s7], $0x80, s29, s7, $0xb8;
	[tilespmem:$0x1CC00] =	vst v63  }
0x55f: {  	_ =	swait.ge [sflag:s10], $0x4000  }
0x560: {  	[sflag:s10] =	ssyncset.done $0x0  }
0x561: {  	s30 =	simm.s32 $0xA00;
	[sflag:s10] =	ssyncadd.s32 $0xFFFFC000  }
0x562: {  	[spmem:s1] =	stream.indirect.scatter.add.f32 [tilespmem:s8], [sflag:$0x3], $0x80, s30, s7, $0xb8;
	[tilespmem:$0x1CC00] =	vst v63  }
0x563: {  	_ =	swait.ge [sflag:s4], $0x4000  }
0x564: {  	[sflag:s4] =	ssyncset.done $0x0  }
0x565: {  	s20 =	simm.s32 $0x300;
	[sflag:s4] =	ssyncadd.s32 $0xFFFFC000  }
0x566: {  	[tilespmem:s8], [sflag:$0x1] =	stream.indirect.gather [hbm4b:s6+s7], $0x80, s20, s7, $0xb8;
	[tilespmem:$0x1CC00] =	vst v63  }
0x567: {  	_ =	swait.ge [sflag:s12], $0x4000  }
0x568: {  	[sflag:s12] =	ssyncset.done $0x0  }
0x569: {  	s29 =	simm.s32 $0xA80;
	[sflag:s12] =	ssyncadd.s32 $0xFFFFC000  }
0x56a: {  	[spmem:s1] =	stream.indirect.scatter.add.f32 [tilespmem:s9], [sflag:$0x3], $0x80, s29, s7, $0xb8;
	[tilespmem:$0x1CC00] =	vst v63  }
0x56b: {  	_ =	swait.ge [sflag:s4], $0x4000  }
0x56c: {  	[sflag:s4] =	ssyncset.done $0x0  }
0x56d: {  	s30 =	simm.s32 $0x380;
	[sflag:s4] =	ssyncadd.s32 $0xFFFFC000  }
0x56e: {  	[tilespmem:s9], [sflag:$0x2] =	stream.indirect.gather [hbm4b:s6+s7], $0x80, s30, s7, $0xb8;
	[tilespmem:$0x1CC00] =	vst v63  }
0x56f: {  	_ =	swait.ge [sflag:s10], $0x4000  }
0x570: {  	[sflag:s10] =	ssyncset.done $0x0  }
0x571: {  	s11 =	simm.s32 $0xB00;
	[sflag:s10] =	ssyncadd.s32 $0xFFFFC000  }
0x572: {  	[spmem:s1] =	stream.indirect.scatter.add.f32 [tilespmem:s8], [sflag:$0x3], $0x80, s11, s7, $0xb8;
	[tilespmem:$0x1CC00] =	vst v63  }
0x573: {  	_ =	swait.ge [sflag:s4], $0x4000  }
0x574: {  	[sflag:s4] =	ssyncset.done $0x0  }
0x575: {  	s20 =	simm.s32 $0x400;
	[sflag:s4] =	ssyncadd.s32 $0xFFFFC000  }
0x576: {  	[tilespmem:s8], [sflag:$0x1] =	stream.indirect.gather [hbm4b:s6+s7], $0x80, s20, s7, $0xb8;
	[tilespmem:$0x1CC00] =	vst v63  }
0x577: {  	_ =	swait.ge [sflag:s12], $0x4000  }
0x578: {  	[sflag:s12] =	ssyncset.done $0x0  }
0x579: {  	s22 =	simm.s32 $0xB80;
	[sflag:s12] =	ssyncadd.s32 $0xFFFFC000  }
0x57a: {  	[spmem:s1] =	stream.indirect.scatter.add.f32 [tilespmem:s9], [sflag:$0x3], $0x80, s22, s7, $0xb8;
	[tilespmem:$0x1CC00] =	vst v63  }
0x57b: {  	_ =	swait.ge [sflag:s4], $0x4000  }
0x57c: {  	[sflag:s4] =	ssyncset.done $0x0  }
0x57d: {  	s25 =	simm.s32 $0x480;
	[sflag:s4] =	ssyncadd.s32 $0xFFFFC000  }
0x57e: {  	[tilespmem:s9], [sflag:$0x2] =	stream.indirect.gather [hbm4b:s6+s7], $0x80, s25, s7, $0xb8;
	[tilespmem:$0x1CC00] =	vst v63  }
0x57f: {  	_ =	swait.ge [sflag:s10], $0x4000  }
0x580: {  	[sflag:s10] =	ssyncset.done $0x0  }
0x581: {  	s28 =	simm.s32 $0xC00;
	[sflag:s10] =	ssyncadd.s32 $0xFFFFC000  }
0x582: {  	[spmem:s1] =	stream.indirect.scatter.add.f32 [tilespmem:s8], [sflag:$0x3], $0x80, s28, s7, $0xb8;
	[tilespmem:$0x1CC00] =	vst v63  }
0x583: {  	_ =	swait.ge [sflag:s4], $0x4000  }
0x584: {  	[sflag:s4] =	ssyncset.done $0x0  }
0x585: {  	s2 =	simm.s32 $0x500;
	[sflag:s4] =	ssyncadd.s32 $0xFFFFC000  }
0x586: {  	[tilespmem:s8], [sflag:$0x1] =	stream.indirect.gather [hbm4b:s6+s7], $0x80, s2, s7, $0xb8;
	[tilespmem:$0x1CC00] =	vst v63  }
0x587: {  	_ =	swait.ge [sflag:s12], $0x4000  }
0x588: {  	[sflag:s12] =	ssyncset.done $0x0  }
0x589: {  	s26 =	simm.s32 $0xC80;
	[sflag:s12] =	ssyncadd.s32 $0xFFFFC000  }
0x58a: {  	[spmem:s1] =	stream.indirect.scatter.add.f32 [tilespmem:s9], [sflag:$0x3], $0x80, s26, s7, $0xb8;
	[tilespmem:$0x1CC00] =	vst v63  }
0x58b: {  	_ =	swait.ge [sflag:s4], $0x4000  }
0x58c: {  	[sflag:s4] =	ssyncset.done $0x0  }
0x58d: {  	s29 =	simm.s32 $0x580;
	[sflag:s4] =	ssyncadd.s32 $0xFFFFC000  }
0x58e: {  	[tilespmem:s9], [sflag:$0x2] =	stream.indirect.gather [hbm4b:s6+s7], $0x80, s29, s7, $0xb8;
	[tilespmem:$0x1CC00] =	vst v63  }
0x58f: {  	_ =	swait.ge [sflag:s10], $0x4000  }
0x590: {  	[sflag:s10] =	ssyncset.done $0x0  }
0x591: {  	s31 =	simm.s32 $0xD00;
	[sflag:s10] =	ssyncadd.s32 $0xFFFFC000  }
0x592: {  	[spmem:s1] =	stream.indirect.scatter.add.f32 [tilespmem:s8], [sflag:$0x3], $0x80, s31, s7, $0xb8;
	[tilespmem:$0x1CC00] =	vst v63  }
0x593: {  	_ =	swait.ge [sflag:s4], $0x4000  }
0x594: {  	[sflag:s4] =	ssyncset.done $0x0  }
0x595: {  	s13 =	simm.s32 $0x600;
	[sflag:s4] =	ssyncadd.s32 $0xFFFFC000  }
0x596: {  	[tilespmem:s8], [sflag:$0x1] =	stream.indirect.gather [hbm4b:s6+s7], $0x80, s13, s7, $0xb8;
	[tilespmem:$0x1CC00] =	vst v63  }
0x597: {  	_ =	swait.ge [sflag:s12], $0x4000  }
0x598: {  	[sflag:s12] =	ssyncset.done $0x0  }
0x599: {  	s14 =	simm.s32 $0xD80;
	[sflag:s12] =	ssyncadd.s32 $0xFFFFC000  }
0x59a: {  	[spmem:s1] =	stream.indirect.scatter.add.f32 [tilespmem:s9], [sflag:$0x3], $0x80, s14, s7, $0xb8;
	[tilespmem:$0x1CC00] =	vst v63  }
0x59b: {  	_ =	swait.ge [sflag:s4], $0x4000  }
0x59c: {  	[sflag:s4] =	ssyncset.done $0x0  }
0x59d: {  	s15 =	simm.s32 $0x680;
	[sflag:s4] =	ssyncadd.s32 $0xFFFFC000  }
0x59e: {  	[tilespmem:s9], [sflag:$0x2] =	stream.indirect.gather [hbm4b:s6+s7], $0x80, s15, s7, $0xb8;
	[tilespmem:$0x1CC00] =	vst v63  }
0x59f: {  	_ =	swait.ge [sflag:s10], $0x4000  }
0x5a0: {  	[sflag:s10] =	ssyncset.done $0x0  }
0x5a1: {  	s16 =	simm.s32 $0xE00;
	[sflag:s10] =	ssyncadd.s32 $0xFFFFC000  }
0x5a2: {  	[spmem:s1] =	stream.indirect.scatter.add.f32 [tilespmem:s8], [sflag:$0x3], $0x80, s16, s7, $0xb8;
	[tilespmem:$0x1CC00] =	vst v63  }
0x5a3: {  	_ =	swait.ge [sflag:s4], $0x4000  }
0x5a4: {  	[sflag:s4] =	ssyncset.done $0x0  }
0x5a5: {  	s17 =	simm.s32 $0x700;
	[sflag:s4] =	ssyncadd.s32 $0xFFFFC000  }
0x5a6: {  	[tilespmem:s8], [sflag:$0x1] =	stream.indirect.gather [hbm4b:s6+s7], $0x80, s17, s7, $0xb8;
	[tilespmem:$0x1CC00] =	vst v63  }
0x5a7: {  	_ =	swait.ge [sflag:s12], $0x4000  }
0x5a8: {  	[sflag:s12] =	ssyncset.done $0x0  }
0x5a9: {  	s19 =	simm.s32 $0xE80;
	[sflag:s12] =	ssyncadd.s32 $0xFFFFC000  }
0x5aa: {  	[spmem:s1] =	stream.indirect.scatter.add.f32 [tilespmem:s9], [sflag:$0x3], $0x80, s19, s7, $0xb8;
	[tilespmem:$0x1CC00] =	vst v63  }
0x5ab: {  	_ =	swait.ge [sflag:s4], $0x4000  }
0x5ac: {  	[sflag:s4] =	ssyncset.done $0x0  }
0x5ad: {  	[sflag:s4] =	ssyncadd.s32 $0xFFFFC000  }
0x5ae: {  	[tilespmem:s9], [sflag:$0x2] =	stream.indirect.gather [hbm4b:s6+s7], $0x80, s0, s7, $0xb8;
	[tilespmem:$0x1CC00] =	vst v63  }
0x5af: {  	_ =	swait.ge [sflag:s10], $0x4000  }
0x5b0: {  	[sflag:s10] =	ssyncset.done $0x0  }
0x5b1: {  	s24 =	simm.s32 $0xF00;
	[sflag:s10] =	ssyncadd.s32 $0xFFFFC000  }
0x5b2: {  	[spmem:s1] =	stream.indirect.scatter.add.f32 [tilespmem:s8], [sflag:$0x3], $0x80, s24, s7, $0xb8;
	[tilespmem:$0x1CC00] =	vst v63  }
0x5b3: {  	_ =	swait.ge [sflag:s4], $0x4000  }
0x5b4: {  	[sflag:s4] =	ssyncset.done $0x0  }
0x5b5: {  	[sflag:s4] =	ssyncadd.s32 $0xFFFFC000  }
0x5b6: {  	[tilespmem:s8], [sflag:$0x1] =	stream.indirect.gather [hbm4b:s6+s7], $0x80, s0, s7, $0xb8;
	[tilespmem:$0x1CC00] =	vst v63  }
0x5b7: {  	_ =	swait.ge [sflag:s12], $0x4000  }
0x5b8: {  	[sflag:s12] =	ssyncset.done $0x0  }
0x5b9: {  	s23 =	simm.s32 $0xF80;
	[sflag:s12] =	ssyncadd.s32 $0xFFFFC000  }
0x5ba: {  	[spmem:s1] =	stream.indirect.scatter.add.f32 [tilespmem:s9], [sflag:$0x3], $0x80, s23, s7, $0xb8;
	[tilespmem:$0x1CC00] =	vst v63  }
0x5bb: {  	_ =	swait.ge [sflag:s4], $0x4000  }
0x5bc: {  	[sflag:s4] =	ssyncset.done $0x0  }
0x5bd: {  	[sflag:s4] =	ssyncadd.s32 $0xFFFFC000  }
0x5be: {  	_ =	swait.ge [sflag:s10], $0x4000  }
0x5bf: {  	[sflag:s10] =	ssyncset.done $0x0  }
0x5c0: {  	[sflag:s10] =	ssyncadd.s32 $0xFFFFC000  }
0x5c1: {  	[bflag:$0x0] =	sbarrier.arrive $0xFFFF  }
0x5c2: {  	s30 =	rddreg [dreg:$0x12]  }
0x5c3: {  	s3 =	sadd.s32 $0xFFFFFFFF, s3;
	s31 =	rddreg [dreg:$0xf]  }
0x5c4: {  	p1 =	sne.s32 s3, $0x0;
	s2 =	rddreg [dreg:$0x14]  }
0x5c5: {  	[hbm:s31], [sflag:s2] =	dma.local [spmem:s30], $0x2700  }
.Ltmp1:
0x5c6: {  	_ =	swait.ge [sflag:s4], $0x2700;
	(pc) =	sbr.rel @p1 .LBB2_2-.Ltmp1, $4  }
0x5c7: {  	[sflag:s4] =	ssyncset.done $0x0;
	s22 =	rddreg [dreg:$0x10]  }
0x5c8: {  	s0 =	simm.s32 @!p0 $0x3;
	s23 =	rddreg [dreg:$0x13];
	[sflag:s4] =	ssyncadd.s32 $0xFFFFD900  }
0x5c9: {  	[hbm:s22], [sflag:s2] =	dma.local @!p0 [spmem:s23], $0x100  }
0x5ca: {  	_ =	swait.ge @!p0 [sflag:s0], $0x100  }
.LBB2_3:
0x5cb: {  	[sflag:s0] =	ssyncset.done @!p0 $0x0  }
0x5cc: {  	[sflag:s0] =	ssyncadd.s32 @!p0 $0xFFFFFF00  }
0x5cd: {  	_ =	sfence.sel $0x180000  }
0x5ce: {  	[bflag:$0x0] =	sbarrier.arrive $0xFFFF  }
0x5cf: {  	_ =	strace $0x9000004A  }
0x5d0: {  	[bflag:$0x2] =	sbarrier.arrive $0xFFFF  }
0x5d1: {  	s0 =	rddreg [dreg:$0x3]  }
0x5d2: {  	s0 =	sadd.s32 @!p0 $0x100000, s0  }
0x5d3: {  	[sflag:s0] =	ssyncadd.tile.s32 @!p0 $0x1;
	_ =	shalt  }
.Lfunc_end2:
_tile_overlayer_lowered:
.L_overlay_start_2:
0x5d4: {  	(tag) =	ssettag $0x2  }
0x5d5: {  	s0 =	rddreg [dreg:$0x0];
	s2 =	stileid.u32  }
0x5d6: {  	s1 =	rddreg [dreg:$0x1];
	p0 =	sne.s32 s2, $0x0  }
0x5d7: {  	s3 =	rddreg [dreg:$0x2];
	[bflag:$0x3] =	sbarrier.arrive $0xFFFF;
	s2 =	simm.s32 @!p0 $0x1C03  }
0x5d8: {  	[timem:s3], [sflag:s2] =	dma.local @!p0 [hbm:s0], s1  }
0x5d9: {  	s0 =	simm.s32 @!p0 $0x3  }
0x5da: {  	_ =	swait.ge @!p0 [sflag:s0], s1  }
0x5db: {  	s1 =	ssub.s32 @!p0 $0x0, s1;
	[sflag:s0] =	ssyncset.done @!p0 $0x0  }
0x5dc: {  	[sflag:s0] =	ssyncadd.s32 @!p0 s1  }
0x5dd: {  	[bflag:$0x3] =	sbarrier.arrive $0xFFFF  }
0x5de: {  	_ =	shalt  }

</sc_bundles>
